<compile_context>
chip_gen: v7x
topology: tpu7x:2x2x1
jax: 0.10.2.dev20260603
libtpu: 0.0.44.dev20260713+nightly
codegen_flags: <defaults>
</compile_context>

<pallas_src>
import functools

import jax
import jax.numpy as jnp
from jax import lax
from jax.experimental import pallas as pl
from jax.experimental.pallas import tpu as pltpu
from jax.experimental.pallas import tpu_sc as plsc

_N = 8192
_D = 1000
_K = 8
_INV_TEMP = 0.5
_BLOCK_ROWS = 512

_NW = 32
_RPW = _N // _NW
_CH = 32
_NCH = _RPW // _CH


def _topk_sel_kernel(cls_ref, col_ref, coef_ref):
    x = cls_ref[:]
    m = jnp.max(x, axis=-1, keepdims=True)
    ew = jnp.exp((x - m) * _INV_TEMP)
    s = jnp.sum(ew, axis=-1, keepdims=True)
    ckey = (
        _D - jax.lax.broadcasted_iota(jnp.int32, ew.shape, 1)
    ).astype(jnp.float32)
    v = jnp.ones_like(s)
    wks, coefs = [], []
    for i in range(_K):
        wk = jnp.max(jnp.where(ew >= v, ckey, 0.0), axis=-1, keepdims=True)
        wks.append(wk)
        coefs.append(v / s)
        s = s - v
        if i < _K - 1:
            ew = jnp.where(ckey == wk, 0.0, ew)
            v = jnp.max(ew, axis=-1, keepdims=True)
    col_ref[:] = (_D - jnp.concatenate(wks, axis=1)).astype(jnp.int32)
    coef_ref[:] = jnp.concatenate(coefs, axis=1)


@functools.partial(
    pl.kernel,
    out_type=jax.ShapeDtypeStruct((_N * _D,), jnp.float32),
    mesh=plsc.VectorSubcoreMesh(core_axis_name="c", subcore_axis_name="s"),
    scratch_types=[
        pltpu.VMEM((_CH * _D,), jnp.float32),
        pltpu.VMEM((_CH * _K,), jnp.int32),
        pltpu.VMEM((_CH * _K,), jnp.float32),
        pltpu.VMEM((_CH * _K,), jnp.int32),
        pltpu.VMEM((_CH * _K,), jnp.float32),
        pltpu.VMEM_SHARED((16 * _CH * _D,), jnp.float32),
    ],
)
def _scatter_sc(cols_hbm, coefs_hbm, out_hbm, buf, idxb, coefb, posb, zb,
                shared):
    sid = lax.axis_index("s")
    wid = sid * 2 + lax.axis_index("c")
    base_row = wid * _RPW
    sbase = sid * (_CH * _D)
    zero16 = jnp.zeros((16,), jnp.float32)

    def zbody(i, carry):
        buf[pl.ds(i * 16, 16)] = zero16
        return carry

    lax.fori_loop(0, _CH * _D // 16, zbody, None)
    for j in range(_CH * _K // 16):
        zb[pl.ds(j * 16, 16)] = zero16
    pltpu.sync_copy(buf, shared.at[pl.ds(sbase, _CH * _D)])

    lane = lax.iota(jnp.int32, 16)
    rowsel = lax.shift_right_logical(lane, 3) * _D
    for k in range(_NCH):
        r0 = base_row + k * _CH
        pltpu.sync_copy(cols_hbm.at[pl.ds(r0 * _K, _CH * _K)], idxb)
        pltpu.sync_copy(coefs_hbm.at[pl.ds(r0 * _K, _CH * _K)], coefb)
        for j in range(_CH * _K // 16):
            posb[pl.ds(j * 16, 16)] = (
                idxb[pl.ds(j * 16, 16)] + rowsel + (2 * j) * _D + sbase
            )
        pltpu.sync_copy(coefb, shared.at[posb])
        pltpu.sync_copy(
            shared.at[pl.ds(sbase, _CH * _D)],
            out_hbm.at[pl.ds(r0 * _D, _CH * _D)],
        )
        pltpu.sync_copy(zb, shared.at[posb])


def kernel(normu, cls):
    cols, coefs = pl.pallas_call(
        _topk_sel_kernel,
        grid=(_N // _BLOCK_ROWS,),
        in_specs=[pl.BlockSpec((_BLOCK_ROWS, _D), lambda i: (i, 0))],
        out_specs=[
            pl.BlockSpec((_BLOCK_ROWS, _K), lambda i: (i, 0)),
            pl.BlockSpec((_BLOCK_ROWS, _K), lambda i: (i, 0)),
        ],
        out_shape=[
            jax.ShapeDtypeStruct((_N, _K), jnp.int32),
            jax.ShapeDtypeStruct((_N, _K), jnp.float32),
        ],
    )(cls)
    classes = _scatter_sc(cols.reshape(-1), coefs.reshape(-1))
    return (normu, classes.reshape(_N, _D))

# --- scband reference (transcript-rebuilt; emitter-appended) ---
"""Pipeline reference for scband-latents-65644280152987 (READ-ONLY COPY).

The authoritative reference and input builder live on the scoring server;
editing this copy changes nothing except your own understanding.
"""

import jax, jax.numpy as jnp
import numpy as np

NUM_LATENTS = 8192
MAX_CLASSES = 8
CLASS_TEMPERATURE = 2.0


def differentiable_topk(x, k, temperature=1.0):
    n, dim = x.shape
    rows = jnp.arange(n)[:, None]
    topk_tensors = []
    for i in range(k):
        is_last = i == (k - 1)
        probs = jax.nn.softmax(x / temperature, axis=-1)
        values, indices = jax.lax.top_k(probs, 1)
        topks = jnp.zeros_like(x).at[rows, indices].set(values)
        topk_tensors.append(topks)
        if not is_last:
            x = x.at[rows, indices].set(-jnp.inf)
    topks = jnp.concatenate(topk_tensors, axis=-1)
    return topks.reshape(n, k, dim).sum(axis=1)


def setup_inputs(seed: int = 0) -> dict:
    key = jax.random.key(seed)
    k1, k2 = jax.random.split(key)
    # learned parameters sized per init_kwargs, matching torch init distributions
    normu = jax.random.normal(k1, (NUM_LATENTS, 128), dtype=jnp.float32)  # std=1
    cls = jax.random.normal(k2, (NUM_LATENTS, 1000), dtype=jnp.float32) * 0.3 - 3.9  # mean=-3.9, std=0.3
    return {"normu": normu, "cls": cls}


def reference(normu, cls):
    # max_classes is set (8), so the differentiable_topk branch is taken
    classes = differentiable_topk(cls, MAX_CLASSES, temperature=CLASS_TEMPERATURE)
    return (normu, classes)

if __name__ == "__main__":
    import jax
    _d = setup_inputs()
    print(jax.jit(kernel)(*tuple(_d.values())))

</pallas_src>

<mosaic_0001>
#map = affine_map<(d0, d1) -> (0)>
module attributes {stable_mosaic.version = 14 : i64} {
  func.func @_scatter_sc(%arg0: i32, %arg1: i32, %arg2: memref<65536xi32, #tpu.memory_space<hbm>>, %arg3: memref<65536xf32, #tpu.memory_space<hbm>>, %arg4: memref<8192000xf32, #tpu.memory_space<hbm>>, %arg5: memref<32000xf32, #tpu.memory_space<vmem>>, %arg6: memref<256xi32, #tpu.memory_space<vmem>>, %arg7: memref<256xf32, #tpu.memory_space<vmem>>, %arg8: memref<256xi32, #tpu.memory_space<vmem>>, %arg9: memref<256xf32, #tpu.memory_space<vmem>>, %arg10: memref<512000xf32, #tpu.memory_space<vmem_shared>>) attributes {dimension_semantics = [#tpu.dimension_semantics<core_parallel>, #tpu.dimension_semantics<subcore_parallel>], iteration_bounds = array<i64: 2, 16>, scalar_prefetch = 0 : i64, scratch_operands = 6 : i64, tpu.core_type = #tpu.core_type<sc_vector_subcore>, window_params = [{transform_indices = #map}, {transform_indices = #map}, {transform_indices = #map}]} {
    %mul3A = arith.constant 2 : i32
    %mul3A_0 = arith.muli %arg1, %mul3A : i32
    %add3A = arith.addi %mul3A_0, %arg0 : i32
    %mul3A_1 = arith.constant 256 : i32
    %mul3A_2 = arith.muli %add3A, %mul3A_1 : i32
    %mul3A_3 = arith.constant 32000 : i32
    %mul3A_4 = arith.muli %arg1, %mul3A_3 : i32
    %broadcast_in_dim3A = arith.constant 0.000000e+00 : f32
    %broadcast_in_dim3A_5 = vector.broadcast %broadcast_in_dim3A : f32 to vector<16xf32>
    %scan3A = arith.constant 0 : i32
    %scan3A_6 = arith.constant 2000 : i32
    %scan3A_7 = arith.addi %scan3A, %scan3A_6 : i32
    %scan3A_8 = arith.constant 1 : i32
    scf.for %scan3A_1805 = %scan3A to %scan3A_7 step %scan3A_8  : i32 {
      %mul3A_1806 = arith.constant 16 : i32
      %mul3A_1807 = arith.muli %scan3A_1805, %mul3A_1806 : i32
      %swap3A_1808 = arith.index_cast %mul3A_1807 : i32 to index
      %swap3A_1809 = tpu.vector_load %arg5[%swap3A_1808] {strides = array<i32>} : memref<32000xf32, #tpu.memory_space<vmem>>, vector<16xf32>,
      %swap3A_1810 = vector.shape_cast %swap3A_1809 : vector<16xf32> to vector<16xf32>
      %swap3A_1811 = vector.shape_cast %broadcast_in_dim3A_5 : vector<16xf32> to vector<16xf32>
      tpu.vector_store %arg5[%swap3A_1808], %swap3A_1811 {strides = array<i32>} : memref<32000xf32, #tpu.memory_space<vmem>>, vector<16xf32>,
    }
    %scan3A_9 = arith.constant 2000 : i32
    %swap3A = arith.constant 0 : index
    %swap3A_10 = tpu.vector_load %arg9[%swap3A] {strides = array<i32>} : memref<256xf32, #tpu.memory_space<vmem>>, vector<16xf32>,
    %swap3A_11 = vector.shape_cast %swap3A_10 : vector<16xf32> to vector<16xf32>
    %swap3A_12 = vector.shape_cast %broadcast_in_dim3A_5 : vector<16xf32> to vector<16xf32>
    tpu.vector_store %arg9[%swap3A], %swap3A_12 {strides = array<i32>} : memref<256xf32, #tpu.memory_space<vmem>>, vector<16xf32>,
    %swap3A_13 = arith.constant 16 : index
    %swap3A_14 = tpu.vector_load %arg9[%swap3A_13] {strides = array<i32>} : memref<256xf32, #tpu.memory_space<vmem>>, vector<16xf32>,
    %swap3A_15 = vector.shape_cast %swap3A_14 : vector<16xf32> to vector<16xf32>
    %swap3A_16 = vector.shape_cast %broadcast_in_dim3A_5 : vector<16xf32> to vector<16xf32>
    tpu.vector_store %arg9[%swap3A_13], %swap3A_16 {strides = array<i32>} : memref<256xf32, #tpu.memory_space<vmem>>, vector<16xf32>,
    %swap3A_17 = arith.constant 32 : index
    %swap3A_18 = tpu.vector_load %arg9[%swap3A_17] {strides = array<i32>} : memref<256xf32, #tpu.memory_space<vmem>>, vector<16xf32>,
    %swap3A_19 = vector.shape_cast %swap3A_18 : vector<16xf32> to vector<16xf32>
    %swap3A_20 = vector.shape_cast %broadcast_in_dim3A_5 : vector<16xf32> to vector<16xf32>
    tpu.vector_store %arg9[%swap3A_17], %swap3A_20 {strides = array<i32>} : memref<256xf32, #tpu.memory_space<vmem>>, vector<16xf32>,
    %swap3A_21 = arith.constant 48 : index
    %swap3A_22 = tpu.vector_load %arg9[%swap3A_21] {strides = array<i32>} : memref<256xf32, #tpu.memory_space<vmem>>, vector<16xf32>,
    %swap3A_23 = vector.shape_cast %swap3A_22 : vector<16xf32> to vector<16xf32>
    %swap3A_24 = vector.shape_cast %broadcast_in_dim3A_5 : vector<16xf32> to vector<16xf32>
    tpu.vector_store %arg9[%swap3A_21], %swap3A_24 {strides = array<i32>} : memref<256xf32, #tpu.memory_space<vmem>>, vector<16xf32>,
    %swap3A_25 = arith.constant 64 : index
    %swap3A_26 = tpu.vector_load %arg9[%swap3A_25] {strides = array<i32>} : memref<256xf32, #tpu.memory_space<vmem>>, vector<16xf32>,
    %swap3A_27 = vector.shape_cast %swap3A_26 : vector<16xf32> to vector<16xf32>
    %swap3A_28 = vector.shape_cast %broadcast_in_dim3A_5 : vector<16xf32> to vector<16xf32>
    tpu.vector_store %arg9[%swap3A_25], %swap3A_28 {strides = array<i32>} : memref<256xf32, #tpu.memory_space<vmem>>, vector<16xf32>,
    %swap3A_29 = arith.constant 80 : index
    %swap3A_30 = tpu.vector_load %arg9[%swap3A_29] {strides = array<i32>} : memref<256xf32, #tpu.memory_space<vmem>>, vector<16xf32>,
    %swap3A_31 = vector.shape_cast %swap3A_30 : vector<16xf32> to vector<16xf32>
    %swap3A_32 = vector.shape_cast %broadcast_in_dim3A_5 : vector<16xf32> to vector<16xf32>
    tpu.vector_store %arg9[%swap3A_29], %swap3A_32 {strides = array<i32>} : memref<256xf32, #tpu.memory_space<vmem>>, vector<16xf32>,
    %swap3A_33 = arith.constant 96 : index
    %swap3A_34 = tpu.vector_load %arg9[%swap3A_33] {strides = array<i32>} : memref<256xf32, #tpu.memory_space<vmem>>, vector<16xf32>,
    %swap3A_35 = vector.shape_cast %swap3A_34 : vector<16xf32> to vector<16xf32>
    %swap3A_36 = vector.shape_cast %broadcast_in_dim3A_5 : vector<16xf32> to vector<16xf32>
    tpu.vector_store %arg9[%swap3A_33], %swap3A_36 {strides = array<i32>} : memref<256xf32, #tpu.memory_space<vmem>>, vector<16xf32>,
    %swap3A_37 = arith.constant 112 : index
    %swap3A_38 = tpu.vector_load %arg9[%swap3A_37] {strides = array<i32>} : memref<256xf32, #tpu.memory_space<vmem>>, vector<16xf32>,
    %swap3A_39 = vector.shape_cast %swap3A_38 : vector<16xf32> to vector<16xf32>
    %swap3A_40 = vector.shape_cast %broadcast_in_dim3A_5 : vector<16xf32> to vector<16xf32>
    tpu.vector_store %arg9[%swap3A_37], %swap3A_40 {strides = array<i32>} : memref<256xf32, #tpu.memory_space<vmem>>, vector<16xf32>,
    %swap3A_41 = arith.constant 128 : index
    %swap3A_42 = tpu.vector_load %arg9[%swap3A_41] {strides = array<i32>} : memref<256xf32, #tpu.memory_space<vmem>>, vector<16xf32>,
    %swap3A_43 = vector.shape_cast %swap3A_42 : vector<16xf32> to vector<16xf32>
    %swap3A_44 = vector.shape_cast %broadcast_in_dim3A_5 : vector<16xf32> to vector<16xf32>
    tpu.vector_store %arg9[%swap3A_41], %swap3A_44 {strides = array<i32>} : memref<256xf32, #tpu.memory_space<vmem>>, vector<16xf32>,
    %swap3A_45 = arith.constant 144 : index
    %swap3A_46 = tpu.vector_load %arg9[%swap3A_45] {strides = array<i32>} : memref<256xf32, #tpu.memory_space<vmem>>, vector<16xf32>,
    %swap3A_47 = vector.shape_cast %swap3A_46 : vector<16xf32> to vector<16xf32>
    %swap3A_48 = vector.shape_cast %broadcast_in_dim3A_5 : vector<16xf32> to vector<16xf32>
    tpu.vector_store %arg9[%swap3A_45], %swap3A_48 {strides = array<i32>} : memref<256xf32, #tpu.memory_space<vmem>>, vector<16xf32>,
    %swap3A_49 = arith.constant 160 : index
    %swap3A_50 = tpu.vector_load %arg9[%swap3A_49] {strides = array<i32>} : memref<256xf32, #tpu.memory_space<vmem>>, vector<16xf32>,
    %swap3A_51 = vector.shape_cast %swap3A_50 : vector<16xf32> to vector<16xf32>
    %swap3A_52 = vector.shape_cast %broadcast_in_dim3A_5 : vector<16xf32> to vector<16xf32>
    tpu.vector_store %arg9[%swap3A_49], %swap3A_52 {strides = array<i32>} : memref<256xf32, #tpu.memory_space<vmem>>, vector<16xf32>,
    %swap3A_53 = arith.constant 176 : index
    %swap3A_54 = tpu.vector_load %arg9[%swap3A_53] {strides = array<i32>} : memref<256xf32, #tpu.memory_space<vmem>>, vector<16xf32>,
    %swap3A_55 = vector.shape_cast %swap3A_54 : vector<16xf32> to vector<16xf32>
    %swap3A_56 = vector.shape_cast %broadcast_in_dim3A_5 : vector<16xf32> to vector<16xf32>
    tpu.vector_store %arg9[%swap3A_53], %swap3A_56 {strides = array<i32>} : memref<256xf32, #tpu.memory_space<vmem>>, vector<16xf32>,
    %swap3A_57 = arith.constant 192 : index
    %swap3A_58 = tpu.vector_load %arg9[%swap3A_57] {strides = array<i32>} : memref<256xf32, #tpu.memory_space<vmem>>, vector<16xf32>,
    %swap3A_59 = vector.shape_cast %swap3A_58 : vector<16xf32> to vector<16xf32>
    %swap3A_60 = vector.shape_cast %broadcast_in_dim3A_5 : vector<16xf32> to vector<16xf32>
    tpu.vector_store %arg9[%swap3A_57], %swap3A_60 {strides = array<i32>} : memref<256xf32, #tpu.memory_space<vmem>>, vector<16xf32>,
    %swap3A_61 = arith.constant 208 : index
    %swap3A_62 = tpu.vector_load %arg9[%swap3A_61] {strides = array<i32>} : memref<256xf32, #tpu.memory_space<vmem>>, vector<16xf32>,
    %swap3A_63 = vector.shape_cast %swap3A_62 : vector<16xf32> to vector<16xf32>
    %swap3A_64 = vector.shape_cast %broadcast_in_dim3A_5 : vector<16xf32> to vector<16xf32>
    tpu.vector_store %arg9[%swap3A_61], %swap3A_64 {strides = array<i32>} : memref<256xf32, #tpu.memory_space<vmem>>, vector<16xf32>,
    %swap3A_65 = arith.constant 224 : index
    %swap3A_66 = tpu.vector_load %arg9[%swap3A_65] {strides = array<i32>} : memref<256xf32, #tpu.memory_space<vmem>>, vector<16xf32>,
    %swap3A_67 = vector.shape_cast %swap3A_66 : vector<16xf32> to vector<16xf32>
    %swap3A_68 = vector.shape_cast %broadcast_in_dim3A_5 : vector<16xf32> to vector<16xf32>
    tpu.vector_store %arg9[%swap3A_65], %swap3A_68 {strides = array<i32>} : memref<256xf32, #tpu.memory_space<vmem>>, vector<16xf32>,
    %swap3A_69 = arith.constant 240 : index
    %swap3A_70 = tpu.vector_load %arg9[%swap3A_69] {strides = array<i32>} : memref<256xf32, #tpu.memory_space<vmem>>, vector<16xf32>,
    %swap3A_71 = vector.shape_cast %swap3A_70 : vector<16xf32> to vector<16xf32>
    %swap3A_72 = vector.shape_cast %broadcast_in_dim3A_5 : vector<16xf32> to vector<16xf32>
    tpu.vector_store %arg9[%swap3A_69], %swap3A_72 {strides = array<i32>} : memref<256xf32, #tpu.memory_space<vmem>>, vector<16xf32>,
    "tpu.region"() ({
      %run_scoped3A = tpu.sem_alloc : memref<!tpu.dma_semaphore, #tpu.memory_space<semaphore_mem>>
      %dma_start3A = tpu.memref_slice %arg10[%mul3A_4] : memref<512000xf32, #tpu.memory_space<vmem_shared>> -> memref<32000xf32, #tpu.memory_space<vmem_shared>>
      %dma_start3A_1805 = tpu.memref_slice %arg10[%mul3A_4] : memref<512000xf32, #tpu.memory_space<vmem_shared>> -> memref<32000xf32, #tpu.memory_space<vmem_shared>>
      tpu.enqueue_dma source(%arg5 : memref<32000xf32, #tpu.memory_space<vmem>>) target(%dma_start3A_1805 : memref<32000xf32, #tpu.memory_space<vmem_shared>>) target_semaphore(%run_scoped3A : memref<!tpu.dma_semaphore, #tpu.memory_space<semaphore_mem>>)
      %dma_wait3A = tpu.memref_slice %arg10[%mul3A_4] : memref<512000xf32, #tpu.memory_space<vmem_shared>> -> memref<32000xf32, #tpu.memory_space<vmem_shared>>
      %dma_wait3A_1806 = tpu.memref_slice %arg10[%mul3A_4] : memref<512000xf32, #tpu.memory_space<vmem_shared>> -> memref<32000xf32, #tpu.memory_space<vmem_shared>>
      tpu.wait_dma2 semaphore(%run_scoped3A : memref<!tpu.dma_semaphore, #tpu.memory_space<semaphore_mem>>) src(%arg5 : memref<32000xf32, #tpu.memory_space<vmem>>) dst(%dma_wait3A_1806 : memref<32000xf32, #tpu.memory_space<vmem_shared>>)
      tpu.yield
    }) : () -> ()
    %iota3A = tpu.iota {dimensions = array<i32: 0>} : vector<16xi32>
    %shift_right_logical3A = arith.constant 3 : i32
    %shift_right_logical3A_73 = vector.broadcast %shift_right_logical3A : i32 to vector<16xi32>
    %shift_right_logical3A_74 = arith.shrui %iota3A, %shift_right_logical3A_73 : vector<16xi32>
    %mul3A_75 = arith.constant 1000 : i32
    %mul3A_76 = vector.broadcast %mul3A_75 : i32 to vector<16xi32>
    %mul3A_77 = arith.muli %shift_right_logical3A_74, %mul3A_76 : vector<16xi32>
    %add3A_78 = arith.constant 0 : i32
    %add3A_79 = arith.addi %mul3A_2, %add3A_78 : i32
    %mul3A_80 = arith.constant 8 : i32
    %mul3A_81 = arith.muli %add3A_79, %mul3A_80 : i32
    "tpu.region"() ({
      %run_scoped3A = tpu.sem_alloc : memref<!tpu.dma_semaphore, #tpu.memory_space<semaphore_mem>>
      %dma_start3A = tpu.memref_slice %arg2[%mul3A_81] : memref<65536xi32, #tpu.memory_space<hbm>> -> memref<256xi32, #tpu.memory_space<hbm>>
      %dma_start3A_1805 = tpu.memref_slice %arg2[%mul3A_81] : memref<65536xi32, #tpu.memory_space<hbm>> -> memref<256xi32, #tpu.memory_space<hbm>>
      tpu.enqueue_dma source(%dma_start3A_1805 : memref<256xi32, #tpu.memory_space<hbm>>) target(%arg6 : memref<256xi32, #tpu.memory_space<vmem>>) target_semaphore(%run_scoped3A : memref<!tpu.dma_semaphore, #tpu.memory_space<semaphore_mem>>)
      %dma_wait3A = tpu.memref_slice %arg2[%mul3A_81] : memref<65536xi32, #tpu.memory_space<hbm>> -> memref<256xi32, #tpu.memory_space<hbm>>
      %dma_wait3A_1806 = tpu.memref_slice %arg2[%mul3A_81] : memref<65536xi32, #tpu.memory_space<hbm>> -> memref<256xi32, #tpu.memory_space<hbm>>
      tpu.wait_dma2 semaphore(%run_scoped3A : memref<!tpu.dma_semaphore, #tpu.memory_space<semaphore_mem>>) src(%dma_wait3A_1806 : memref<256xi32, #tpu.memory_space<hbm>>) dst(%arg6 : memref<256xi32, #tpu.memory_space<vmem>>)
      tpu.yield
    }) : () -> ()
    %mul3A_82 = arith.constant 8 : i32
    %mul3A_83 = arith.muli %add3A_79, %mul3A_82 : i32
    "tpu.region"() ({
      %run_scoped3A = tpu.sem_alloc : memref<!tpu.dma_semaphore, #tpu.memory_space<semaphore_mem>>
      %dma_start3A = tpu.memref_slice %arg3[%mul3A_83] : memref<65536xf32, #tpu.memory_space<hbm>> -> memref<256xf32, #tpu.memory_space<hbm>>
      %dma_start3A_1805 = tpu.memref_slice %arg3[%mul3A_83] : memref<65536xf32, #tpu.memory_space<hbm>> -> memref<256xf32, #tpu.memory_space<hbm>>
      tpu.enqueue_dma source(%dma_start3A_1805 : memref<256xf32, #tpu.memory_space<hbm>>) target(%arg7 : memref<256xf32, #tpu.memory_space<vmem>>) target_semaphore(%run_scoped3A : memref<!tpu.dma_semaphore, #tpu.memory_space<semaphore_mem>>)
      %dma_wait3A = tpu.memref_slice %arg3[%mul3A_83] : memref<65536xf32, #tpu.memory_space<hbm>> -> memref<256xf32, #tpu.memory_space<hbm>>
      %dma_wait3A_1806 = tpu.memref_slice %arg3[%mul3A_83] : memref<65536xf32, #tpu.memory_space<hbm>> -> memref<256xf32, #tpu.memory_space<hbm>>
      tpu.wait_dma2 semaphore(%run_scoped3A : memref<!tpu.dma_semaphore, #tpu.memory_space<semaphore_mem>>) src(%dma_wait3A_1806 : memref<256xf32, #tpu.memory_space<hbm>>) dst(%arg7 : memref<256xf32, #tpu.memory_space<vmem>>)
      tpu.yield
    }) : () -> ()
    %get3A = arith.constant 0 : index
    %get3A_84 = tpu.vector_load %arg6[%get3A] {strides = array<i32>} : memref<256xi32, #tpu.memory_space<vmem>>, vector<16xi32>,
    %get3A_85 = vector.shape_cast %get3A_84 : vector<16xi32> to vector<16xi32>
    %add3A_86 = arith.addi %get3A_85, %mul3A_77 : vector<16xi32>
    %add3A_87 = arith.constant 0 : i32
    %add3A_88 = vector.broadcast %add3A_87 : i32 to vector<16xi32>
    %add3A_89 = arith.addi %add3A_86, %add3A_88 : vector<16xi32>
    %add3A_90 = vector.broadcast %mul3A_4 : i32 to vector<16xi32>
    %add3A_91 = arith.addi %add3A_89, %add3A_90 : vector<16xi32>
    %swap3A_92 = arith.constant 0 : index
    %swap3A_93 = tpu.vector_load %arg8[%swap3A_92] {strides = array<i32>} : memref<256xi32, #tpu.memory_space<vmem>>, vector<16xi32>,
    %swap3A_94 = vector.shape_cast %swap3A_93 : vector<16xi32> to vector<16xi32>
    %swap3A_95 = vector.shape_cast %add3A_91 : vector<16xi32> to vector<16xi32>
    tpu.vector_store %arg8[%swap3A_92], %swap3A_95 {strides = array<i32>} : memref<256xi32, #tpu.memory_space<vmem>>, vector<16xi32>,
    %get3A_96 = arith.constant 16 : index
    %get3A_97 = tpu.vector_load %arg6[%get3A_96] {strides = array<i32>} : memref<256xi32, #tpu.memory_space<vmem>>, vector<16xi32>,
    %get3A_98 = vector.shape_cast %get3A_97 : vector<16xi32> to vector<16xi32>
    %add3A_99 = arith.addi %get3A_98, %mul3A_77 : vector<16xi32>
    %add3A_100 = arith.constant 2000 : i32
    %add3A_101 = vector.broadcast %add3A_100 : i32 to vector<16xi32>
    %add3A_102 = arith.addi %add3A_99, %add3A_101 : vector<16xi32>
    %add3A_103 = vector.broadcast %mul3A_4 : i32 to vector<16xi32>
    %add3A_104 = arith.addi %add3A_102, %add3A_103 : vector<16xi32>
    %swap3A_105 = arith.constant 16 : index
    %swap3A_106 = tpu.vector_load %arg8[%swap3A_105] {strides = array<i32>} : memref<256xi32, #tpu.memory_space<vmem>>, vector<16xi32>,
    %swap3A_107 = vector.shape_cast %swap3A_106 : vector<16xi32> to vector<16xi32>
    %swap3A_108 = vector.shape_cast %add3A_104 : vector<16xi32> to vector<16xi32>
    tpu.vector_store %arg8[%swap3A_105], %swap3A_108 {strides = array<i32>} : memref<256xi32, #tpu.memory_space<vmem>>, vector<16xi32>,
    %get3A_109 = arith.constant 32 : index
    %get3A_110 = tpu.vector_load %arg6[%get3A_109] {strides = array<i32>} : memref<256xi32, #tpu.memory_space<vmem>>, vector<16xi32>,
    %get3A_111 = vector.shape_cast %get3A_110 : vector<16xi32> to vector<16xi32>
    %add3A_112 = arith.addi %get3A_111, %mul3A_77 : vector<16xi32>
    %add3A_113 = arith.constant 4000 : i32
    %add3A_114 = vector.broadcast %add3A_113 : i32 to vector<16xi32>
    %add3A_115 = arith.addi %add3A_112, %add3A_114 : vector<16xi32>
    %add3A_116 = vector.broadcast %mul3A_4 : i32 to vector<16xi32>
    %add3A_117 = arith.addi %add3A_115, %add3A_116 : vector<16xi32>
    %swap3A_118 = arith.constant 32 : index
    %swap3A_119 = tpu.vector_load %arg8[%swap3A_118] {strides = array<i32>} : memref<256xi32, #tpu.memory_space<vmem>>, vector<16xi32>,
    %swap3A_120 = vector.shape_cast %swap3A_119 : vector<16xi32> to vector<16xi32>
    %swap3A_121 = vector.shape_cast %add3A_117 : vector<16xi32> to vector<16xi32>
    tpu.vector_store %arg8[%swap3A_118], %swap3A_121 {strides = array<i32>} : memref<256xi32, #tpu.memory_space<vmem>>, vector<16xi32>,
    %get3A_122 = arith.constant 48 : index
    %get3A_123 = tpu.vector_load %arg6[%get3A_122] {strides = array<i32>} : memref<256xi32, #tpu.memory_space<vmem>>, vector<16xi32>,
    %get3A_124 = vector.shape_cast %get3A_123 : vector<16xi32> to vector<16xi32>
    %add3A_125 = arith.addi %get3A_124, %mul3A_77 : vector<16xi32>
    %add3A_126 = arith.constant 6000 : i32
    %add3A_127 = vector.broadcast %add3A_126 : i32 to vector<16xi32>
    %add3A_128 = arith.addi %add3A_125, %add3A_127 : vector<16xi32>
    %add3A_129 = vector.broadcast %mul3A_4 : i32 to vector<16xi32>
    %add3A_130 = arith.addi %add3A_128, %add3A_129 : vector<16xi32>
    %swap3A_131 = arith.constant 48 : index
    %swap3A_132 = tpu.vector_load %arg8[%swap3A_131] {strides = array<i32>} : memref<256xi32, #tpu.memory_space<vmem>>, vector<16xi32>,
    %swap3A_133 = vector.shape_cast %swap3A_132 : vector<16xi32> to vector<16xi32>
    %swap3A_134 = vector.shape_cast %add3A_130 : vector<16xi32> to vector<16xi32>
    tpu.vector_store %arg8[%swap3A_131], %swap3A_134 {strides = array<i32>} : memref<256xi32, #tpu.memory_space<vmem>>, vector<16xi32>,
    %get3A_135 = arith.constant 64 : index
    %get3A_136 = tpu.vector_load %arg6[%get3A_135] {strides = array<i32>} : memref<256xi32, #tpu.memory_space<vmem>>, vector<16xi32>,
    %get3A_137 = vector.shape_cast %get3A_136 : vector<16xi32> to vector<16xi32>
    %add3A_138 = arith.addi %get3A_137, %mul3A_77 : vector<16xi32>
    %add3A_139 = arith.constant 8000 : i32
    %add3A_140 = vector.broadcast %add3A_139 : i32 to vector<16xi32>
    %add3A_141 = arith.addi %add3A_138, %add3A_140 : vector<16xi32>
    %add3A_142 = vector.broadcast %mul3A_4 : i32 to vector<16xi32>
    %add3A_143 = arith.addi %add3A_141, %add3A_142 : vector<16xi32>
    %swap3A_144 = arith.constant 64 : index
    %swap3A_145 = tpu.vector_load %arg8[%swap3A_144] {strides = array<i32>} : memref<256xi32, #tpu.memory_space<vmem>>, vector<16xi32>,
    %swap3A_146 = vector.shape_cast %swap3A_145 : vector<16xi32> to vector<16xi32>
    %swap3A_147 = vector.shape_cast %add3A_143 : vector<16xi32> to vector<16xi32>
    tpu.vector_store %arg8[%swap3A_144], %swap3A_147 {strides = array<i32>} : memref<256xi32, #tpu.memory_space<vmem>>, vector<16xi32>,
    %get3A_148 = arith.constant 80 : index
    %get3A_149 = tpu.vector_load %arg6[%get3A_148] {strides = array<i32>} : memref<256xi32, #tpu.memory_space<vmem>>, vector<16xi32>,
    %get3A_150 = vector.shape_cast %get3A_149 : vector<16xi32> to vector<16xi32>
    %add3A_151 = arith.addi %get3A_150, %mul3A_77 : vector<16xi32>
    %add3A_152 = arith.constant 10000 : i32
    %add3A_153 = vector.broadcast %add3A_152 : i32 to vector<16xi32>
    %add3A_154 = arith.addi %add3A_151, %add3A_153 : vector<16xi32>
    %add3A_155 = vector.broadcast %mul3A_4 : i32 to vector<16xi32>
    %add3A_156 = arith.addi %add3A_154, %add3A_155 : vector<16xi32>
    %swap3A_157 = arith.constant 80 : index
    %swap3A_158 = tpu.vector_load %arg8[%swap3A_157] {strides = array<i32>} : memref<256xi32, #tpu.memory_space<vmem>>, vector<16xi32>,
    %swap3A_159 = vector.shape_cast %swap3A_158 : vector<16xi32> to vector<16xi32>
    %swap3A_160 = vector.shape_cast %add3A_156 : vector<16xi32> to vector<16xi32>
    tpu.vector_store %arg8[%swap3A_157], %swap3A_160 {strides = array<i32>} : memref<256xi32, #tpu.memory_space<vmem>>, vector<16xi32>,
    %get3A_161 = arith.constant 96 : index
    %get3A_162 = tpu.vector_load %arg6[%get3A_161] {strides = array<i32>} : memref<256xi32, #tpu.memory_space<vmem>>, vector<16xi32>,
    %get3A_163 = vector.shape_cast %get3A_162 : vector<16xi32> to vector<16xi32>
    %add3A_164 = arith.addi %get3A_163, %mul3A_77 : vector<16xi32>
    %add3A_165 = arith.constant 12000 : i32
    %add3A_166 = vector.broadcast %add3A_165 : i32 to vector<16xi32>
    %add3A_167 = arith.addi %add3A_164, %add3A_166 : vector<16xi32>
    %add3A_168 = vector.broadcast %mul3A_4 : i32 to vector<16xi32>
    %add3A_169 = arith.addi %add3A_167, %add3A_168 : vector<16xi32>
    %swap3A_170 = arith.constant 96 : index
    %swap3A_171 = tpu.vector_load %arg8[%swap3A_170] {strides = array<i32>} : memref<256xi32, #tpu.memory_space<vmem>>, vector<16xi32>,
    %swap3A_172 = vector.shape_cast %swap3A_171 : vector<16xi32> to vector<16xi32>
    %swap3A_173 = vector.shape_cast %add3A_169 : vector<16xi32> to vector<16xi32>
    tpu.vector_store %arg8[%swap3A_170], %swap3A_173 {strides = array<i32>} : memref<256xi32, #tpu.memory_space<vmem>>, vector<16xi32>,
    %get3A_174 = arith.constant 112 : index
    %get3A_175 = tpu.vector_load %arg6[%get3A_174] {strides = array<i32>} : memref<256xi32, #tpu.memory_space<vmem>>, vector<16xi32>,
    %get3A_176 = vector.shape_cast %get3A_175 : vector<16xi32> to vector<16xi32>
    %add3A_177 = arith.addi %get3A_176, %mul3A_77 : vector<16xi32>
    %add3A_178 = arith.constant 14000 : i32
    %add3A_179 = vector.broadcast %add3A_178 : i32 to vector<16xi32>
    %add3A_180 = arith.addi %add3A_177, %add3A_179 : vector<16xi32>
    %add3A_181 = vector.broadcast %mul3A_4 : i32 to vector<16xi32>
    %add3A_182 = arith.addi %add3A_180, %add3A_181 : vector<16xi32>
    %swap3A_183 = arith.constant 112 : index
    %swap3A_184 = tpu.vector_load %arg8[%swap3A_183] {strides = array<i32>} : memref<256xi32, #tpu.memory_space<vmem>>, vector<16xi32>,
    %swap3A_185 = vector.shape_cast %swap3A_184 : vector<16xi32> to vector<16xi32>
    %swap3A_186 = vector.shape_cast %add3A_182 : vector<16xi32> to vector<16xi32>
    tpu.vector_store %arg8[%swap3A_183], %swap3A_186 {strides = array<i32>} : memref<256xi32, #tpu.memory_space<vmem>>, vector<16xi32>,
    %get3A_187 = arith.constant 128 : index
    %get3A_188 = tpu.vector_load %arg6[%get3A_187] {strides = array<i32>} : memref<256xi32, #tpu.memory_space<vmem>>, vector<16xi32>,
    %get3A_189 = vector.shape_cast %get3A_188 : vector<16xi32> to vector<16xi32>
    %add3A_190 = arith.addi %get3A_189, %mul3A_77 : vector<16xi32>
    %add3A_191 = arith.constant 16000 : i32
    %add3A_192 = vector.broadcast %add3A_191 : i32 to vector<16xi32>
    %add3A_193 = arith.addi %add3A_190, %add3A_192 : vector<16xi32>
    %add3A_194 = vector.broadcast %mul3A_4 : i32 to vector<16xi32>
    %add3A_195 = arith.addi %add3A_193, %add3A_194 : vector<16xi32>
    %swap3A_196 = arith.constant 128 : index
    %swap3A_197 = tpu.vector_load %arg8[%swap3A_196] {strides = array<i32>} : memref<256xi32, #tpu.memory_space<vmem>>, vector<16xi32>,
    %swap3A_198 = vector.shape_cast %swap3A_197 : vector<16xi32> to vector<16xi32>
    %swap3A_199 = vector.shape_cast %add3A_195 : vector<16xi32> to vector<16xi32>
    tpu.vector_store %arg8[%swap3A_196], %swap3A_199 {strides = array<i32>} : memref<256xi32, #tpu.memory_space<vmem>>, vector<16xi32>,
    %get3A_200 = arith.constant 144 : index
    %get3A_201 = tpu.vector_load %arg6[%get3A_200] {strides = array<i32>} : memref<256xi32, #tpu.memory_space<vmem>>, vector<16xi32>,
    %get3A_202 = vector.shape_cast %get3A_201 : vector<16xi32> to vector<16xi32>
    %add3A_203 = arith.addi %get3A_202, %mul3A_77 : vector<16xi32>
    %add3A_204 = arith.constant 18000 : i32
    %add3A_205 = vector.broadcast %add3A_204 : i32 to vector<16xi32>
    %add3A_206 = arith.addi %add3A_203, %add3A_205 : vector<16xi32>
    %add3A_207 = vector.broadcast %mul3A_4 : i32 to vector<16xi32>
    %add3A_208 = arith.addi %add3A_206, %add3A_207 : vector<16xi32>
    %swap3A_209 = arith.constant 144 : index
    %swap3A_210 = tpu.vector_load %arg8[%swap3A_209] {strides = array<i32>} : memref<256xi32, #tpu.memory_space<vmem>>, vector<16xi32>,
    %swap3A_211 = vector.shape_cast %swap3A_210 : vector<16xi32> to vector<16xi32>
    %swap3A_212 = vector.shape_cast %add3A_208 : vector<16xi32> to vector<16xi32>
    tpu.vector_store %arg8[%swap3A_209], %swap3A_212 {strides = array<i32>} : memref<256xi32, #tpu.memory_space<vmem>>, vector<16xi32>,
    %get3A_213 = arith.constant 160 : index
    %get3A_214 = tpu.vector_load %arg6[%get3A_213] {strides = array<i32>} : memref<256xi32, #tpu.memory_space<vmem>>, vector<16xi32>,
    %get3A_215 = vector.shape_cast %get3A_214 : vector<16xi32> to vector<16xi32>
    %add3A_216 = arith.addi %get3A_215, %mul3A_77 : vector<16xi32>
    %add3A_217 = arith.constant 20000 : i32
    %add3A_218 = vector.broadcast %add3A_217 : i32 to vector<16xi32>
    %add3A_219 = arith.addi %add3A_216, %add3A_218 : vector<16xi32>
    %add3A_220 = vector.broadcast %mul3A_4 : i32 to vector<16xi32>
    %add3A_221 = arith.addi %add3A_219, %add3A_220 : vector<16xi32>
    %swap3A_222 = arith.constant 160 : index
    %swap3A_223 = tpu.vector_load %arg8[%swap3A_222] {strides = array<i32>} : memref<256xi32, #tpu.memory_space<vmem>>, vector<16xi32>,
    %swap3A_224 = vector.shape_cast %swap3A_223 : vector<16xi32> to vector<16xi32>
    %swap3A_225 = vector.shape_cast %add3A_221 : vector<16xi32> to vector<16xi32>
    tpu.vector_store %arg8[%swap3A_222], %swap3A_225 {strides = array<i32>} : memref<256xi32, #tpu.memory_space<vmem>>, vector<16xi32>,
    %get3A_226 = arith.constant 176 : index
    %get3A_227 = tpu.vector_load %arg6[%get3A_226] {strides = array<i32>} : memref<256xi32, #tpu.memory_space<vmem>>, vector<16xi32>,
    %get3A_228 = vector.shape_cast %get3A_227 : vector<16xi32> to vector<16xi32>
    %add3A_229 = arith.addi %get3A_228, %mul3A_77 : vector<16xi32>
    %add3A_230 = arith.constant 22000 : i32
    %add3A_231 = vector.broadcast %add3A_230 : i32 to vector<16xi32>
    %add3A_232 = arith.addi %add3A_229, %add3A_231 : vector<16xi32>
    %add3A_233 = vector.broadcast %mul3A_4 : i32 to vector<16xi32>
    %add3A_234 = arith.addi %add3A_232, %add3A_233 : vector<16xi32>
    %swap3A_235 = arith.constant 176 : index
    %swap3A_236 = tpu.vector_load %arg8[%swap3A_235] {strides = array<i32>} : memref<256xi32, #tpu.memory_space<vmem>>, vector<16xi32>,
    %swap3A_237 = vector.shape_cast %swap3A_236 : vector<16xi32> to vector<16xi32>
    %swap3A_238 = vector.shape_cast %add3A_234 : vector<16xi32> to vector<16xi32>
    tpu.vector_store %arg8[%swap3A_235], %swap3A_238 {strides = array<i32>} : memref<256xi32, #tpu.memory_space<vmem>>, vector<16xi32>,
    %get3A_239 = arith.constant 192 : index
    %get3A_240 = tpu.vector_load %arg6[%get3A_239] {strides = array<i32>} : memref<256xi32, #tpu.memory_space<vmem>>, vector<16xi32>,
    %get3A_241 = vector.shape_cast %get3A_240 : vector<16xi32> to vector<16xi32>
    %add3A_242 = arith.addi %get3A_241, %mul3A_77 : vector<16xi32>
    %add3A_243 = arith.constant 24000 : i32
    %add3A_244 = vector.broadcast %add3A_243 : i32 to vector<16xi32>
    %add3A_245 = arith.addi %add3A_242, %add3A_244 : vector<16xi32>
    %add3A_246 = vector.broadcast %mul3A_4 : i32 to vector<16xi32>
    %add3A_247 = arith.addi %add3A_245, %add3A_246 : vector<16xi32>
    %swap3A_248 = arith.constant 192 : index
    %swap3A_249 = tpu.vector_load %arg8[%swap3A_248] {strides = array<i32>} : memref<256xi32, #tpu.memory_space<vmem>>, vector<16xi32>,
    %swap3A_250 = vector.shape_cast %swap3A_249 : vector<16xi32> to vector<16xi32>
    %swap3A_251 = vector.shape_cast %add3A_247 : vector<16xi32> to vector<16xi32>
    tpu.vector_store %arg8[%swap3A_248], %swap3A_251 {strides = array<i32>} : memref<256xi32, #tpu.memory_space<vmem>>, vector<16xi32>,
    %get3A_252 = arith.constant 208 : index
    %get3A_253 = tpu.vector_load %arg6[%get3A_252] {strides = array<i32>} : memref<256xi32, #tpu.memory_space<vmem>>, vector<16xi32>,
    %get3A_254 = vector.shape_cast %get3A_253 : vector<16xi32> to vector<16xi32>
    %add3A_255 = arith.addi %get3A_254, %mul3A_77 : vector<16xi32>
    %add3A_256 = arith.constant 26000 : i32
    %add3A_257 = vector.broadcast %add3A_256 : i32 to vector<16xi32>
    %add3A_258 = arith.addi %add3A_255, %add3A_257 : vector<16xi32>
    %add3A_259 = vector.broadcast %mul3A_4 : i32 to vector<16xi32>
    %add3A_260 = arith.addi %add3A_258, %add3A_259 : vector<16xi32>
    %swap3A_261 = arith.constant 208 : index
    %swap3A_262 = tpu.vector_load %arg8[%swap3A_261] {strides = array<i32>} : memref<256xi32, #tpu.memory_space<vmem>>, vector<16xi32>,
    %swap3A_263 = vector.shape_cast %swap3A_262 : vector<16xi32> to vector<16xi32>
    %swap3A_264 = vector.shape_cast %add3A_260 : vector<16xi32> to vector<16xi32>
    tpu.vector_store %arg8[%swap3A_261], %swap3A_264 {strides = array<i32>} : memref<256xi32, #tpu.memory_space<vmem>>, vector<16xi32>,
    %get3A_265 = arith.constant 224 : index
    %get3A_266 = tpu.vector_load %arg6[%get3A_265] {strides = array<i32>} : memref<256xi32, #tpu.memory_space<vmem>>, vector<16xi32>,
    %get3A_267 = vector.shape_cast %get3A_266 : vector<16xi32> to vector<16xi32>
    %add3A_268 = arith.addi %get3A_267, %mul3A_77 : vector<16xi32>
    %add3A_269 = arith.constant 28000 : i32
    %add3A_270 = vector.broadcast %add3A_269 : i32 to vector<16xi32>
    %add3A_271 = arith.addi %add3A_268, %add3A_270 : vector<16xi32>
    %add3A_272 = vector.broadcast %mul3A_4 : i32 to vector<16xi32>
    %add3A_273 = arith.addi %add3A_271, %add3A_272 : vector<16xi32>
    %swap3A_274 = arith.constant 224 : index
    %swap3A_275 = tpu.vector_load %arg8[%swap3A_274] {strides = array<i32>} : memref<256xi32, #tpu.memory_space<vmem>>, vector<16xi32>,
    %swap3A_276 = vector.shape_cast %swap3A_275 : vector<16xi32> to vector<16xi32>
    %swap3A_277 = vector.shape_cast %add3A_273 : vector<16xi32> to vector<16xi32>
    tpu.vector_store %arg8[%swap3A_274], %swap3A_277 {strides = array<i32>} : memref<256xi32, #tpu.memory_space<vmem>>, vector<16xi32>,
    %get3A_278 = arith.constant 240 : index
    %get3A_279 = tpu.vector_load %arg6[%get3A_278] {strides = array<i32>} : memref<256xi32, #tpu.memory_space<vmem>>, vector<16xi32>,
    %get3A_280 = vector.shape_cast %get3A_279 : vector<16xi32> to vector<16xi32>
    %add3A_281 = arith.addi %get3A_280, %mul3A_77 : vector<16xi32>
    %add3A_282 = arith.constant 30000 : i32
    %add3A_283 = vector.broadcast %add3A_282 : i32 to vector<16xi32>
    %add3A_284 = arith.addi %add3A_281, %add3A_283 : vector<16xi32>
    %add3A_285 = vector.broadcast %mul3A_4 : i32 to vector<16xi32>
    %add3A_286 = arith.addi %add3A_284, %add3A_285 : vector<16xi32>
    %swap3A_287 = arith.constant 240 : index
    %swap3A_288 = tpu.vector_load %arg8[%swap3A_287] {strides = array<i32>} : memref<256xi32, #tpu.memory_space<vmem>>, vector<16xi32>,
    %swap3A_289 = vector.shape_cast %swap3A_288 : vector<16xi32> to vector<16xi32>
    %swap3A_290 = vector.shape_cast %add3A_286 : vector<16xi32> to vector<16xi32>
    tpu.vector_store %arg8[%swap3A_287], %swap3A_290 {strides = array<i32>} : memref<256xi32, #tpu.memory_space<vmem>>, vector<16xi32>,
    "tpu.region"() ({
      %run_scoped3A = tpu.sem_alloc : memref<!tpu.dma_semaphore, #tpu.memory_space<semaphore_mem>>
      %dma_start3A = arith.constant 0 : i32
      %dma_start3A_1805 = tpu.memref_slice %arg10[%dma_start3A] : memref<512000xf32, #tpu.memory_space<vmem_shared>> -> memref<512000xf32, #tpu.memory_space<vmem_shared>>
      tpu.enqueue_indirect_dma source(%arg7 : memref<256xf32, #tpu.memory_space<vmem>>) target(%dma_start3A_1805 : memref<512000xf32, #tpu.memory_space<vmem_shared>>) offsets(%arg8 : memref<256xi32, #tpu.memory_space<vmem>>) semaphore(%run_scoped3A : memref<!tpu.dma_semaphore, #tpu.memory_space<semaphore_mem>>)
      %dma_wait3A = arith.constant 0 : i32
      %dma_wait3A_1806 = tpu.memref_slice %arg10[%dma_wait3A] : memref<512000xf32, #tpu.memory_space<vmem_shared>> -> memref<512000xf32, #tpu.memory_space<vmem_shared>>
      tpu.wait_indirect_dma semaphore(%run_scoped3A : memref<!tpu.dma_semaphore, #tpu.memory_space<semaphore_mem>>) src(%arg7 : memref<256xf32, #tpu.memory_space<vmem>>) dst(%dma_wait3A_1806 : memref<512000xf32, #tpu.memory_space<vmem_shared>>)
      tpu.yield
    }) : () -> ()
    %mul3A_291 = arith.constant 1000 : i32
    %mul3A_292 = arith.muli %add3A_79, %mul3A_291 : i32
    "tpu.region"() ({
      %run_scoped3A = tpu.sem_alloc : memref<!tpu.dma_semaphore, #tpu.memory_space<semaphore_mem>>
      %dma_start3A = tpu.memref_slice %arg4[%mul3A_292] : memref<8192000xf32, #tpu.memory_space<hbm>> -> memref<32000xf32, #tpu.memory_space<hbm>>
      %dma_start3A_1805 = tpu.memref_slice %arg10[%mul3A_4] : memref<512000xf32, #tpu.memory_space<vmem_shared>> -> memref<32000xf32, #tpu.memory_space<vmem_shared>>
      tpu.enqueue_dma source(%dma_start3A_1805 : memref<32000xf32, #tpu.memory_space<vmem_shared>>) target(%dma_start3A : memref<32000xf32, #tpu.memory_space<hbm>>) target_semaphore(%run_scoped3A : memref<!tpu.dma_semaphore, #tpu.memory_space<semaphore_mem>>)
      %dma_wait3A = tpu.memref_slice %arg4[%mul3A_292] : memref<8192000xf32, #tpu.memory_space<hbm>> -> memref<32000xf32, #tpu.memory_space<hbm>>
      %dma_wait3A_1806 = tpu.memref_slice %arg10[%mul3A_4] : memref<512000xf32, #tpu.memory_space<vmem_shared>> -> memref<32000xf32, #tpu.memory_space<vmem_shared>>
      tpu.wait_dma2 semaphore(%run_scoped3A : memref<!tpu.dma_semaphore, #tpu.memory_space<semaphore_mem>>) src(%dma_wait3A_1806 : memref<32000xf32, #tpu.memory_space<vmem_shared>>) dst(%dma_wait3A : memref<32000xf32, #tpu.memory_space<hbm>>)
      tpu.yield
    }) : () -> ()
    "tpu.region"() ({
      %run_scoped3A = tpu.sem_alloc : memref<!tpu.dma_semaphore, #tpu.memory_space<semaphore_mem>>
      %dma_start3A = arith.constant 0 : i32
      %dma_start3A_1805 = tpu.memref_slice %arg10[%dma_start3A] : memref<512000xf32, #tpu.memory_space<vmem_shared>> -> memref<512000xf32, #tpu.memory_space<vmem_shared>>
      tpu.enqueue_indirect_dma source(%arg9 : memref<256xf32, #tpu.memory_space<vmem>>) target(%dma_start3A_1805 : memref<512000xf32, #tpu.memory_space<vmem_shared>>) offsets(%arg8 : memref<256xi32, #tpu.memory_space<vmem>>) semaphore(%run_scoped3A : memref<!tpu.dma_semaphore, #tpu.memory_space<semaphore_mem>>)
      %dma_wait3A = arith.constant 0 : i32
      %dma_wait3A_1806 = tpu.memref_slice %arg10[%dma_wait3A] : memref<512000xf32, #tpu.memory_space<vmem_shared>> -> memref<512000xf32, #tpu.memory_space<vmem_shared>>
      tpu.wait_indirect_dma semaphore(%run_scoped3A : memref<!tpu.dma_semaphore, #tpu.memory_space<semaphore_mem>>) src(%arg9 : memref<256xf32, #tpu.memory_space<vmem>>) dst(%dma_wait3A_1806 : memref<512000xf32, #tpu.memory_space<vmem_shared>>)
      tpu.yield
    }) : () -> ()
    %add3A_293 = arith.constant 32 : i32
    %add3A_294 = arith.addi %mul3A_2, %add3A_293 : i32
    %mul3A_295 = arith.constant 8 : i32
    %mul3A_296 = arith.muli %add3A_294, %mul3A_295 : i32
    "tpu.region"() ({
      %run_scoped3A = tpu.sem_alloc : memref<!tpu.dma_semaphore, #tpu.memory_space<semaphore_mem>>
      %dma_start3A = tpu.memref_slice %arg2[%mul3A_296] : memref<65536xi32, #tpu.memory_space<hbm>> -> memref<256xi32, #tpu.memory_space<hbm>>
      %dma_start3A_1805 = tpu.memref_slice %arg2[%mul3A_296] : memref<65536xi32, #tpu.memory_space<hbm>> -> memref<256xi32, #tpu.memory_space<hbm>>
      tpu.enqueue_dma source(%dma_start3A_1805 : memref<256xi32, #tpu.memory_space<hbm>>) target(%arg6 : memref<256xi32, #tpu.memory_space<vmem>>) target_semaphore(%run_scoped3A : memref<!tpu.dma_semaphore, #tpu.memory_space<semaphore_mem>>)
      %dma_wait3A = tpu.memref_slice %arg2[%mul3A_296] : memref<65536xi32, #tpu.memory_space<hbm>> -> memref<256xi32, #tpu.memory_space<hbm>>
      %dma_wait3A_1806 = tpu.memref_slice %arg2[%mul3A_296] : memref<65536xi32, #tpu.memory_space<hbm>> -> memref<256xi32, #tpu.memory_space<hbm>>
      tpu.wait_dma2 semaphore(%run_scoped3A : memref<!tpu.dma_semaphore, #tpu.memory_space<semaphore_mem>>) src(%dma_wait3A_1806 : memref<256xi32, #tpu.memory_space<hbm>>) dst(%arg6 : memref<256xi32, #tpu.memory_space<vmem>>)
      tpu.yield
    }) : () -> ()
    %mul3A_297 = arith.constant 8 : i32
    %mul3A_298 = arith.muli %add3A_294, %mul3A_297 : i32
    "tpu.region"() ({
      %run_scoped3A = tpu.sem_alloc : memref<!tpu.dma_semaphore, #tpu.memory_space<semaphore_mem>>
      %dma_start3A = tpu.memref_slice %arg3[%mul3A_298] : memref<65536xf32, #tpu.memory_space<hbm>> -> memref<256xf32, #tpu.memory_space<hbm>>
      %dma_start3A_1805 = tpu.memref_slice %arg3[%mul3A_298] : memref<65536xf32, #tpu.memory_space<hbm>> -> memref<256xf32, #tpu.memory_space<hbm>>
      tpu.enqueue_dma source(%dma_start3A_1805 : memref<256xf32, #tpu.memory_space<hbm>>) target(%arg7 : memref<256xf32, #tpu.memory_space<vmem>>) target_semaphore(%run_scoped3A : memref<!tpu.dma_semaphore, #tpu.memory_space<semaphore_mem>>)
      %dma_wait3A = tpu.memref_slice %arg3[%mul3A_298] : memref<65536xf32, #tpu.memory_space<hbm>> -> memref<256xf32, #tpu.memory_space<hbm>>
      %dma_wait3A_1806 = tpu.memref_slice %arg3[%mul3A_298] : memref<65536xf32, #tpu.memory_space<hbm>> -> memref<256xf32, #tpu.memory_space<hbm>>
      tpu.wait_dma2 semaphore(%run_scoped3A : memref<!tpu.dma_semaphore, #tpu.memory_space<semaphore_mem>>) src(%dma_wait3A_1806 : memref<256xf32, #tpu.memory_space<hbm>>) dst(%arg7 : memref<256xf32, #tpu.memory_space<vmem>>)
      tpu.yield
    }) : () -> ()
    %get3A_299 = arith.constant 0 : index
    %get3A_300 = tpu.vector_load %arg6[%get3A_299] {strides = array<i32>} : memref<256xi32, #tpu.memory_space<vmem>>, vector<16xi32>,
    %get3A_301 = vector.shape_cast %get3A_300 : vector<16xi32> to vector<16xi32>
    %add3A_302 = arith.addi %get3A_301, %mul3A_77 : vector<16xi32>
    %add3A_303 = arith.constant 0 : i32
    %add3A_304 = vector.broadcast %add3A_303 : i32 to vector<16xi32>
    %add3A_305 = arith.addi %add3A_302, %add3A_304 : vector<16xi32>
    %add3A_306 = vector.broadcast %mul3A_4 : i32 to vector<16xi32>
    %add3A_307 = arith.addi %add3A_305, %add3A_306 : vector<16xi32>
    %swap3A_308 = arith.constant 0 : index
    %swap3A_309 = tpu.vector_load %arg8[%swap3A_308] {strides = array<i32>} : memref<256xi32, #tpu.memory_space<vmem>>, vector<16xi32>,
    %swap3A_310 = vector.shape_cast %swap3A_309 : vector<16xi32> to vector<16xi32>
    %swap3A_311 = vector.shape_cast %add3A_307 : vector<16xi32> to vector<16xi32>
    tpu.vector_store %arg8[%swap3A_308], %swap3A_311 {strides = array<i32>} : memref<256xi32, #tpu.memory_space<vmem>>, vector<16xi32>,
    %get3A_312 = arith.constant 16 : index
    %get3A_313 = tpu.vector_load %arg6[%get3A_312] {strides = array<i32>} : memref<256xi32, #tpu.memory_space<vmem>>, vector<16xi32>,
    %get3A_314 = vector.shape_cast %get3A_313 : vector<16xi32> to vector<16xi32>
    %add3A_315 = arith.addi %get3A_314, %mul3A_77 : vector<16xi32>
    %add3A_316 = arith.constant 2000 : i32
    %add3A_317 = vector.broadcast %add3A_316 : i32 to vector<16xi32>
    %add3A_318 = arith.addi %add3A_315, %add3A_317 : vector<16xi32>
    %add3A_319 = vector.broadcast %mul3A_4 : i32 to vector<16xi32>
    %add3A_320 = arith.addi %add3A_318, %add3A_319 : vector<16xi32>
    %swap3A_321 = arith.constant 16 : index
    %swap3A_322 = tpu.vector_load %arg8[%swap3A_321] {strides = array<i32>} : memref<256xi32, #tpu.memory_space<vmem>>, vector<16xi32>,
    %swap3A_323 = vector.shape_cast %swap3A_322 : vector<16xi32> to vector<16xi32>
    %swap3A_324 = vector.shape_cast %add3A_320 : vector<16xi32> to vector<16xi32>
    tpu.vector_store %arg8[%swap3A_321], %swap3A_324 {strides = array<i32>} : memref<256xi32, #tpu.memory_space<vmem>>, vector<16xi32>,
    %get3A_325 = arith.constant 32 : index
    %get3A_326 = tpu.vector_load %arg6[%get3A_325] {strides = array<i32>} : memref<256xi32, #tpu.memory_space<vmem>>, vector<16xi32>,
    %get3A_327 = vector.shape_cast %get3A_326 : vector<16xi32> to vector<16xi32>
    %add3A_328 = arith.addi %get3A_327, %mul3A_77 : vector<16xi32>
    %add3A_329 = arith.constant 4000 : i32
    %add3A_330 = vector.broadcast %add3A_329 : i32 to vector<16xi32>
    %add3A_331 = arith.addi %add3A_328, %add3A_330 : vector<16xi32>
    %add3A_332 = vector.broadcast %mul3A_4 : i32 to vector<16xi32>
    %add3A_333 = arith.addi %add3A_331, %add3A_332 : vector<16xi32>
    %swap3A_334 = arith.constant 32 : index
    %swap3A_335 = tpu.vector_load %arg8[%swap3A_334] {strides = array<i32>} : memref<256xi32, #tpu.memory_space<vmem>>, vector<16xi32>,
    %swap3A_336 = vector.shape_cast %swap3A_335 : vector<16xi32> to vector<16xi32>
    %swap3A_337 = vector.shape_cast %add3A_333 : vector<16xi32> to vector<16xi32>
    tpu.vector_store %arg8[%swap3A_334], %swap3A_337 {strides = array<i32>} : memref<256xi32, #tpu.memory_space<vmem>>, vector<16xi32>,
    %get3A_338 = arith.constant 48 : index
    %get3A_339 = tpu.vector_load %arg6[%get3A_338] {strides = array<i32>} : memref<256xi32, #tpu.memory_space<vmem>>, vector<16xi32>,
    %get3A_340 = vector.shape_cast %get3A_339 : vector<16xi32> to vector<16xi32>
    %add3A_341 = arith.addi %get3A_340, %mul3A_77 : vector<16xi32>
    %add3A_342 = arith.constant 6000 : i32
    %add3A_343 = vector.broadcast %add3A_342 : i32 to vector<16xi32>
    %add3A_344 = arith.addi %add3A_341, %add3A_343 : vector<16xi32>
    %add3A_345 = vector.broadcast %mul3A_4 : i32 to vector<16xi32>
    %add3A_346 = arith.addi %add3A_344, %add3A_345 : vector<16xi32>
    %swap3A_347 = arith.constant 48 : index
    %swap3A_348 = tpu.vector_load %arg8[%swap3A_347] {strides = array<i32>} : memref<256xi32, #tpu.memory_space<vmem>>, vector<16xi32>,
    %swap3A_349 = vector.shape_cast %swap3A_348 : vector<16xi32> to vector<16xi32>
    %swap3A_350 = vector.shape_cast %add3A_346 : vector<16xi32> to vector<16xi32>
    tpu.vector_store %arg8[%swap3A_347], %swap3A_350 {strides = array<i32>} : memref<256xi32, #tpu.memory_space<vmem>>, vector<16xi32>,
    %get3A_351 = arith.constant 64 : index
    %get3A_352 = tpu.vector_load %arg6[%get3A_351] {strides = array<i32>} : memref<256xi32, #tpu.memory_space<vmem>>, vector<16xi32>,
    %get3A_353 = vector.shape_cast %get3A_352 : vector<16xi32> to vector<16xi32>
    %add3A_354 = arith.addi %get3A_353, %mul3A_77 : vector<16xi32>
    %add3A_355 = arith.constant 8000 : i32
    %add3A_356 = vector.broadcast %add3A_355 : i32 to vector<16xi32>
    %add3A_357 = arith.addi %add3A_354, %add3A_356 : vector<16xi32>
    %add3A_358 = vector.broadcast %mul3A_4 : i32 to vector<16xi32>
    %add3A_359 = arith.addi %add3A_357, %add3A_358 : vector<16xi32>
    %swap3A_360 = arith.constant 64 : index
    %swap3A_361 = tpu.vector_load %arg8[%swap3A_360] {strides = array<i32>} : memref<256xi32, #tpu.memory_space<vmem>>, vector<16xi32>,
    %swap3A_362 = vector.shape_cast %swap3A_361 : vector<16xi32> to vector<16xi32>
    %swap3A_363 = vector.shape_cast %add3A_359 : vector<16xi32> to vector<16xi32>
    tpu.vector_store %arg8[%swap3A_360], %swap3A_363 {strides = array<i32>} : memref<256xi32, #tpu.memory_space<vmem>>, vector<16xi32>,
    %get3A_364 = arith.constant 80 : index
    %get3A_365 = tpu.vector_load %arg6[%get3A_364] {strides = array<i32>} : memref<256xi32, #tpu.memory_space<vmem>>, vector<16xi32>,
    %get3A_366 = vector.shape_cast %get3A_365 : vector<16xi32> to vector<16xi32>
    %add3A_367 = arith.addi %get3A_366, %mul3A_77 : vector<16xi32>
    %add3A_368 = arith.constant 10000 : i32
    %add3A_369 = vector.broadcast %add3A_368 : i32 to vector<16xi32>
    %add3A_370 = arith.addi %add3A_367, %add3A_369 : vector<16xi32>
    %add3A_371 = vector.broadcast %mul3A_4 : i32 to vector<16xi32>
    %add3A_372 = arith.addi %add3A_370, %add3A_371 : vector<16xi32>
    %swap3A_373 = arith.constant 80 : index
    %swap3A_374 = tpu.vector_load %arg8[%swap3A_373] {strides = array<i32>} : memref<256xi32, #tpu.memory_space<vmem>>, vector<16xi32>,
    %swap3A_375 = vector.shape_cast %swap3A_374 : vector<16xi32> to vector<16xi32>
    %swap3A_376 = vector.shape_cast %add3A_372 : vector<16xi32> to vector<16xi32>
    tpu.vector_store %arg8[%swap3A_373], %swap3A_376 {strides = array<i32>} : memref<256xi32, #tpu.memory_space<vmem>>, vector<16xi32>,
    %get3A_377 = arith.constant 96 : index
    %get3A_378 = tpu.vector_load %arg6[%get3A_377] {strides = array<i32>} : memref<256xi32, #tpu.memory_space<vmem>>, vector<16xi32>,
    %get3A_379 = vector.shape_cast %get3A_378 : vector<16xi32> to vector<16xi32>
    %add3A_380 = arith.addi %get3A_379, %mul3A_77 : vector<16xi32>
    %add3A_381 = arith.constant 12000 : i32
    %add3A_382 = vector.broadcast %add3A_381 : i32 to vector<16xi32>
    %add3A_383 = arith.addi %add3A_380, %add3A_382 : vector<16xi32>
    %add3A_384 = vector.broadcast %mul3A_4 : i32 to vector<16xi32>
    %add3A_385 = arith.addi %add3A_383, %add3A_384 : vector<16xi32>
    %swap3A_386 = arith.constant 96 : index
    %swap3A_387 = tpu.vector_load %arg8[%swap3A_386] {strides = array<i32>} : memref<256xi32, #tpu.memory_space<vmem>>, vector<16xi32>,
    %swap3A_388 = vector.shape_cast %swap3A_387 : vector<16xi32> to vector<16xi32>
    %swap3A_389 = vector.shape_cast %add3A_385 : vector<16xi32> to vector<16xi32>
    tpu.vector_store %arg8[%swap3A_386], %swap3A_389 {strides = array<i32>} : memref<256xi32, #tpu.memory_space<vmem>>, vector<16xi32>,
    %get3A_390 = arith.constant 112 : index
    %get3A_391 = tpu.vector_load %arg6[%get3A_390] {strides = array<i32>} : memref<256xi32, #tpu.memory_space<vmem>>, vector<16xi32>,
    %get3A_392 = vector.shape_cast %get3A_391 : vector<16xi32> to vector<16xi32>
    %add3A_393 = arith.addi %get3A_392, %mul3A_77 : vector<16xi32>
    %add3A_394 = arith.constant 14000 : i32
    %add3A_395 = vector.broadcast %add3A_394 : i32 to vector<16xi32>
    %add3A_396 = arith.addi %add3A_393, %add3A_395 : vector<16xi32>
    %add3A_397 = vector.broadcast %mul3A_4 : i32 to vector<16xi32>
    %add3A_398 = arith.addi %add3A_396, %add3A_397 : vector<16xi32>
    %swap3A_399 = arith.constant 112 : index
    %swap3A_400 = tpu.vector_load %arg8[%swap3A_399] {strides = array<i32>} : memref<256xi32, #tpu.memory_space<vmem>>, vector<16xi32>,
    %swap3A_401 = vector.shape_cast %swap3A_400 : vector<16xi32> to vector<16xi32>
    %swap3A_402 = vector.shape_cast %add3A_398 : vector<16xi32> to vector<16xi32>
    tpu.vector_store %arg8[%swap3A_399], %swap3A_402 {strides = array<i32>} : memref<256xi32, #tpu.memory_space<vmem>>, vector<16xi32>,
    %get3A_403 = arith.constant 128 : index
    %get3A_404 = tpu.vector_load %arg6[%get3A_403] {strides = array<i32>} : memref<256xi32, #tpu.memory_space<vmem>>, vector<16xi32>,
    %get3A_405 = vector.shape_cast %get3A_404 : vector<16xi32> to vector<16xi32>
    %add3A_406 = arith.addi %get3A_405, %mul3A_77 : vector<16xi32>
    %add3A_407 = arith.constant 16000 : i32
    %add3A_408 = vector.broadcast %add3A_407 : i32 to vector<16xi32>
    %add3A_409 = arith.addi %add3A_406, %add3A_408 : vector<16xi32>
    %add3A_410 = vector.broadcast %mul3A_4 : i32 to vector<16xi32>
    %add3A_411 = arith.addi %add3A_409, %add3A_410 : vector<16xi32>
    %swap3A_412 = arith.constant 128 : index
    %swap3A_413 = tpu.vector_load %arg8[%swap3A_412] {strides = array<i32>} : memref<256xi32, #tpu.memory_space<vmem>>, vector<16xi32>,
    %swap3A_414 = vector.shape_cast %swap3A_413 : vector<16xi32> to vector<16xi32>
    %swap3A_415 = vector.shape_cast %add3A_411 : vector<16xi32> to vector<16xi32>
    tpu.vector_store %arg8[%swap3A_412], %swap3A_415 {strides = array<i32>} : memref<256xi32, #tpu.memory_space<vmem>>, vector<16xi32>,
    %get3A_416 = arith.constant 144 : index
    %get3A_417 = tpu.vector_load %arg6[%get3A_416] {strides = array<i32>} : memref<256xi32, #tpu.memory_space<vmem>>, vector<16xi32>,
    %get3A_418 = vector.shape_cast %get3A_417 : vector<16xi32> to vector<16xi32>
    %add3A_419 = arith.addi %get3A_418, %mul3A_77 : vector<16xi32>
    %add3A_420 = arith.constant 18000 : i32
    %add3A_421 = vector.broadcast %add3A_420 : i32 to vector<16xi32>
    %add3A_422 = arith.addi %add3A_419, %add3A_421 : vector<16xi32>
    %add3A_423 = vector.broadcast %mul3A_4 : i32 to vector<16xi32>
    %add3A_424 = arith.addi %add3A_422, %add3A_423 : vector<16xi32>
    %swap3A_425 = arith.constant 144 : index
    %swap3A_426 = tpu.vector_load %arg8[%swap3A_425] {strides = array<i32>} : memref<256xi32, #tpu.memory_space<vmem>>, vector<16xi32>,
    %swap3A_427 = vector.shape_cast %swap3A_426 : vector<16xi32> to vector<16xi32>
    %swap3A_428 = vector.shape_cast %add3A_424 : vector<16xi32> to vector<16xi32>
    tpu.vector_store %arg8[%swap3A_425], %swap3A_428 {strides = array<i32>} : memref<256xi32, #tpu.memory_space<vmem>>, vector<16xi32>,
    %get3A_429 = arith.constant 160 : index
    %get3A_430 = tpu.vector_load %arg6[%get3A_429] {strides = array<i32>} : memref<256xi32, #tpu.memory_space<vmem>>, vector<16xi32>,
    %get3A_431 = vector.shape_cast %get3A_430 : vector<16xi32> to vector<16xi32>
    %add3A_432 = arith.addi %get3A_431, %mul3A_77 : vector<16xi32>
    %add3A_433 = arith.constant 20000 : i32
    %add3A_434 = vector.broadcast %add3A_433 : i32 to vector<16xi32>
    %add3A_435 = arith.addi %add3A_432, %add3A_434 : vector<16xi32>
    %add3A_436 = vector.broadcast %mul3A_4 : i32 to vector<16xi32>
    %add3A_437 = arith.addi %add3A_435, %add3A_436 : vector<16xi32>
    %swap3A_438 = arith.constant 160 : index
    %swap3A_439 = tpu.vector_load %arg8[%swap3A_438] {strides = array<i32>} : memref<256xi32, #tpu.memory_space<vmem>>, vector<16xi32>,
    %swap3A_440 = vector.shape_cast %swap3A_439 : vector<16xi32> to vector<16xi32>
    %swap3A_441 = vector.shape_cast %add3A_437 : vector<16xi32> to vector<16xi32>
    tpu.vector_store %arg8[%swap3A_438], %swap3A_441 {strides = array<i32>} : memref<256xi32, #tpu.memory_space<vmem>>, vector<16xi32>,
    %get3A_442 = arith.constant 176 : index
    %get3A_443 = tpu.vector_load %arg6[%get3A_442] {strides = array<i32>} : memref<256xi32, #tpu.memory_space<vmem>>, vector<16xi32>,
    %get3A_444 = vector.shape_cast %get3A_443 : vector<16xi32> to vector<16xi32>
    %add3A_445 = arith.addi %get3A_444, %mul3A_77 : vector<16xi32>
    %add3A_446 = arith.constant 22000 : i32
    %add3A_447 = vector.broadcast %add3A_446 : i32 to vector<16xi32>
    %add3A_448 = arith.addi %add3A_445, %add3A_447 : vector<16xi32>
    %add3A_449 = vector.broadcast %mul3A_4 : i32 to vector<16xi32>
    %add3A_450 = arith.addi %add3A_448, %add3A_449 : vector<16xi32>
    %swap3A_451 = arith.constant 176 : index
    %swap3A_452 = tpu.vector_load %arg8[%swap3A_451] {strides = array<i32>} : memref<256xi32, #tpu.memory_space<vmem>>, vector<16xi32>,
    %swap3A_453 = vector.shape_cast %swap3A_452 : vector<16xi32> to vector<16xi32>
    %swap3A_454 = vector.shape_cast %add3A_450 : vector<16xi32> to vector<16xi32>
    tpu.vector_store %arg8[%swap3A_451], %swap3A_454 {strides = array<i32>} : memref<256xi32, #tpu.memory_space<vmem>>, vector<16xi32>,
    %get3A_455 = arith.constant 192 : index
    %get3A_456 = tpu.vector_load %arg6[%get3A_455] {strides = array<i32>} : memref<256xi32, #tpu.memory_space<vmem>>, vector<16xi32>,
    %get3A_457 = vector.shape_cast %get3A_456 : vector<16xi32> to vector<16xi32>
    %add3A_458 = arith.addi %get3A_457, %mul3A_77 : vector<16xi32>
    %add3A_459 = arith.constant 24000 : i32
    %add3A_460 = vector.broadcast %add3A_459 : i32 to vector<16xi32>
    %add3A_461 = arith.addi %add3A_458, %add3A_460 : vector<16xi32>
    %add3A_462 = vector.broadcast %mul3A_4 : i32 to vector<16xi32>
    %add3A_463 = arith.addi %add3A_461, %add3A_462 : vector<16xi32>
    %swap3A_464 = arith.constant 192 : index
    %swap3A_465 = tpu.vector_load %arg8[%swap3A_464] {strides = array<i32>} : memref<256xi32, #tpu.memory_space<vmem>>, vector<16xi32>,
    %swap3A_466 = vector.shape_cast %swap3A_465 : vector<16xi32> to vector<16xi32>
    %swap3A_467 = vector.shape_cast %add3A_463 : vector<16xi32> to vector<16xi32>
    tpu.vector_store %arg8[%swap3A_464], %swap3A_467 {strides = array<i32>} : memref<256xi32, #tpu.memory_space<vmem>>, vector<16xi32>,
    %get3A_468 = arith.constant 208 : index
    %get3A_469 = tpu.vector_load %arg6[%get3A_468] {strides = array<i32>} : memref<256xi32, #tpu.memory_space<vmem>>, vector<16xi32>,
    %get3A_470 = vector.shape_cast %get3A_469 : vector<16xi32> to vector<16xi32>
    %add3A_471 = arith.addi %get3A_470, %mul3A_77 : vector<16xi32>
    %add3A_472 = arith.constant 26000 : i32
    %add3A_473 = vector.broadcast %add3A_472 : i32 to vector<16xi32>
    %add3A_474 = arith.addi %add3A_471, %add3A_473 : vector<16xi32>
    %add3A_475 = vector.broadcast %mul3A_4 : i32 to vector<16xi32>
    %add3A_476 = arith.addi %add3A_474, %add3A_475 : vector<16xi32>
    %swap3A_477 = arith.constant 208 : index
    %swap3A_478 = tpu.vector_load %arg8[%swap3A_477] {strides = array<i32>} : memref<256xi32, #tpu.memory_space<vmem>>, vector<16xi32>,
    %swap3A_479 = vector.shape_cast %swap3A_478 : vector<16xi32> to vector<16xi32>
    %swap3A_480 = vector.shape_cast %add3A_476 : vector<16xi32> to vector<16xi32>
    tpu.vector_store %arg8[%swap3A_477], %swap3A_480 {strides = array<i32>} : memref<256xi32, #tpu.memory_space<vmem>>, vector<16xi32>,
    %get3A_481 = arith.constant 224 : index
    %get3A_482 = tpu.vector_load %arg6[%get3A_481] {strides = array<i32>} : memref<256xi32, #tpu.memory_space<vmem>>, vector<16xi32>,
    %get3A_483 = vector.shape_cast %get3A_482 : vector<16xi32> to vector<16xi32>
    %add3A_484 = arith.addi %get3A_483, %mul3A_77 : vector<16xi32>
    %add3A_485 = arith.constant 28000 : i32
    %add3A_486 = vector.broadcast %add3A_485 : i32 to vector<16xi32>
    %add3A_487 = arith.addi %add3A_484, %add3A_486 : vector<16xi32>
    %add3A_488 = vector.broadcast %mul3A_4 : i32 to vector<16xi32>
    %add3A_489 = arith.addi %add3A_487, %add3A_488 : vector<16xi32>
    %swap3A_490 = arith.constant 224 : index
    %swap3A_491 = tpu.vector_load %arg8[%swap3A_490] {strides = array<i32>} : memref<256xi32, #tpu.memory_space<vmem>>, vector<16xi32>,
    %swap3A_492 = vector.shape_cast %swap3A_491 : vector<16xi32> to vector<16xi32>
    %swap3A_493 = vector.shape_cast %add3A_489 : vector<16xi32> to vector<16xi32>
    tpu.vector_store %arg8[%swap3A_490], %swap3A_493 {strides = array<i32>} : memref<256xi32, #tpu.memory_space<vmem>>, vector<16xi32>,
    %get3A_494 = arith.constant 240 : index
    %get3A_495 = tpu.vector_load %arg6[%get3A_494] {strides = array<i32>} : memref<256xi32, #tpu.memory_space<vmem>>, vector<16xi32>,
    %get3A_496 = vector.shape_cast %get3A_495 : vector<16xi32> to vector<16xi32>
    %add3A_497 = arith.addi %get3A_496, %mul3A_77 : vector<16xi32>
    %add3A_498 = arith.constant 30000 : i32
    %add3A_499 = vector.broadcast %add3A_498 : i32 to vector<16xi32>
    %add3A_500 = arith.addi %add3A_497, %add3A_499 : vector<16xi32>
    %add3A_501 = vector.broadcast %mul3A_4 : i32 to vector<16xi32>
    %add3A_502 = arith.addi %add3A_500, %add3A_501 : vector<16xi32>
    %swap3A_503 = arith.constant 240 : index
    %swap3A_504 = tpu.vector_load %arg8[%swap3A_503] {strides = array<i32>} : memref<256xi32, #tpu.memory_space<vmem>>, vector<16xi32>,
    %swap3A_505 = vector.shape_cast %swap3A_504 : vector<16xi32> to vector<16xi32>
    %swap3A_506 = vector.shape_cast %add3A_502 : vector<16xi32> to vector<16xi32>
    tpu.vector_store %arg8[%swap3A_503], %swap3A_506 {strides = array<i32>} : memref<256xi32, #tpu.memory_space<vmem>>, vector<16xi32>,
    "tpu.region"() ({
      %run_scoped3A = tpu.sem_alloc : memref<!tpu.dma_semaphore, #tpu.memory_space<semaphore_mem>>
      %dma_start3A = arith.constant 0 : i32
      %dma_start3A_1805 = tpu.memref_slice %arg10[%dma_start3A] : memref<512000xf32, #tpu.memory_space<vmem_shared>> -> memref<512000xf32, #tpu.memory_space<vmem_shared>>
      tpu.enqueue_indirect_dma source(%arg7 : memref<256xf32, #tpu.memory_space<vmem>>) target(%dma_start3A_1805 : memref<512000xf32, #tpu.memory_space<vmem_shared>>) offsets(%arg8 : memref<256xi32, #tpu.memory_space<vmem>>) semaphore(%run_scoped3A : memref<!tpu.dma_semaphore, #tpu.memory_space<semaphore_mem>>)
      %dma_wait3A = arith.constant 0 : i32
      %dma_wait3A_1806 = tpu.memref_slice %arg10[%dma_wait3A] : memref<512000xf32, #tpu.memory_space<vmem_shared>> -> memref<512000xf32, #tpu.memory_space<vmem_shared>>
      tpu.wait_indirect_dma semaphore(%run_scoped3A : memref<!tpu.dma_semaphore, #tpu.memory_space<semaphore_mem>>) src(%arg7 : memref<256xf32, #tpu.memory_space<vmem>>) dst(%dma_wait3A_1806 : memref<512000xf32, #tpu.memory_space<vmem_shared>>)
      tpu.yield
    }) : () -> ()
    %mul3A_507 = arith.constant 1000 : i32
    %mul3A_508 = arith.muli %add3A_294, %mul3A_507 : i32
    "tpu.region"() ({
      %run_scoped3A = tpu.sem_alloc : memref<!tpu.dma_semaphore, #tpu.memory_space<semaphore_mem>>
      %dma_start3A = tpu.memref_slice %arg4[%mul3A_508] : memref<8192000xf32, #tpu.memory_space<hbm>> -> memref<32000xf32, #tpu.memory_space<hbm>>
      %dma_start3A_1805 = tpu.memref_slice %arg10[%mul3A_4] : memref<512000xf32, #tpu.memory_space<vmem_shared>> -> memref<32000xf32, #tpu.memory_space<vmem_shared>>
      tpu.enqueue_dma source(%dma_start3A_1805 : memref<32000xf32, #tpu.memory_space<vmem_shared>>) target(%dma_start3A : memref<32000xf32, #tpu.memory_space<hbm>>) target_semaphore(%run_scoped3A : memref<!tpu.dma_semaphore, #tpu.memory_space<semaphore_mem>>)
      %dma_wait3A = tpu.memref_slice %arg4[%mul3A_508] : memref<8192000xf32, #tpu.memory_space<hbm>> -> memref<32000xf32, #tpu.memory_space<hbm>>
      %dma_wait3A_1806 = tpu.memref_slice %arg10[%mul3A_4] : memref<512000xf32, #tpu.memory_space<vmem_shared>> -> memref<32000xf32, #tpu.memory_space<vmem_shared>>
      tpu.wait_dma2 semaphore(%run_scoped3A : memref<!tpu.dma_semaphore, #tpu.memory_space<semaphore_mem>>) src(%dma_wait3A_1806 : memref<32000xf32, #tpu.memory_space<vmem_shared>>) dst(%dma_wait3A : memref<32000xf32, #tpu.memory_space<hbm>>)
      tpu.yield
    }) : () -> ()
    "tpu.region"() ({
      %run_scoped3A = tpu.sem_alloc : memref<!tpu.dma_semaphore, #tpu.memory_space<semaphore_mem>>
      %dma_start3A = arith.constant 0 : i32
      %dma_start3A_1805 = tpu.memref_slice %arg10[%dma_start3A] : memref<512000xf32, #tpu.memory_space<vmem_shared>> -> memref<512000xf32, #tpu.memory_space<vmem_shared>>
      tpu.enqueue_indirect_dma source(%arg9 : memref<256xf32, #tpu.memory_space<vmem>>) target(%dma_start3A_1805 : memref<512000xf32, #tpu.memory_space<vmem_shared>>) offsets(%arg8 : memref<256xi32, #tpu.memory_space<vmem>>) semaphore(%run_scoped3A : memref<!tpu.dma_semaphore, #tpu.memory_space<semaphore_mem>>)
      %dma_wait3A = arith.constant 0 : i32
      %dma_wait3A_1806 = tpu.memref_slice %arg10[%dma_wait3A] : memref<512000xf32, #tpu.memory_space<vmem_shared>> -> memref<512000xf32, #tpu.memory_space<vmem_shared>>
      tpu.wait_indirect_dma semaphore(%run_scoped3A : memref<!tpu.dma_semaphore, #tpu.memory_space<semaphore_mem>>) src(%arg9 : memref<256xf32, #tpu.memory_space<vmem>>) dst(%dma_wait3A_1806 : memref<512000xf32, #tpu.memory_space<vmem_shared>>)
      tpu.yield
    }) : () -> ()
    %add3A_509 = arith.constant 64 : i32
    %add3A_510 = arith.addi %mul3A_2, %add3A_509 : i32
    %mul3A_511 = arith.constant 8 : i32
    %mul3A_512 = arith.muli %add3A_510, %mul3A_511 : i32
    "tpu.region"() ({
      %run_scoped3A = tpu.sem_alloc : memref<!tpu.dma_semaphore, #tpu.memory_space<semaphore_mem>>
      %dma_start3A = tpu.memref_slice %arg2[%mul3A_512] : memref<65536xi32, #tpu.memory_space<hbm>> -> memref<256xi32, #tpu.memory_space<hbm>>
      %dma_start3A_1805 = tpu.memref_slice %arg2[%mul3A_512] : memref<65536xi32, #tpu.memory_space<hbm>> -> memref<256xi32, #tpu.memory_space<hbm>>
      tpu.enqueue_dma source(%dma_start3A_1805 : memref<256xi32, #tpu.memory_space<hbm>>) target(%arg6 : memref<256xi32, #tpu.memory_space<vmem>>) target_semaphore(%run_scoped3A : memref<!tpu.dma_semaphore, #tpu.memory_space<semaphore_mem>>)
      %dma_wait3A = tpu.memref_slice %arg2[%mul3A_512] : memref<65536xi32, #tpu.memory_space<hbm>> -> memref<256xi32, #tpu.memory_space<hbm>>
      %dma_wait3A_1806 = tpu.memref_slice %arg2[%mul3A_512] : memref<65536xi32, #tpu.memory_space<hbm>> -> memref<256xi32, #tpu.memory_space<hbm>>
      tpu.wait_dma2 semaphore(%run_scoped3A : memref<!tpu.dma_semaphore, #tpu.memory_space<semaphore_mem>>) src(%dma_wait3A_1806 : memref<256xi32, #tpu.memory_space<hbm>>) dst(%arg6 : memref<256xi32, #tpu.memory_space<vmem>>)
      tpu.yield
    }) : () -> ()
    %mul3A_513 = arith.constant 8 : i32
    %mul3A_514 = arith.muli %add3A_510, %mul3A_513 : i32
    "tpu.region"() ({
      %run_scoped3A = tpu.sem_alloc : memref<!tpu.dma_semaphore, #tpu.memory_space<semaphore_mem>>
      %dma_start3A = tpu.memref_slice %arg3[%mul3A_514] : memref<65536xf32, #tpu.memory_space<hbm>> -> memref<256xf32, #tpu.memory_space<hbm>>
      %dma_start3A_1805 = tpu.memref_slice %arg3[%mul3A_514] : memref<65536xf32, #tpu.memory_space<hbm>> -> memref<256xf32, #tpu.memory_space<hbm>>
      tpu.enqueue_dma source(%dma_start3A_1805 : memref<256xf32, #tpu.memory_space<hbm>>) target(%arg7 : memref<256xf32, #tpu.memory_space<vmem>>) target_semaphore(%run_scoped3A : memref<!tpu.dma_semaphore, #tpu.memory_space<semaphore_mem>>)
      %dma_wait3A = tpu.memref_slice %arg3[%mul3A_514] : memref<65536xf32, #tpu.memory_space<hbm>> -> memref<256xf32, #tpu.memory_space<hbm>>
      %dma_wait3A_1806 = tpu.memref_slice %arg3[%mul3A_514] : memref<65536xf32, #tpu.memory_space<hbm>> -> memref<256xf32, #tpu.memory_space<hbm>>
      tpu.wait_dma2 semaphore(%run_scoped3A : memref<!tpu.dma_semaphore, #tpu.memory_space<semaphore_mem>>) src(%dma_wait3A_1806 : memref<256xf32, #tpu.memory_space<hbm>>) dst(%arg7 : memref<256xf32, #tpu.memory_space<vmem>>)
      tpu.yield
    }) : () -> ()
    %get3A_515 = arith.constant 0 : index
    %get3A_516 = tpu.vector_load %arg6[%get3A_515] {strides = array<i32>} : memref<256xi32, #tpu.memory_space<vmem>>, vector<16xi32>,
    %get3A_517 = vector.shape_cast %get3A_516 : vector<16xi32> to vector<16xi32>
    %add3A_518 = arith.addi %get3A_517, %mul3A_77 : vector<16xi32>
    %add3A_519 = arith.constant 0 : i32
    %add3A_520 = vector.broadcast %add3A_519 : i32 to vector<16xi32>
    %add3A_521 = arith.addi %add3A_518, %add3A_520 : vector<16xi32>
    %add3A_522 = vector.broadcast %mul3A_4 : i32 to vector<16xi32>
    %add3A_523 = arith.addi %add3A_521, %add3A_522 : vector<16xi32>
    %swap3A_524 = arith.constant 0 : index
    %swap3A_525 = tpu.vector_load %arg8[%swap3A_524] {strides = array<i32>} : memref<256xi32, #tpu.memory_space<vmem>>, vector<16xi32>,
    %swap3A_526 = vector.shape_cast %swap3A_525 : vector<16xi32> to vector<16xi32>
    %swap3A_527 = vector.shape_cast %add3A_523 : vector<16xi32> to vector<16xi32>
    tpu.vector_store %arg8[%swap3A_524], %swap3A_527 {strides = array<i32>} : memref<256xi32, #tpu.memory_space<vmem>>, vector<16xi32>,
    %get3A_528 = arith.constant 16 : index
    %get3A_529 = tpu.vector_load %arg6[%get3A_528] {strides = array<i32>} : memref<256xi32, #tpu.memory_space<vmem>>, vector<16xi32>,
    %get3A_530 = vector.shape_cast %get3A_529 : vector<16xi32> to vector<16xi32>
    %add3A_531 = arith.addi %get3A_530, %mul3A_77 : vector<16xi32>
    %add3A_532 = arith.constant 2000 : i32
    %add3A_533 = vector.broadcast %add3A_532 : i32 to vector<16xi32>
    %add3A_534 = arith.addi %add3A_531, %add3A_533 : vector<16xi32>
    %add3A_535 = vector.broadcast %mul3A_4 : i32 to vector<16xi32>
    %add3A_536 = arith.addi %add3A_534, %add3A_535 : vector<16xi32>
    %swap3A_537 = arith.constant 16 : index
    %swap3A_538 = tpu.vector_load %arg8[%swap3A_537] {strides = array<i32>} : memref<256xi32, #tpu.memory_space<vmem>>, vector<16xi32>,
    %swap3A_539 = vector.shape_cast %swap3A_538 : vector<16xi32> to vector<16xi32>
    %swap3A_540 = vector.shape_cast %add3A_536 : vector<16xi32> to vector<16xi32>
    tpu.vector_store %arg8[%swap3A_537], %swap3A_540 {strides = array<i32>} : memref<256xi32, #tpu.memory_space<vmem>>, vector<16xi32>,
    %get3A_541 = arith.constant 32 : index
    %get3A_542 = tpu.vector_load %arg6[%get3A_541] {strides = array<i32>} : memref<256xi32, #tpu.memory_space<vmem>>, vector<16xi32>,
    %get3A_543 = vector.shape_cast %get3A_542 : vector<16xi32> to vector<16xi32>
    %add3A_544 = arith.addi %get3A_543, %mul3A_77 : vector<16xi32>
    %add3A_545 = arith.constant 4000 : i32
    %add3A_546 = vector.broadcast %add3A_545 : i32 to vector<16xi32>
    %add3A_547 = arith.addi %add3A_544, %add3A_546 : vector<16xi32>
    %add3A_548 = vector.broadcast %mul3A_4 : i32 to vector<16xi32>
    %add3A_549 = arith.addi %add3A_547, %add3A_548 : vector<16xi32>
    %swap3A_550 = arith.constant 32 : index
    %swap3A_551 = tpu.vector_load %arg8[%swap3A_550] {strides = array<i32>} : memref<256xi32, #tpu.memory_space<vmem>>, vector<16xi32>,
    %swap3A_552 = vector.shape_cast %swap3A_551 : vector<16xi32> to vector<16xi32>
    %swap3A_553 = vector.shape_cast %add3A_549 : vector<16xi32> to vector<16xi32>
    tpu.vector_store %arg8[%swap3A_550], %swap3A_553 {strides = array<i32>} : memref<256xi32, #tpu.memory_space<vmem>>, vector<16xi32>,
    %get3A_554 = arith.constant 48 : index
    %get3A_555 = tpu.vector_load %arg6[%get3A_554] {strides = array<i32>} : memref<256xi32, #tpu.memory_space<vmem>>, vector<16xi32>,
    %get3A_556 = vector.shape_cast %get3A_555 : vector<16xi32> to vector<16xi32>
    %add3A_557 = arith.addi %get3A_556, %mul3A_77 : vector<16xi32>
    %add3A_558 = arith.constant 6000 : i32
    %add3A_559 = vector.broadcast %add3A_558 : i32 to vector<16xi32>
    %add3A_560 = arith.addi %add3A_557, %add3A_559 : vector<16xi32>
    %add3A_561 = vector.broadcast %mul3A_4 : i32 to vector<16xi32>
    %add3A_562 = arith.addi %add3A_560, %add3A_561 : vector<16xi32>
    %swap3A_563 = arith.constant 48 : index
    %swap3A_564 = tpu.vector_load %arg8[%swap3A_563] {strides = array<i32>} : memref<256xi32, #tpu.memory_space<vmem>>, vector<16xi32>,
    %swap3A_565 = vector.shape_cast %swap3A_564 : vector<16xi32> to vector<16xi32>
    %swap3A_566 = vector.shape_cast %add3A_562 : vector<16xi32> to vector<16xi32>
    tpu.vector_store %arg8[%swap3A_563], %swap3A_566 {strides = array<i32>} : memref<256xi32, #tpu.memory_space<vmem>>, vector<16xi32>,
    %get3A_567 = arith.constant 64 : index
    %get3A_568 = tpu.vector_load %arg6[%get3A_567] {strides = array<i32>} : memref<256xi32, #tpu.memory_space<vmem>>, vector<16xi32>,
    %get3A_569 = vector.shape_cast %get3A_568 : vector<16xi32> to vector<16xi32>
    %add3A_570 = arith.addi %get3A_569, %mul3A_77 : vector<16xi32>
    %add3A_571 = arith.constant 8000 : i32
    %add3A_572 = vector.broadcast %add3A_571 : i32 to vector<16xi32>
    %add3A_573 = arith.addi %add3A_570, %add3A_572 : vector<16xi32>
    %add3A_574 = vector.broadcast %mul3A_4 : i32 to vector<16xi32>
    %add3A_575 = arith.addi %add3A_573, %add3A_574 : vector<16xi32>
    %swap3A_576 = arith.constant 64 : index
    %swap3A_577 = tpu.vector_load %arg8[%swap3A_576] {strides = array<i32>} : memref<256xi32, #tpu.memory_space<vmem>>, vector<16xi32>,
    %swap3A_578 = vector.shape_cast %swap3A_577 : vector<16xi32> to vector<16xi32>
    %swap3A_579 = vector.shape_cast %add3A_575 : vector<16xi32> to vector<16xi32>
    tpu.vector_store %arg8[%swap3A_576], %swap3A_579 {strides = array<i32>} : memref<256xi32, #tpu.memory_space<vmem>>, vector<16xi32>,
    %get3A_580 = arith.constant 80 : index
    %get3A_581 = tpu.vector_load %arg6[%get3A_580] {strides = array<i32>} : memref<256xi32, #tpu.memory_space<vmem>>, vector<16xi32>,
    %get3A_582 = vector.shape_cast %get3A_581 : vector<16xi32> to vector<16xi32>
    %add3A_583 = arith.addi %get3A_582, %mul3A_77 : vector<16xi32>
    %add3A_584 = arith.constant 10000 : i32
    %add3A_585 = vector.broadcast %add3A_584 : i32 to vector<16xi32>
    %add3A_586 = arith.addi %add3A_583, %add3A_585 : vector<16xi32>
    %add3A_587 = vector.broadcast %mul3A_4 : i32 to vector<16xi32>
    %add3A_588 = arith.addi %add3A_586, %add3A_587 : vector<16xi32>
    %swap3A_589 = arith.constant 80 : index
    %swap3A_590 = tpu.vector_load %arg8[%swap3A_589] {strides = array<i32>} : memref<256xi32, #tpu.memory_space<vmem>>, vector<16xi32>,
    %swap3A_591 = vector.shape_cast %swap3A_590 : vector<16xi32> to vector<16xi32>
    %swap3A_592 = vector.shape_cast %add3A_588 : vector<16xi32> to vector<16xi32>
    tpu.vector_store %arg8[%swap3A_589], %swap3A_592 {strides = array<i32>} : memref<256xi32, #tpu.memory_space<vmem>>, vector<16xi32>,
    %get3A_593 = arith.constant 96 : index
    %get3A_594 = tpu.vector_load %arg6[%get3A_593] {strides = array<i32>} : memref<256xi32, #tpu.memory_space<vmem>>, vector<16xi32>,
    %get3A_595 = vector.shape_cast %get3A_594 : vector<16xi32> to vector<16xi32>
    %add3A_596 = arith.addi %get3A_595, %mul3A_77 : vector<16xi32>
    %add3A_597 = arith.constant 12000 : i32
    %add3A_598 = vector.broadcast %add3A_597 : i32 to vector<16xi32>
    %add3A_599 = arith.addi %add3A_596, %add3A_598 : vector<16xi32>
    %add3A_600 = vector.broadcast %mul3A_4 : i32 to vector<16xi32>
    %add3A_601 = arith.addi %add3A_599, %add3A_600 : vector<16xi32>
    %swap3A_602 = arith.constant 96 : index
    %swap3A_603 = tpu.vector_load %arg8[%swap3A_602] {strides = array<i32>} : memref<256xi32, #tpu.memory_space<vmem>>, vector<16xi32>,
    %swap3A_604 = vector.shape_cast %swap3A_603 : vector<16xi32> to vector<16xi32>
    %swap3A_605 = vector.shape_cast %add3A_601 : vector<16xi32> to vector<16xi32>
    tpu.vector_store %arg8[%swap3A_602], %swap3A_605 {strides = array<i32>} : memref<256xi32, #tpu.memory_space<vmem>>, vector<16xi32>,
    %get3A_606 = arith.constant 112 : index
    %get3A_607 = tpu.vector_load %arg6[%get3A_606] {strides = array<i32>} : memref<256xi32, #tpu.memory_space<vmem>>, vector<16xi32>,
    %get3A_608 = vector.shape_cast %get3A_607 : vector<16xi32> to vector<16xi32>
    %add3A_609 = arith.addi %get3A_608, %mul3A_77 : vector<16xi32>
    %add3A_610 = arith.constant 14000 : i32
    %add3A_611 = vector.broadcast %add3A_610 : i32 to vector<16xi32>
    %add3A_612 = arith.addi %add3A_609, %add3A_611 : vector<16xi32>
    %add3A_613 = vector.broadcast %mul3A_4 : i32 to vector<16xi32>
    %add3A_614 = arith.addi %add3A_612, %add3A_613 : vector<16xi32>
    %swap3A_615 = arith.constant 112 : index
    %swap3A_616 = tpu.vector_load %arg8[%swap3A_615] {strides = array<i32>} : memref<256xi32, #tpu.memory_space<vmem>>, vector<16xi32>,
    %swap3A_617 = vector.shape_cast %swap3A_616 : vector<16xi32> to vector<16xi32>
    %swap3A_618 = vector.shape_cast %add3A_614 : vector<16xi32> to vector<16xi32>
    tpu.vector_store %arg8[%swap3A_615], %swap3A_618 {strides = array<i32>} : memref<256xi32, #tpu.memory_space<vmem>>, vector<16xi32>,
    %get3A_619 = arith.constant 128 : index
    %get3A_620 = tpu.vector_load %arg6[%get3A_619] {strides = array<i32>} : memref<256xi32, #tpu.memory_space<vmem>>, vector<16xi32>,
    %get3A_621 = vector.shape_cast %get3A_620 : vector<16xi32> to vector<16xi32>
    %add3A_622 = arith.addi %get3A_621, %mul3A_77 : vector<16xi32>
    %add3A_623 = arith.constant 16000 : i32
    %add3A_624 = vector.broadcast %add3A_623 : i32 to vector<16xi32>
    %add3A_625 = arith.addi %add3A_622, %add3A_624 : vector<16xi32>
    %add3A_626 = vector.broadcast %mul3A_4 : i32 to vector<16xi32>
    %add3A_627 = arith.addi %add3A_625, %add3A_626 : vector<16xi32>
    %swap3A_628 = arith.constant 128 : index
    %swap3A_629 = tpu.vector_load %arg8[%swap3A_628] {strides = array<i32>} : memref<256xi32, #tpu.memory_space<vmem>>, vector<16xi32>,
    %swap3A_630 = vector.shape_cast %swap3A_629 : vector<16xi32> to vector<16xi32>
    %swap3A_631 = vector.shape_cast %add3A_627 : vector<16xi32> to vector<16xi32>
    tpu.vector_store %arg8[%swap3A_628], %swap3A_631 {strides = array<i32>} : memref<256xi32, #tpu.memory_space<vmem>>, vector<16xi32>,
    %get3A_632 = arith.constant 144 : index
    %get3A_633 = tpu.vector_load %arg6[%get3A_632] {strides = array<i32>} : memref<256xi32, #tpu.memory_space<vmem>>, vector<16xi32>,
    %get3A_634 = vector.shape_cast %get3A_633 : vector<16xi32> to vector<16xi32>
    %add3A_635 = arith.addi %get3A_634, %mul3A_77 : vector<16xi32>
    %add3A_636 = arith.constant 18000 : i32
    %add3A_637 = vector.broadcast %add3A_636 : i32 to vector<16xi32>
    %add3A_638 = arith.addi %add3A_635, %add3A_637 : vector<16xi32>
    %add3A_639 = vector.broadcast %mul3A_4 : i32 to vector<16xi32>
    %add3A_640 = arith.addi %add3A_638, %add3A_639 : vector<16xi32>
    %swap3A_641 = arith.constant 144 : index
    %swap3A_642 = tpu.vector_load %arg8[%swap3A_641] {strides = array<i32>} : memref<256xi32, #tpu.memory_space<vmem>>, vector<16xi32>,
    %swap3A_643 = vector.shape_cast %swap3A_642 : vector<16xi32> to vector<16xi32>
    %swap3A_644 = vector.shape_cast %add3A_640 : vector<16xi32> to vector<16xi32>
    tpu.vector_store %arg8[%swap3A_641], %swap3A_644 {strides = array<i32>} : memref<256xi32, #tpu.memory_space<vmem>>, vector<16xi32>,
    %get3A_645 = arith.constant 160 : index
    %get3A_646 = tpu.vector_load %arg6[%get3A_645] {strides = array<i32>} : memref<256xi32, #tpu.memory_space<vmem>>, vector<16xi32>,
    %get3A_647 = vector.shape_cast %get3A_646 : vector<16xi32> to vector<16xi32>
    %add3A_648 = arith.addi %get3A_647, %mul3A_77 : vector<16xi32>
    %add3A_649 = arith.constant 20000 : i32
    %add3A_650 = vector.broadcast %add3A_649 : i32 to vector<16xi32>
    %add3A_651 = arith.addi %add3A_648, %add3A_650 : vector<16xi32>
    %add3A_652 = vector.broadcast %mul3A_4 : i32 to vector<16xi32>
    %add3A_653 = arith.addi %add3A_651, %add3A_652 : vector<16xi32>
    %swap3A_654 = arith.constant 160 : index
    %swap3A_655 = tpu.vector_load %arg8[%swap3A_654] {strides = array<i32>} : memref<256xi32, #tpu.memory_space<vmem>>, vector<16xi32>,
    %swap3A_656 = vector.shape_cast %swap3A_655 : vector<16xi32> to vector<16xi32>
    %swap3A_657 = vector.shape_cast %add3A_653 : vector<16xi32> to vector<16xi32>
    tpu.vector_store %arg8[%swap3A_654], %swap3A_657 {strides = array<i32>} : memref<256xi32, #tpu.memory_space<vmem>>, vector<16xi32>,
    %get3A_658 = arith.constant 176 : index
    %get3A_659 = tpu.vector_load %arg6[%get3A_658] {strides = array<i32>} : memref<256xi32, #tpu.memory_space<vmem>>, vector<16xi32>,
    %get3A_660 = vector.shape_cast %get3A_659 : vector<16xi32> to vector<16xi32>
    %add3A_661 = arith.addi %get3A_660, %mul3A_77 : vector<16xi32>
    %add3A_662 = arith.constant 22000 : i32
    %add3A_663 = vector.broadcast %add3A_662 : i32 to vector<16xi32>
    %add3A_664 = arith.addi %add3A_661, %add3A_663 : vector<16xi32>
    %add3A_665 = vector.broadcast %mul3A_4 : i32 to vector<16xi32>
    %add3A_666 = arith.addi %add3A_664, %add3A_665 : vector<16xi32>
    %swap3A_667 = arith.constant 176 : index
    %swap3A_668 = tpu.vector_load %arg8[%swap3A_667] {strides = array<i32>} : memref<256xi32, #tpu.memory_space<vmem>>, vector<16xi32>,
    %swap3A_669 = vector.shape_cast %swap3A_668 : vector<16xi32> to vector<16xi32>
    %swap3A_670 = vector.shape_cast %add3A_666 : vector<16xi32> to vector<16xi32>
    tpu.vector_store %arg8[%swap3A_667], %swap3A_670 {strides = array<i32>} : memref<256xi32, #tpu.memory_space<vmem>>, vector<16xi32>,
    %get3A_671 = arith.constant 192 : index
    %get3A_672 = tpu.vector_load %arg6[%get3A_671] {strides = array<i32>} : memref<256xi32, #tpu.memory_space<vmem>>, vector<16xi32>,
    %get3A_673 = vector.shape_cast %get3A_672 : vector<16xi32> to vector<16xi32>
    %add3A_674 = arith.addi %get3A_673, %mul3A_77 : vector<16xi32>
    %add3A_675 = arith.constant 24000 : i32
    %add3A_676 = vector.broadcast %add3A_675 : i32 to vector<16xi32>
    %add3A_677 = arith.addi %add3A_674, %add3A_676 : vector<16xi32>
    %add3A_678 = vector.broadcast %mul3A_4 : i32 to vector<16xi32>
    %add3A_679 = arith.addi %add3A_677, %add3A_678 : vector<16xi32>
    %swap3A_680 = arith.constant 192 : index
    %swap3A_681 = tpu.vector_load %arg8[%swap3A_680] {strides = array<i32>} : memref<256xi32, #tpu.memory_space<vmem>>, vector<16xi32>,
    %swap3A_682 = vector.shape_cast %swap3A_681 : vector<16xi32> to vector<16xi32>
    %swap3A_683 = vector.shape_cast %add3A_679 : vector<16xi32> to vector<16xi32>
    tpu.vector_store %arg8[%swap3A_680], %swap3A_683 {strides = array<i32>} : memref<256xi32, #tpu.memory_space<vmem>>, vector<16xi32>,
    %get3A_684 = arith.constant 208 : index
    %get3A_685 = tpu.vector_load %arg6[%get3A_684] {strides = array<i32>} : memref<256xi32, #tpu.memory_space<vmem>>, vector<16xi32>,
    %get3A_686 = vector.shape_cast %get3A_685 : vector<16xi32> to vector<16xi32>
    %add3A_687 = arith.addi %get3A_686, %mul3A_77 : vector<16xi32>
    %add3A_688 = arith.constant 26000 : i32
    %add3A_689 = vector.broadcast %add3A_688 : i32 to vector<16xi32>
    %add3A_690 = arith.addi %add3A_687, %add3A_689 : vector<16xi32>
    %add3A_691 = vector.broadcast %mul3A_4 : i32 to vector<16xi32>
    %add3A_692 = arith.addi %add3A_690, %add3A_691 : vector<16xi32>
    %swap3A_693 = arith.constant 208 : index
    %swap3A_694 = tpu.vector_load %arg8[%swap3A_693] {strides = array<i32>} : memref<256xi32, #tpu.memory_space<vmem>>, vector<16xi32>,
    %swap3A_695 = vector.shape_cast %swap3A_694 : vector<16xi32> to vector<16xi32>
    %swap3A_696 = vector.shape_cast %add3A_692 : vector<16xi32> to vector<16xi32>
    tpu.vector_store %arg8[%swap3A_693], %swap3A_696 {strides = array<i32>} : memref<256xi32, #tpu.memory_space<vmem>>, vector<16xi32>,
    %get3A_697 = arith.constant 224 : index
    %get3A_698 = tpu.vector_load %arg6[%get3A_697] {strides = array<i32>} : memref<256xi32, #tpu.memory_space<vmem>>, vector<16xi32>,
    %get3A_699 = vector.shape_cast %get3A_698 : vector<16xi32> to vector<16xi32>
    %add3A_700 = arith.addi %get3A_699, %mul3A_77 : vector<16xi32>
    %add3A_701 = arith.constant 28000 : i32
    %add3A_702 = vector.broadcast %add3A_701 : i32 to vector<16xi32>
    %add3A_703 = arith.addi %add3A_700, %add3A_702 : vector<16xi32>
    %add3A_704 = vector.broadcast %mul3A_4 : i32 to vector<16xi32>
    %add3A_705 = arith.addi %add3A_703, %add3A_704 : vector<16xi32>
    %swap3A_706 = arith.constant 224 : index
    %swap3A_707 = tpu.vector_load %arg8[%swap3A_706] {strides = array<i32>} : memref<256xi32, #tpu.memory_space<vmem>>, vector<16xi32>,
    %swap3A_708 = vector.shape_cast %swap3A_707 : vector<16xi32> to vector<16xi32>
    %swap3A_709 = vector.shape_cast %add3A_705 : vector<16xi32> to vector<16xi32>
    tpu.vector_store %arg8[%swap3A_706], %swap3A_709 {strides = array<i32>} : memref<256xi32, #tpu.memory_space<vmem>>, vector<16xi32>,
    %get3A_710 = arith.constant 240 : index
    %get3A_711 = tpu.vector_load %arg6[%get3A_710] {strides = array<i32>} : memref<256xi32, #tpu.memory_space<vmem>>, vector<16xi32>,
    %get3A_712 = vector.shape_cast %get3A_711 : vector<16xi32> to vector<16xi32>
    %add3A_713 = arith.addi %get3A_712, %mul3A_77 : vector<16xi32>
    %add3A_714 = arith.constant 30000 : i32
    %add3A_715 = vector.broadcast %add3A_714 : i32 to vector<16xi32>
    %add3A_716 = arith.addi %add3A_713, %add3A_715 : vector<16xi32>
    %add3A_717 = vector.broadcast %mul3A_4 : i32 to vector<16xi32>
    %add3A_718 = arith.addi %add3A_716, %add3A_717 : vector<16xi32>
    %swap3A_719 = arith.constant 240 : index
    %swap3A_720 = tpu.vector_load %arg8[%swap3A_719] {strides = array<i32>} : memref<256xi32, #tpu.memory_space<vmem>>, vector<16xi32>,
    %swap3A_721 = vector.shape_cast %swap3A_720 : vector<16xi32> to vector<16xi32>
    %swap3A_722 = vector.shape_cast %add3A_718 : vector<16xi32> to vector<16xi32>
    tpu.vector_store %arg8[%swap3A_719], %swap3A_722 {strides = array<i32>} : memref<256xi32, #tpu.memory_space<vmem>>, vector<16xi32>,
    "tpu.region"() ({
      %run_scoped3A = tpu.sem_alloc : memref<!tpu.dma_semaphore, #tpu.memory_space<semaphore_mem>>
      %dma_start3A = arith.constant 0 : i32
      %dma_start3A_1805 = tpu.memref_slice %arg10[%dma_start3A] : memref<512000xf32, #tpu.memory_space<vmem_shared>> -> memref<512000xf32, #tpu.memory_space<vmem_shared>>
      tpu.enqueue_indirect_dma source(%arg7 : memref<256xf32, #tpu.memory_space<vmem>>) target(%dma_start3A_1805 : memref<512000xf32, #tpu.memory_space<vmem_shared>>) offsets(%arg8 : memref<256xi32, #tpu.memory_space<vmem>>) semaphore(%run_scoped3A : memref<!tpu.dma_semaphore, #tpu.memory_space<semaphore_mem>>)
      %dma_wait3A = arith.constant 0 : i32
      %dma_wait3A_1806 = tpu.memref_slice %arg10[%dma_wait3A] : memref<512000xf32, #tpu.memory_space<vmem_shared>> -> memref<512000xf32, #tpu.memory_space<vmem_shared>>
      tpu.wait_indirect_dma semaphore(%run_scoped3A : memref<!tpu.dma_semaphore, #tpu.memory_space<semaphore_mem>>) src(%arg7 : memref<256xf32, #tpu.memory_space<vmem>>) dst(%dma_wait3A_1806 : memref<512000xf32, #tpu.memory_space<vmem_shared>>)
      tpu.yield
    }) : () -> ()
    %mul3A_723 = arith.constant 1000 : i32
    %mul3A_724 = arith.muli %add3A_510, %mul3A_723 : i32
    "tpu.region"() ({
      %run_scoped3A = tpu.sem_alloc : memref<!tpu.dma_semaphore, #tpu.memory_space<semaphore_mem>>
      %dma_start3A = tpu.memref_slice %arg4[%mul3A_724] : memref<8192000xf32, #tpu.memory_space<hbm>> -> memref<32000xf32, #tpu.memory_space<hbm>>
      %dma_start3A_1805 = tpu.memref_slice %arg10[%mul3A_4] : memref<512000xf32, #tpu.memory_space<vmem_shared>> -> memref<32000xf32, #tpu.memory_space<vmem_shared>>
      tpu.enqueue_dma source(%dma_start3A_1805 : memref<32000xf32, #tpu.memory_space<vmem_shared>>) target(%dma_start3A : memref<32000xf32, #tpu.memory_space<hbm>>) target_semaphore(%run_scoped3A : memref<!tpu.dma_semaphore, #tpu.memory_space<semaphore_mem>>)
      %dma_wait3A = tpu.memref_slice %arg4[%mul3A_724] : memref<8192000xf32, #tpu.memory_space<hbm>> -> memref<32000xf32, #tpu.memory_space<hbm>>
      %dma_wait3A_1806 = tpu.memref_slice %arg10[%mul3A_4] : memref<512000xf32, #tpu.memory_space<vmem_shared>> -> memref<32000xf32, #tpu.memory_space<vmem_shared>>
      tpu.wait_dma2 semaphore(%run_scoped3A : memref<!tpu.dma_semaphore, #tpu.memory_space<semaphore_mem>>) src(%dma_wait3A_1806 : memref<32000xf32, #tpu.memory_space<vmem_shared>>) dst(%dma_wait3A : memref<32000xf32, #tpu.memory_space<hbm>>)
      tpu.yield
    }) : () -> ()
    "tpu.region"() ({
      %run_scoped3A = tpu.sem_alloc : memref<!tpu.dma_semaphore, #tpu.memory_space<semaphore_mem>>
      %dma_start3A = arith.constant 0 : i32
      %dma_start3A_1805 = tpu.memref_slice %arg10[%dma_start3A] : memref<512000xf32, #tpu.memory_space<vmem_shared>> -> memref<512000xf32, #tpu.memory_space<vmem_shared>>
      tpu.enqueue_indirect_dma source(%arg9 : memref<256xf32, #tpu.memory_space<vmem>>) target(%dma_start3A_1805 : memref<512000xf32, #tpu.memory_space<vmem_shared>>) offsets(%arg8 : memref<256xi32, #tpu.memory_space<vmem>>) semaphore(%run_scoped3A : memref<!tpu.dma_semaphore, #tpu.memory_space<semaphore_mem>>)
      %dma_wait3A = arith.constant 0 : i32
      %dma_wait3A_1806 = tpu.memref_slice %arg10[%dma_wait3A] : memref<512000xf32, #tpu.memory_space<vmem_shared>> -> memref<512000xf32, #tpu.memory_space<vmem_shared>>
      tpu.wait_indirect_dma semaphore(%run_scoped3A : memref<!tpu.dma_semaphore, #tpu.memory_space<semaphore_mem>>) src(%arg9 : memref<256xf32, #tpu.memory_space<vmem>>) dst(%dma_wait3A_1806 : memref<512000xf32, #tpu.memory_space<vmem_shared>>)
      tpu.yield
    }) : () -> ()
    %add3A_725 = arith.constant 96 : i32
    %add3A_726 = arith.addi %mul3A_2, %add3A_725 : i32
    %mul3A_727 = arith.constant 8 : i32
    %mul3A_728 = arith.muli %add3A_726, %mul3A_727 : i32
    "tpu.region"() ({
      %run_scoped3A = tpu.sem_alloc : memref<!tpu.dma_semaphore, #tpu.memory_space<semaphore_mem>>
      %dma_start3A = tpu.memref_slice %arg2[%mul3A_728] : memref<65536xi32, #tpu.memory_space<hbm>> -> memref<256xi32, #tpu.memory_space<hbm>>
      %dma_start3A_1805 = tpu.memref_slice %arg2[%mul3A_728] : memref<65536xi32, #tpu.memory_space<hbm>> -> memref<256xi32, #tpu.memory_space<hbm>>
      tpu.enqueue_dma source(%dma_start3A_1805 : memref<256xi32, #tpu.memory_space<hbm>>) target(%arg6 : memref<256xi32, #tpu.memory_space<vmem>>) target_semaphore(%run_scoped3A : memref<!tpu.dma_semaphore, #tpu.memory_space<semaphore_mem>>)
      %dma_wait3A = tpu.memref_slice %arg2[%mul3A_728] : memref<65536xi32, #tpu.memory_space<hbm>> -> memref<256xi32, #tpu.memory_space<hbm>>
      %dma_wait3A_1806 = tpu.memref_slice %arg2[%mul3A_728] : memref<65536xi32, #tpu.memory_space<hbm>> -> memref<256xi32, #tpu.memory_space<hbm>>
      tpu.wait_dma2 semaphore(%run_scoped3A : memref<!tpu.dma_semaphore, #tpu.memory_space<semaphore_mem>>) src(%dma_wait3A_1806 : memref<256xi32, #tpu.memory_space<hbm>>) dst(%arg6 : memref<256xi32, #tpu.memory_space<vmem>>)
      tpu.yield
    }) : () -> ()
    %mul3A_729 = arith.constant 8 : i32
    %mul3A_730 = arith.muli %add3A_726, %mul3A_729 : i32
    "tpu.region"() ({
      %run_scoped3A = tpu.sem_alloc : memref<!tpu.dma_semaphore, #tpu.memory_space<semaphore_mem>>
      %dma_start3A = tpu.memref_slice %arg3[%mul3A_730] : memref<65536xf32, #tpu.memory_space<hbm>> -> memref<256xf32, #tpu.memory_space<hbm>>
      %dma_start3A_1805 = tpu.memref_slice %arg3[%mul3A_730] : memref<65536xf32, #tpu.memory_space<hbm>> -> memref<256xf32, #tpu.memory_space<hbm>>
      tpu.enqueue_dma source(%dma_start3A_1805 : memref<256xf32, #tpu.memory_space<hbm>>) target(%arg7 : memref<256xf32, #tpu.memory_space<vmem>>) target_semaphore(%run_scoped3A : memref<!tpu.dma_semaphore, #tpu.memory_space<semaphore_mem>>)
      %dma_wait3A = tpu.memref_slice %arg3[%mul3A_730] : memref<65536xf32, #tpu.memory_space<hbm>> -> memref<256xf32, #tpu.memory_space<hbm>>
      %dma_wait3A_1806 = tpu.memref_slice %arg3[%mul3A_730] : memref<65536xf32, #tpu.memory_space<hbm>> -> memref<256xf32, #tpu.memory_space<hbm>>
      tpu.wait_dma2 semaphore(%run_scoped3A : memref<!tpu.dma_semaphore, #tpu.memory_space<semaphore_mem>>) src(%dma_wait3A_1806 : memref<256xf32, #tpu.memory_space<hbm>>) dst(%arg7 : memref<256xf32, #tpu.memory_space<vmem>>)
      tpu.yield
    }) : () -> ()
    %get3A_731 = arith.constant 0 : index
    %get3A_732 = tpu.vector_load %arg6[%get3A_731] {strides = array<i32>} : memref<256xi32, #tpu.memory_space<vmem>>, vector<16xi32>,
    %get3A_733 = vector.shape_cast %get3A_732 : vector<16xi32> to vector<16xi32>
    %add3A_734 = arith.addi %get3A_733, %mul3A_77 : vector<16xi32>
    %add3A_735 = arith.constant 0 : i32
    %add3A_736 = vector.broadcast %add3A_735 : i32 to vector<16xi32>
    %add3A_737 = arith.addi %add3A_734, %add3A_736 : vector<16xi32>
    %add3A_738 = vector.broadcast %mul3A_4 : i32 to vector<16xi32>
    %add3A_739 = arith.addi %add3A_737, %add3A_738 : vector<16xi32>
    %swap3A_740 = arith.constant 0 : index
    %swap3A_741 = tpu.vector_load %arg8[%swap3A_740] {strides = array<i32>} : memref<256xi32, #tpu.memory_space<vmem>>, vector<16xi32>,
    %swap3A_742 = vector.shape_cast %swap3A_741 : vector<16xi32> to vector<16xi32>
    %swap3A_743 = vector.shape_cast %add3A_739 : vector<16xi32> to vector<16xi32>
    tpu.vector_store %arg8[%swap3A_740], %swap3A_743 {strides = array<i32>} : memref<256xi32, #tpu.memory_space<vmem>>, vector<16xi32>,
    %get3A_744 = arith.constant 16 : index
    %get3A_745 = tpu.vector_load %arg6[%get3A_744] {strides = array<i32>} : memref<256xi32, #tpu.memory_space<vmem>>, vector<16xi32>,
    %get3A_746 = vector.shape_cast %get3A_745 : vector<16xi32> to vector<16xi32>
    %add3A_747 = arith.addi %get3A_746, %mul3A_77 : vector<16xi32>
    %add3A_748 = arith.constant 2000 : i32
    %add3A_749 = vector.broadcast %add3A_748 : i32 to vector<16xi32>
    %add3A_750 = arith.addi %add3A_747, %add3A_749 : vector<16xi32>
    %add3A_751 = vector.broadcast %mul3A_4 : i32 to vector<16xi32>
    %add3A_752 = arith.addi %add3A_750, %add3A_751 : vector<16xi32>
    %swap3A_753 = arith.constant 16 : index
    %swap3A_754 = tpu.vector_load %arg8[%swap3A_753] {strides = array<i32>} : memref<256xi32, #tpu.memory_space<vmem>>, vector<16xi32>,
    %swap3A_755 = vector.shape_cast %swap3A_754 : vector<16xi32> to vector<16xi32>
    %swap3A_756 = vector.shape_cast %add3A_752 : vector<16xi32> to vector<16xi32>
    tpu.vector_store %arg8[%swap3A_753], %swap3A_756 {strides = array<i32>} : memref<256xi32, #tpu.memory_space<vmem>>, vector<16xi32>,
    %get3A_757 = arith.constant 32 : index
    %get3A_758 = tpu.vector_load %arg6[%get3A_757] {strides = array<i32>} : memref<256xi32, #tpu.memory_space<vmem>>, vector<16xi32>,
    %get3A_759 = vector.shape_cast %get3A_758 : vector<16xi32> to vector<16xi32>
    %add3A_760 = arith.addi %get3A_759, %mul3A_77 : vector<16xi32>
    %add3A_761 = arith.constant 4000 : i32
    %add3A_762 = vector.broadcast %add3A_761 : i32 to vector<16xi32>
    %add3A_763 = arith.addi %add3A_760, %add3A_762 : vector<16xi32>
    %add3A_764 = vector.broadcast %mul3A_4 : i32 to vector<16xi32>
    %add3A_765 = arith.addi %add3A_763, %add3A_764 : vector<16xi32>
    %swap3A_766 = arith.constant 32 : index
    %swap3A_767 = tpu.vector_load %arg8[%swap3A_766] {strides = array<i32>} : memref<256xi32, #tpu.memory_space<vmem>>, vector<16xi32>,
    %swap3A_768 = vector.shape_cast %swap3A_767 : vector<16xi32> to vector<16xi32>
    %swap3A_769 = vector.shape_cast %add3A_765 : vector<16xi32> to vector<16xi32>
    tpu.vector_store %arg8[%swap3A_766], %swap3A_769 {strides = array<i32>} : memref<256xi32, #tpu.memory_space<vmem>>, vector<16xi32>,
    %get3A_770 = arith.constant 48 : index
    %get3A_771 = tpu.vector_load %arg6[%get3A_770] {strides = array<i32>} : memref<256xi32, #tpu.memory_space<vmem>>, vector<16xi32>,
    %get3A_772 = vector.shape_cast %get3A_771 : vector<16xi32> to vector<16xi32>
    %add3A_773 = arith.addi %get3A_772, %mul3A_77 : vector<16xi32>
    %add3A_774 = arith.constant 6000 : i32
    %add3A_775 = vector.broadcast %add3A_774 : i32 to vector<16xi32>
    %add3A_776 = arith.addi %add3A_773, %add3A_775 : vector<16xi32>
    %add3A_777 = vector.broadcast %mul3A_4 : i32 to vector<16xi32>
    %add3A_778 = arith.addi %add3A_776, %add3A_777 : vector<16xi32>
    %swap3A_779 = arith.constant 48 : index
    %swap3A_780 = tpu.vector_load %arg8[%swap3A_779] {strides = array<i32>} : memref<256xi32, #tpu.memory_space<vmem>>, vector<16xi32>,
    %swap3A_781 = vector.shape_cast %swap3A_780 : vector<16xi32> to vector<16xi32>
    %swap3A_782 = vector.shape_cast %add3A_778 : vector<16xi32> to vector<16xi32>
    tpu.vector_store %arg8[%swap3A_779], %swap3A_782 {strides = array<i32>} : memref<256xi32, #tpu.memory_space<vmem>>, vector<16xi32>,
    %get3A_783 = arith.constant 64 : index
    %get3A_784 = tpu.vector_load %arg6[%get3A_783] {strides = array<i32>} : memref<256xi32, #tpu.memory_space<vmem>>, vector<16xi32>,
    %get3A_785 = vector.shape_cast %get3A_784 : vector<16xi32> to vector<16xi32>
    %add3A_786 = arith.addi %get3A_785, %mul3A_77 : vector<16xi32>
    %add3A_787 = arith.constant 8000 : i32
    %add3A_788 = vector.broadcast %add3A_787 : i32 to vector<16xi32>
    %add3A_789 = arith.addi %add3A_786, %add3A_788 : vector<16xi32>
    %add3A_790 = vector.broadcast %mul3A_4 : i32 to vector<16xi32>
    %add3A_791 = arith.addi %add3A_789, %add3A_790 : vector<16xi32>
    %swap3A_792 = arith.constant 64 : index
    %swap3A_793 = tpu.vector_load %arg8[%swap3A_792] {strides = array<i32>} : memref<256xi32, #tpu.memory_space<vmem>>, vector<16xi32>,
    %swap3A_794 = vector.shape_cast %swap3A_793 : vector<16xi32> to vector<16xi32>
    %swap3A_795 = vector.shape_cast %add3A_791 : vector<16xi32> to vector<16xi32>
    tpu.vector_store %arg8[%swap3A_792], %swap3A_795 {strides = array<i32>} : memref<256xi32, #tpu.memory_space<vmem>>, vector<16xi32>,
    %get3A_796 = arith.constant 80 : index
    %get3A_797 = tpu.vector_load %arg6[%get3A_796] {strides = array<i32>} : memref<256xi32, #tpu.memory_space<vmem>>, vector<16xi32>,
    %get3A_798 = vector.shape_cast %get3A_797 : vector<16xi32> to vector<16xi32>
    %add3A_799 = arith.addi %get3A_798, %mul3A_77 : vector<16xi32>
    %add3A_800 = arith.constant 10000 : i32
    %add3A_801 = vector.broadcast %add3A_800 : i32 to vector<16xi32>
    %add3A_802 = arith.addi %add3A_799, %add3A_801 : vector<16xi32>
    %add3A_803 = vector.broadcast %mul3A_4 : i32 to vector<16xi32>
    %add3A_804 = arith.addi %add3A_802, %add3A_803 : vector<16xi32>
    %swap3A_805 = arith.constant 80 : index
    %swap3A_806 = tpu.vector_load %arg8[%swap3A_805] {strides = array<i32>} : memref<256xi32, #tpu.memory_space<vmem>>, vector<16xi32>,
    %swap3A_807 = vector.shape_cast %swap3A_806 : vector<16xi32> to vector<16xi32>
    %swap3A_808 = vector.shape_cast %add3A_804 : vector<16xi32> to vector<16xi32>
    tpu.vector_store %arg8[%swap3A_805], %swap3A_808 {strides = array<i32>} : memref<256xi32, #tpu.memory_space<vmem>>, vector<16xi32>,
    %get3A_809 = arith.constant 96 : index
    %get3A_810 = tpu.vector_load %arg6[%get3A_809] {strides = array<i32>} : memref<256xi32, #tpu.memory_space<vmem>>, vector<16xi32>,
    %get3A_811 = vector.shape_cast %get3A_810 : vector<16xi32> to vector<16xi32>
    %add3A_812 = arith.addi %get3A_811, %mul3A_77 : vector<16xi32>
    %add3A_813 = arith.constant 12000 : i32
    %add3A_814 = vector.broadcast %add3A_813 : i32 to vector<16xi32>
    %add3A_815 = arith.addi %add3A_812, %add3A_814 : vector<16xi32>
    %add3A_816 = vector.broadcast %mul3A_4 : i32 to vector<16xi32>
    %add3A_817 = arith.addi %add3A_815, %add3A_816 : vector<16xi32>
    %swap3A_818 = arith.constant 96 : index
    %swap3A_819 = tpu.vector_load %arg8[%swap3A_818] {strides = array<i32>} : memref<256xi32, #tpu.memory_space<vmem>>, vector<16xi32>,
    %swap3A_820 = vector.shape_cast %swap3A_819 : vector<16xi32> to vector<16xi32>
    %swap3A_821 = vector.shape_cast %add3A_817 : vector<16xi32> to vector<16xi32>
    tpu.vector_store %arg8[%swap3A_818], %swap3A_821 {strides = array<i32>} : memref<256xi32, #tpu.memory_space<vmem>>, vector<16xi32>,
    %get3A_822 = arith.constant 112 : index
    %get3A_823 = tpu.vector_load %arg6[%get3A_822] {strides = array<i32>} : memref<256xi32, #tpu.memory_space<vmem>>, vector<16xi32>,
    %get3A_824 = vector.shape_cast %get3A_823 : vector<16xi32> to vector<16xi32>
    %add3A_825 = arith.addi %get3A_824, %mul3A_77 : vector<16xi32>
    %add3A_826 = arith.constant 14000 : i32
    %add3A_827 = vector.broadcast %add3A_826 : i32 to vector<16xi32>
    %add3A_828 = arith.addi %add3A_825, %add3A_827 : vector<16xi32>
    %add3A_829 = vector.broadcast %mul3A_4 : i32 to vector<16xi32>
    %add3A_830 = arith.addi %add3A_828, %add3A_829 : vector<16xi32>
    %swap3A_831 = arith.constant 112 : index
    %swap3A_832 = tpu.vector_load %arg8[%swap3A_831] {strides = array<i32>} : memref<256xi32, #tpu.memory_space<vmem>>, vector<16xi32>,
    %swap3A_833 = vector.shape_cast %swap3A_832 : vector<16xi32> to vector<16xi32>
    %swap3A_834 = vector.shape_cast %add3A_830 : vector<16xi32> to vector<16xi32>
    tpu.vector_store %arg8[%swap3A_831], %swap3A_834 {strides = array<i32>} : memref<256xi32, #tpu.memory_space<vmem>>, vector<16xi32>,
    %get3A_835 = arith.constant 128 : index
    %get3A_836 = tpu.vector_load %arg6[%get3A_835] {strides = array<i32>} : memref<256xi32, #tpu.memory_space<vmem>>, vector<16xi32>,
    %get3A_837 = vector.shape_cast %get3A_836 : vector<16xi32> to vector<16xi32>
    %add3A_838 = arith.addi %get3A_837, %mul3A_77 : vector<16xi32>
    %add3A_839 = arith.constant 16000 : i32
    %add3A_840 = vector.broadcast %add3A_839 : i32 to vector<16xi32>
    %add3A_841 = arith.addi %add3A_838, %add3A_840 : vector<16xi32>
    %add3A_842 = vector.broadcast %mul3A_4 : i32 to vector<16xi32>
    %add3A_843 = arith.addi %add3A_841, %add3A_842 : vector<16xi32>
    %swap3A_844 = arith.constant 128 : index
    %swap3A_845 = tpu.vector_load %arg8[%swap3A_844] {strides = array<i32>} : memref<256xi32, #tpu.memory_space<vmem>>, vector<16xi32>,
    %swap3A_846 = vector.shape_cast %swap3A_845 : vector<16xi32> to vector<16xi32>
    %swap3A_847 = vector.shape_cast %add3A_843 : vector<16xi32> to vector<16xi32>
    tpu.vector_store %arg8[%swap3A_844], %swap3A_847 {strides = array<i32>} : memref<256xi32, #tpu.memory_space<vmem>>, vector<16xi32>,
    %get3A_848 = arith.constant 144 : index
    %get3A_849 = tpu.vector_load %arg6[%get3A_848] {strides = array<i32>} : memref<256xi32, #tpu.memory_space<vmem>>, vector<16xi32>,
    %get3A_850 = vector.shape_cast %get3A_849 : vector<16xi32> to vector<16xi32>
    %add3A_851 = arith.addi %get3A_850, %mul3A_77 : vector<16xi32>
    %add3A_852 = arith.constant 18000 : i32
    %add3A_853 = vector.broadcast %add3A_852 : i32 to vector<16xi32>
    %add3A_854 = arith.addi %add3A_851, %add3A_853 : vector<16xi32>
    %add3A_855 = vector.broadcast %mul3A_4 : i32 to vector<16xi32>
    %add3A_856 = arith.addi %add3A_854, %add3A_855 : vector<16xi32>
    %swap3A_857 = arith.constant 144 : index
    %swap3A_858 = tpu.vector_load %arg8[%swap3A_857] {strides = array<i32>} : memref<256xi32, #tpu.memory_space<vmem>>, vector<16xi32>,
    %swap3A_859 = vector.shape_cast %swap3A_858 : vector<16xi32> to vector<16xi32>
    %swap3A_860 = vector.shape_cast %add3A_856 : vector<16xi32> to vector<16xi32>
    tpu.vector_store %arg8[%swap3A_857], %swap3A_860 {strides = array<i32>} : memref<256xi32, #tpu.memory_space<vmem>>, vector<16xi32>,
    %get3A_861 = arith.constant 160 : index
    %get3A_862 = tpu.vector_load %arg6[%get3A_861] {strides = array<i32>} : memref<256xi32, #tpu.memory_space<vmem>>, vector<16xi32>,
    %get3A_863 = vector.shape_cast %get3A_862 : vector<16xi32> to vector<16xi32>
    %add3A_864 = arith.addi %get3A_863, %mul3A_77 : vector<16xi32>
    %add3A_865 = arith.constant 20000 : i32
    %add3A_866 = vector.broadcast %add3A_865 : i32 to vector<16xi32>
    %add3A_867 = arith.addi %add3A_864, %add3A_866 : vector<16xi32>
    %add3A_868 = vector.broadcast %mul3A_4 : i32 to vector<16xi32>
    %add3A_869 = arith.addi %add3A_867, %add3A_868 : vector<16xi32>
    %swap3A_870 = arith.constant 160 : index
    %swap3A_871 = tpu.vector_load %arg8[%swap3A_870] {strides = array<i32>} : memref<256xi32, #tpu.memory_space<vmem>>, vector<16xi32>,
    %swap3A_872 = vector.shape_cast %swap3A_871 : vector<16xi32> to vector<16xi32>
    %swap3A_873 = vector.shape_cast %add3A_869 : vector<16xi32> to vector<16xi32>
    tpu.vector_store %arg8[%swap3A_870], %swap3A_873 {strides = array<i32>} : memref<256xi32, #tpu.memory_space<vmem>>, vector<16xi32>,
    %get3A_874 = arith.constant 176 : index
    %get3A_875 = tpu.vector_load %arg6[%get3A_874] {strides = array<i32>} : memref<256xi32, #tpu.memory_space<vmem>>, vector<16xi32>,
    %get3A_876 = vector.shape_cast %get3A_875 : vector<16xi32> to vector<16xi32>
    %add3A_877 = arith.addi %get3A_876, %mul3A_77 : vector<16xi32>
    %add3A_878 = arith.constant 22000 : i32
    %add3A_879 = vector.broadcast %add3A_878 : i32 to vector<16xi32>
    %add3A_880 = arith.addi %add3A_877, %add3A_879 : vector<16xi32>
    %add3A_881 = vector.broadcast %mul3A_4 : i32 to vector<16xi32>
    %add3A_882 = arith.addi %add3A_880, %add3A_881 : vector<16xi32>
    %swap3A_883 = arith.constant 176 : index
    %swap3A_884 = tpu.vector_load %arg8[%swap3A_883] {strides = array<i32>} : memref<256xi32, #tpu.memory_space<vmem>>, vector<16xi32>,
    %swap3A_885 = vector.shape_cast %swap3A_884 : vector<16xi32> to vector<16xi32>
    %swap3A_886 = vector.shape_cast %add3A_882 : vector<16xi32> to vector<16xi32>
    tpu.vector_store %arg8[%swap3A_883], %swap3A_886 {strides = array<i32>} : memref<256xi32, #tpu.memory_space<vmem>>, vector<16xi32>,
    %get3A_887 = arith.constant 192 : index
    %get3A_888 = tpu.vector_load %arg6[%get3A_887] {strides = array<i32>} : memref<256xi32, #tpu.memory_space<vmem>>, vector<16xi32>,
    %get3A_889 = vector.shape_cast %get3A_888 : vector<16xi32> to vector<16xi32>
    %add3A_890 = arith.addi %get3A_889, %mul3A_77 : vector<16xi32>
    %add3A_891 = arith.constant 24000 : i32
    %add3A_892 = vector.broadcast %add3A_891 : i32 to vector<16xi32>
    %add3A_893 = arith.addi %add3A_890, %add3A_892 : vector<16xi32>
    %add3A_894 = vector.broadcast %mul3A_4 : i32 to vector<16xi32>
    %add3A_895 = arith.addi %add3A_893, %add3A_894 : vector<16xi32>
    %swap3A_896 = arith.constant 192 : index
    %swap3A_897 = tpu.vector_load %arg8[%swap3A_896] {strides = array<i32>} : memref<256xi32, #tpu.memory_space<vmem>>, vector<16xi32>,
    %swap3A_898 = vector.shape_cast %swap3A_897 : vector<16xi32> to vector<16xi32>
    %swap3A_899 = vector.shape_cast %add3A_895 : vector<16xi32> to vector<16xi32>
    tpu.vector_store %arg8[%swap3A_896], %swap3A_899 {strides = array<i32>} : memref<256xi32, #tpu.memory_space<vmem>>, vector<16xi32>,
    %get3A_900 = arith.constant 208 : index
    %get3A_901 = tpu.vector_load %arg6[%get3A_900] {strides = array<i32>} : memref<256xi32, #tpu.memory_space<vmem>>, vector<16xi32>,
    %get3A_902 = vector.shape_cast %get3A_901 : vector<16xi32> to vector<16xi32>
    %add3A_903 = arith.addi %get3A_902, %mul3A_77 : vector<16xi32>
    %add3A_904 = arith.constant 26000 : i32
    %add3A_905 = vector.broadcast %add3A_904 : i32 to vector<16xi32>
    %add3A_906 = arith.addi %add3A_903, %add3A_905 : vector<16xi32>
    %add3A_907 = vector.broadcast %mul3A_4 : i32 to vector<16xi32>
    %add3A_908 = arith.addi %add3A_906, %add3A_907 : vector<16xi32>
    %swap3A_909 = arith.constant 208 : index
    %swap3A_910 = tpu.vector_load %arg8[%swap3A_909] {strides = array<i32>} : memref<256xi32, #tpu.memory_space<vmem>>, vector<16xi32>,
    %swap3A_911 = vector.shape_cast %swap3A_910 : vector<16xi32> to vector<16xi32>
    %swap3A_912 = vector.shape_cast %add3A_908 : vector<16xi32> to vector<16xi32>
    tpu.vector_store %arg8[%swap3A_909], %swap3A_912 {strides = array<i32>} : memref<256xi32, #tpu.memory_space<vmem>>, vector<16xi32>,
    %get3A_913 = arith.constant 224 : index
    %get3A_914 = tpu.vector_load %arg6[%get3A_913] {strides = array<i32>} : memref<256xi32, #tpu.memory_space<vmem>>, vector<16xi32>,
    %get3A_915 = vector.shape_cast %get3A_914 : vector<16xi32> to vector<16xi32>
    %add3A_916 = arith.addi %get3A_915, %mul3A_77 : vector<16xi32>
    %add3A_917 = arith.constant 28000 : i32
    %add3A_918 = vector.broadcast %add3A_917 : i32 to vector<16xi32>
    %add3A_919 = arith.addi %add3A_916, %add3A_918 : vector<16xi32>
    %add3A_920 = vector.broadcast %mul3A_4 : i32 to vector<16xi32>
    %add3A_921 = arith.addi %add3A_919, %add3A_920 : vector<16xi32>
    %swap3A_922 = arith.constant 224 : index
    %swap3A_923 = tpu.vector_load %arg8[%swap3A_922] {strides = array<i32>} : memref<256xi32, #tpu.memory_space<vmem>>, vector<16xi32>,
    %swap3A_924 = vector.shape_cast %swap3A_923 : vector<16xi32> to vector<16xi32>
    %swap3A_925 = vector.shape_cast %add3A_921 : vector<16xi32> to vector<16xi32>
    tpu.vector_store %arg8[%swap3A_922], %swap3A_925 {strides = array<i32>} : memref<256xi32, #tpu.memory_space<vmem>>, vector<16xi32>,
    %get3A_926 = arith.constant 240 : index
    %get3A_927 = tpu.vector_load %arg6[%get3A_926] {strides = array<i32>} : memref<256xi32, #tpu.memory_space<vmem>>, vector<16xi32>,
    %get3A_928 = vector.shape_cast %get3A_927 : vector<16xi32> to vector<16xi32>
    %add3A_929 = arith.addi %get3A_928, %mul3A_77 : vector<16xi32>
    %add3A_930 = arith.constant 30000 : i32
    %add3A_931 = vector.broadcast %add3A_930 : i32 to vector<16xi32>
    %add3A_932 = arith.addi %add3A_929, %add3A_931 : vector<16xi32>
    %add3A_933 = vector.broadcast %mul3A_4 : i32 to vector<16xi32>
    %add3A_934 = arith.addi %add3A_932, %add3A_933 : vector<16xi32>
    %swap3A_935 = arith.constant 240 : index
    %swap3A_936 = tpu.vector_load %arg8[%swap3A_935] {strides = array<i32>} : memref<256xi32, #tpu.memory_space<vmem>>, vector<16xi32>,
    %swap3A_937 = vector.shape_cast %swap3A_936 : vector<16xi32> to vector<16xi32>
    %swap3A_938 = vector.shape_cast %add3A_934 : vector<16xi32> to vector<16xi32>
    tpu.vector_store %arg8[%swap3A_935], %swap3A_938 {strides = array<i32>} : memref<256xi32, #tpu.memory_space<vmem>>, vector<16xi32>,
    "tpu.region"() ({
      %run_scoped3A = tpu.sem_alloc : memref<!tpu.dma_semaphore, #tpu.memory_space<semaphore_mem>>
      %dma_start3A = arith.constant 0 : i32
      %dma_start3A_1805 = tpu.memref_slice %arg10[%dma_start3A] : memref<512000xf32, #tpu.memory_space<vmem_shared>> -> memref<512000xf32, #tpu.memory_space<vmem_shared>>
      tpu.enqueue_indirect_dma source(%arg7 : memref<256xf32, #tpu.memory_space<vmem>>) target(%dma_start3A_1805 : memref<512000xf32, #tpu.memory_space<vmem_shared>>) offsets(%arg8 : memref<256xi32, #tpu.memory_space<vmem>>) semaphore(%run_scoped3A : memref<!tpu.dma_semaphore, #tpu.memory_space<semaphore_mem>>)
      %dma_wait3A = arith.constant 0 : i32
      %dma_wait3A_1806 = tpu.memref_slice %arg10[%dma_wait3A] : memref<512000xf32, #tpu.memory_space<vmem_shared>> -> memref<512000xf32, #tpu.memory_space<vmem_shared>>
      tpu.wait_indirect_dma semaphore(%run_scoped3A : memref<!tpu.dma_semaphore, #tpu.memory_space<semaphore_mem>>) src(%arg7 : memref<256xf32, #tpu.memory_space<vmem>>) dst(%dma_wait3A_1806 : memref<512000xf32, #tpu.memory_space<vmem_shared>>)
      tpu.yield
    }) : () -> ()
    %mul3A_939 = arith.constant 1000 : i32
    %mul3A_940 = arith.muli %add3A_726, %mul3A_939 : i32
    "tpu.region"() ({
      %run_scoped3A = tpu.sem_alloc : memref<!tpu.dma_semaphore, #tpu.memory_space<semaphore_mem>>
      %dma_start3A = tpu.memref_slice %arg4[%mul3A_940] : memref<8192000xf32, #tpu.memory_space<hbm>> -> memref<32000xf32, #tpu.memory_space<hbm>>
      %dma_start3A_1805 = tpu.memref_slice %arg10[%mul3A_4] : memref<512000xf32, #tpu.memory_space<vmem_shared>> -> memref<32000xf32, #tpu.memory_space<vmem_shared>>
      tpu.enqueue_dma source(%dma_start3A_1805 : memref<32000xf32, #tpu.memory_space<vmem_shared>>) target(%dma_start3A : memref<32000xf32, #tpu.memory_space<hbm>>) target_semaphore(%run_scoped3A : memref<!tpu.dma_semaphore, #tpu.memory_space<semaphore_mem>>)
      %dma_wait3A = tpu.memref_slice %arg4[%mul3A_940] : memref<8192000xf32, #tpu.memory_space<hbm>> -> memref<32000xf32, #tpu.memory_space<hbm>>
      %dma_wait3A_1806 = tpu.memref_slice %arg10[%mul3A_4] : memref<512000xf32, #tpu.memory_space<vmem_shared>> -> memref<32000xf32, #tpu.memory_space<vmem_shared>>
      tpu.wait_dma2 semaphore(%run_scoped3A : memref<!tpu.dma_semaphore, #tpu.memory_space<semaphore_mem>>) src(%dma_wait3A_1806 : memref<32000xf32, #tpu.memory_space<vmem_shared>>) dst(%dma_wait3A : memref<32000xf32, #tpu.memory_space<hbm>>)
      tpu.yield
    }) : () -> ()
    "tpu.region"() ({
      %run_scoped3A = tpu.sem_alloc : memref<!tpu.dma_semaphore, #tpu.memory_space<semaphore_mem>>
      %dma_start3A = arith.constant 0 : i32
      %dma_start3A_1805 = tpu.memref_slice %arg10[%dma_start3A] : memref<512000xf32, #tpu.memory_space<vmem_shared>> -> memref<512000xf32, #tpu.memory_space<vmem_shared>>
      tpu.enqueue_indirect_dma source(%arg9 : memref<256xf32, #tpu.memory_space<vmem>>) target(%dma_start3A_1805 : memref<512000xf32, #tpu.memory_space<vmem_shared>>) offsets(%arg8 : memref<256xi32, #tpu.memory_space<vmem>>) semaphore(%run_scoped3A : memref<!tpu.dma_semaphore, #tpu.memory_space<semaphore_mem>>)
      %dma_wait3A = arith.constant 0 : i32
      %dma_wait3A_1806 = tpu.memref_slice %arg10[%dma_wait3A] : memref<512000xf32, #tpu.memory_space<vmem_shared>> -> memref<512000xf32, #tpu.memory_space<vmem_shared>>
      tpu.wait_indirect_dma semaphore(%run_scoped3A : memref<!tpu.dma_semaphore, #tpu.memory_space<semaphore_mem>>) src(%arg9 : memref<256xf32, #tpu.memory_space<vmem>>) dst(%dma_wait3A_1806 : memref<512000xf32, #tpu.memory_space<vmem_shared>>)
      tpu.yield
    }) : () -> ()
    %add3A_941 = arith.constant 128 : i32
    %add3A_942 = arith.addi %mul3A_2, %add3A_941 : i32
    %mul3A_943 = arith.constant 8 : i32
    %mul3A_944 = arith.muli %add3A_942, %mul3A_943 : i32
    "tpu.region"() ({
      %run_scoped3A = tpu.sem_alloc : memref<!tpu.dma_semaphore, #tpu.memory_space<semaphore_mem>>
      %dma_start3A = tpu.memref_slice %arg2[%mul3A_944] : memref<65536xi32, #tpu.memory_space<hbm>> -> memref<256xi32, #tpu.memory_space<hbm>>
      %dma_start3A_1805 = tpu.memref_slice %arg2[%mul3A_944] : memref<65536xi32, #tpu.memory_space<hbm>> -> memref<256xi32, #tpu.memory_space<hbm>>
      tpu.enqueue_dma source(%dma_start3A_1805 : memref<256xi32, #tpu.memory_space<hbm>>) target(%arg6 : memref<256xi32, #tpu.memory_space<vmem>>) target_semaphore(%run_scoped3A : memref<!tpu.dma_semaphore, #tpu.memory_space<semaphore_mem>>)
      %dma_wait3A = tpu.memref_slice %arg2[%mul3A_944] : memref<65536xi32, #tpu.memory_space<hbm>> -> memref<256xi32, #tpu.memory_space<hbm>>
      %dma_wait3A_1806 = tpu.memref_slice %arg2[%mul3A_944] : memref<65536xi32, #tpu.memory_space<hbm>> -> memref<256xi32, #tpu.memory_space<hbm>>
      tpu.wait_dma2 semaphore(%run_scoped3A : memref<!tpu.dma_semaphore, #tpu.memory_space<semaphore_mem>>) src(%dma_wait3A_1806 : memref<256xi32, #tpu.memory_space<hbm>>) dst(%arg6 : memref<256xi32, #tpu.memory_space<vmem>>)
      tpu.yield
    }) : () -> ()
    %mul3A_945 = arith.constant 8 : i32
    %mul3A_946 = arith.muli %add3A_942, %mul3A_945 : i32
    "tpu.region"() ({
      %run_scoped3A = tpu.sem_alloc : memref<!tpu.dma_semaphore, #tpu.memory_space<semaphore_mem>>
      %dma_start3A = tpu.memref_slice %arg3[%mul3A_946] : memref<65536xf32, #tpu.memory_space<hbm>> -> memref<256xf32, #tpu.memory_space<hbm>>
      %dma_start3A_1805 = tpu.memref_slice %arg3[%mul3A_946] : memref<65536xf32, #tpu.memory_space<hbm>> -> memref<256xf32, #tpu.memory_space<hbm>>
      tpu.enqueue_dma source(%dma_start3A_1805 : memref<256xf32, #tpu.memory_space<hbm>>) target(%arg7 : memref<256xf32, #tpu.memory_space<vmem>>) target_semaphore(%run_scoped3A : memref<!tpu.dma_semaphore, #tpu.memory_space<semaphore_mem>>)
      %dma_wait3A = tpu.memref_slice %arg3[%mul3A_946] : memref<65536xf32, #tpu.memory_space<hbm>> -> memref<256xf32, #tpu.memory_space<hbm>>
      %dma_wait3A_1806 = tpu.memref_slice %arg3[%mul3A_946] : memref<65536xf32, #tpu.memory_space<hbm>> -> memref<256xf32, #tpu.memory_space<hbm>>
      tpu.wait_dma2 semaphore(%run_scoped3A : memref<!tpu.dma_semaphore, #tpu.memory_space<semaphore_mem>>) src(%dma_wait3A_1806 : memref<256xf32, #tpu.memory_space<hbm>>) dst(%arg7 : memref<256xf32, #tpu.memory_space<vmem>>)
      tpu.yield
    }) : () -> ()
    %get3A_947 = arith.constant 0 : index
    %get3A_948 = tpu.vector_load %arg6[%get3A_947] {strides = array<i32>} : memref<256xi32, #tpu.memory_space<vmem>>, vector<16xi32>,
    %get3A_949 = vector.shape_cast %get3A_948 : vector<16xi32> to vector<16xi32>
    %add3A_950 = arith.addi %get3A_949, %mul3A_77 : vector<16xi32>
    %add3A_951 = arith.constant 0 : i32
    %add3A_952 = vector.broadcast %add3A_951 : i32 to vector<16xi32>
    %add3A_953 = arith.addi %add3A_950, %add3A_952 : vector<16xi32>
    %add3A_954 = vector.broadcast %mul3A_4 : i32 to vector<16xi32>
    %add3A_955 = arith.addi %add3A_953, %add3A_954 : vector<16xi32>
    %swap3A_956 = arith.constant 0 : index
    %swap3A_957 = tpu.vector_load %arg8[%swap3A_956] {strides = array<i32>} : memref<256xi32, #tpu.memory_space<vmem>>, vector<16xi32>,
    %swap3A_958 = vector.shape_cast %swap3A_957 : vector<16xi32> to vector<16xi32>
    %swap3A_959 = vector.shape_cast %add3A_955 : vector<16xi32> to vector<16xi32>
    tpu.vector_store %arg8[%swap3A_956], %swap3A_959 {strides = array<i32>} : memref<256xi32, #tpu.memory_space<vmem>>, vector<16xi32>,
    %get3A_960 = arith.constant 16 : index
    %get3A_961 = tpu.vector_load %arg6[%get3A_960] {strides = array<i32>} : memref<256xi32, #tpu.memory_space<vmem>>, vector<16xi32>,
    %get3A_962 = vector.shape_cast %get3A_961 : vector<16xi32> to vector<16xi32>
    %add3A_963 = arith.addi %get3A_962, %mul3A_77 : vector<16xi32>
    %add3A_964 = arith.constant 2000 : i32
    %add3A_965 = vector.broadcast %add3A_964 : i32 to vector<16xi32>
    %add3A_966 = arith.addi %add3A_963, %add3A_965 : vector<16xi32>
    %add3A_967 = vector.broadcast %mul3A_4 : i32 to vector<16xi32>
    %add3A_968 = arith.addi %add3A_966, %add3A_967 : vector<16xi32>
    %swap3A_969 = arith.constant 16 : index
    %swap3A_970 = tpu.vector_load %arg8[%swap3A_969] {strides = array<i32>} : memref<256xi32, #tpu.memory_space<vmem>>, vector<16xi32>,
    %swap3A_971 = vector.shape_cast %swap3A_970 : vector<16xi32> to vector<16xi32>
    %swap3A_972 = vector.shape_cast %add3A_968 : vector<16xi32> to vector<16xi32>
    tpu.vector_store %arg8[%swap3A_969], %swap3A_972 {strides = array<i32>} : memref<256xi32, #tpu.memory_space<vmem>>, vector<16xi32>,
    %get3A_973 = arith.constant 32 : index
    %get3A_974 = tpu.vector_load %arg6[%get3A_973] {strides = array<i32>} : memref<256xi32, #tpu.memory_space<vmem>>, vector<16xi32>,
    %get3A_975 = vector.shape_cast %get3A_974 : vector<16xi32> to vector<16xi32>
    %add3A_976 = arith.addi %get3A_975, %mul3A_77 : vector<16xi32>
    %add3A_977 = arith.constant 4000 : i32
    %add3A_978 = vector.broadcast %add3A_977 : i32 to vector<16xi32>
    %add3A_979 = arith.addi %add3A_976, %add3A_978 : vector<16xi32>
    %add3A_980 = vector.broadcast %mul3A_4 : i32 to vector<16xi32>
    %add3A_981 = arith.addi %add3A_979, %add3A_980 : vector<16xi32>
    %swap3A_982 = arith.constant 32 : index
    %swap3A_983 = tpu.vector_load %arg8[%swap3A_982] {strides = array<i32>} : memref<256xi32, #tpu.memory_space<vmem>>, vector<16xi32>,
    %swap3A_984 = vector.shape_cast %swap3A_983 : vector<16xi32> to vector<16xi32>
    %swap3A_985 = vector.shape_cast %add3A_981 : vector<16xi32> to vector<16xi32>
    tpu.vector_store %arg8[%swap3A_982], %swap3A_985 {strides = array<i32>} : memref<256xi32, #tpu.memory_space<vmem>>, vector<16xi32>,
    %get3A_986 = arith.constant 48 : index
    %get3A_987 = tpu.vector_load %arg6[%get3A_986] {strides = array<i32>} : memref<256xi32, #tpu.memory_space<vmem>>, vector<16xi32>,
    %get3A_988 = vector.shape_cast %get3A_987 : vector<16xi32> to vector<16xi32>
    %add3A_989 = arith.addi %get3A_988, %mul3A_77 : vector<16xi32>
    %add3A_990 = arith.constant 6000 : i32
    %add3A_991 = vector.broadcast %add3A_990 : i32 to vector<16xi32>
    %add3A_992 = arith.addi %add3A_989, %add3A_991 : vector<16xi32>
    %add3A_993 = vector.broadcast %mul3A_4 : i32 to vector<16xi32>
    %add3A_994 = arith.addi %add3A_992, %add3A_993 : vector<16xi32>
    %swap3A_995 = arith.constant 48 : index
    %swap3A_996 = tpu.vector_load %arg8[%swap3A_995] {strides = array<i32>} : memref<256xi32, #tpu.memory_space<vmem>>, vector<16xi32>,
    %swap3A_997 = vector.shape_cast %swap3A_996 : vector<16xi32> to vector<16xi32>
    %swap3A_998 = vector.shape_cast %add3A_994 : vector<16xi32> to vector<16xi32>
    tpu.vector_store %arg8[%swap3A_995], %swap3A_998 {strides = array<i32>} : memref<256xi32, #tpu.memory_space<vmem>>, vector<16xi32>,
    %get3A_999 = arith.constant 64 : index
    %get3A_1000 = tpu.vector_load %arg6[%get3A_999] {strides = array<i32>} : memref<256xi32, #tpu.memory_space<vmem>>, vector<16xi32>,
    %get3A_1001 = vector.shape_cast %get3A_1000 : vector<16xi32> to vector<16xi32>
    %add3A_1002 = arith.addi %get3A_1001, %mul3A_77 : vector<16xi32>
    %add3A_1003 = arith.constant 8000 : i32
    %add3A_1004 = vector.broadcast %add3A_1003 : i32 to vector<16xi32>
    %add3A_1005 = arith.addi %add3A_1002, %add3A_1004 : vector<16xi32>
    %add3A_1006 = vector.broadcast %mul3A_4 : i32 to vector<16xi32>
    %add3A_1007 = arith.addi %add3A_1005, %add3A_1006 : vector<16xi32>
    %swap3A_1008 = arith.constant 64 : index
    %swap3A_1009 = tpu.vector_load %arg8[%swap3A_1008] {strides = array<i32>} : memref<256xi32, #tpu.memory_space<vmem>>, vector<16xi32>,
    %swap3A_1010 = vector.shape_cast %swap3A_1009 : vector<16xi32> to vector<16xi32>
    %swap3A_1011 = vector.shape_cast %add3A_1007 : vector<16xi32> to vector<16xi32>
    tpu.vector_store %arg8[%swap3A_1008], %swap3A_1011 {strides = array<i32>} : memref<256xi32, #tpu.memory_space<vmem>>, vector<16xi32>,
    %get3A_1012 = arith.constant 80 : index
    %get3A_1013 = tpu.vector_load %arg6[%get3A_1012] {strides = array<i32>} : memref<256xi32, #tpu.memory_space<vmem>>, vector<16xi32>,
    %get3A_1014 = vector.shape_cast %get3A_1013 : vector<16xi32> to vector<16xi32>
    %add3A_1015 = arith.addi %get3A_1014, %mul3A_77 : vector<16xi32>
    %add3A_1016 = arith.constant 10000 : i32
    %add3A_1017 = vector.broadcast %add3A_1016 : i32 to vector<16xi32>
    %add3A_1018 = arith.addi %add3A_1015, %add3A_1017 : vector<16xi32>
    %add3A_1019 = vector.broadcast %mul3A_4 : i32 to vector<16xi32>
    %add3A_1020 = arith.addi %add3A_1018, %add3A_1019 : vector<16xi32>
    %swap3A_1021 = arith.constant 80 : index
    %swap3A_1022 = tpu.vector_load %arg8[%swap3A_1021] {strides = array<i32>} : memref<256xi32, #tpu.memory_space<vmem>>, vector<16xi32>,
    %swap3A_1023 = vector.shape_cast %swap3A_1022 : vector<16xi32> to vector<16xi32>
    %swap3A_1024 = vector.shape_cast %add3A_1020 : vector<16xi32> to vector<16xi32>
    tpu.vector_store %arg8[%swap3A_1021], %swap3A_1024 {strides = array<i32>} : memref<256xi32, #tpu.memory_space<vmem>>, vector<16xi32>,
    %get3A_1025 = arith.constant 96 : index
    %get3A_1026 = tpu.vector_load %arg6[%get3A_1025] {strides = array<i32>} : memref<256xi32, #tpu.memory_space<vmem>>, vector<16xi32>,
    %get3A_1027 = vector.shape_cast %get3A_1026 : vector<16xi32> to vector<16xi32>
    %add3A_1028 = arith.addi %get3A_1027, %mul3A_77 : vector<16xi32>
    %add3A_1029 = arith.constant 12000 : i32
    %add3A_1030 = vector.broadcast %add3A_1029 : i32 to vector<16xi32>
    %add3A_1031 = arith.addi %add3A_1028, %add3A_1030 : vector<16xi32>
    %add3A_1032 = vector.broadcast %mul3A_4 : i32 to vector<16xi32>
    %add3A_1033 = arith.addi %add3A_1031, %add3A_1032 : vector<16xi32>
    %swap3A_1034 = arith.constant 96 : index
    %swap3A_1035 = tpu.vector_load %arg8[%swap3A_1034] {strides = array<i32>} : memref<256xi32, #tpu.memory_space<vmem>>, vector<16xi32>,
    %swap3A_1036 = vector.shape_cast %swap3A_1035 : vector<16xi32> to vector<16xi32>
    %swap3A_1037 = vector.shape_cast %add3A_1033 : vector<16xi32> to vector<16xi32>
    tpu.vector_store %arg8[%swap3A_1034], %swap3A_1037 {strides = array<i32>} : memref<256xi32, #tpu.memory_space<vmem>>, vector<16xi32>,
    %get3A_1038 = arith.constant 112 : index
    %get3A_1039 = tpu.vector_load %arg6[%get3A_1038] {strides = array<i32>} : memref<256xi32, #tpu.memory_space<vmem>>, vector<16xi32>,
    %get3A_1040 = vector.shape_cast %get3A_1039 : vector<16xi32> to vector<16xi32>
    %add3A_1041 = arith.addi %get3A_1040, %mul3A_77 : vector<16xi32>
    %add3A_1042 = arith.constant 14000 : i32
    %add3A_1043 = vector.broadcast %add3A_1042 : i32 to vector<16xi32>
    %add3A_1044 = arith.addi %add3A_1041, %add3A_1043 : vector<16xi32>
    %add3A_1045 = vector.broadcast %mul3A_4 : i32 to vector<16xi32>
    %add3A_1046 = arith.addi %add3A_1044, %add3A_1045 : vector<16xi32>
    %swap3A_1047 = arith.constant 112 : index
    %swap3A_1048 = tpu.vector_load %arg8[%swap3A_1047] {strides = array<i32>} : memref<256xi32, #tpu.memory_space<vmem>>, vector<16xi32>,
    %swap3A_1049 = vector.shape_cast %swap3A_1048 : vector<16xi32> to vector<16xi32>
    %swap3A_1050 = vector.shape_cast %add3A_1046 : vector<16xi32> to vector<16xi32>
    tpu.vector_store %arg8[%swap3A_1047], %swap3A_1050 {strides = array<i32>} : memref<256xi32, #tpu.memory_space<vmem>>, vector<16xi32>,
    %get3A_1051 = arith.constant 128 : index
    %get3A_1052 = tpu.vector_load %arg6[%get3A_1051] {strides = array<i32>} : memref<256xi32, #tpu.memory_space<vmem>>, vector<16xi32>,
    %get3A_1053 = vector.shape_cast %get3A_1052 : vector<16xi32> to vector<16xi32>
    %add3A_1054 = arith.addi %get3A_1053, %mul3A_77 : vector<16xi32>
    %add3A_1055 = arith.constant 16000 : i32
    %add3A_1056 = vector.broadcast %add3A_1055 : i32 to vector<16xi32>
    %add3A_1057 = arith.addi %add3A_1054, %add3A_1056 : vector<16xi32>
    %add3A_1058 = vector.broadcast %mul3A_4 : i32 to vector<16xi32>
    %add3A_1059 = arith.addi %add3A_1057, %add3A_1058 : vector<16xi32>
    %swap3A_1060 = arith.constant 128 : index
    %swap3A_1061 = tpu.vector_load %arg8[%swap3A_1060] {strides = array<i32>} : memref<256xi32, #tpu.memory_space<vmem>>, vector<16xi32>,
    %swap3A_1062 = vector.shape_cast %swap3A_1061 : vector<16xi32> to vector<16xi32>
    %swap3A_1063 = vector.shape_cast %add3A_1059 : vector<16xi32> to vector<16xi32>
    tpu.vector_store %arg8[%swap3A_1060], %swap3A_1063 {strides = array<i32>} : memref<256xi32, #tpu.memory_space<vmem>>, vector<16xi32>,
    %get3A_1064 = arith.constant 144 : index
    %get3A_1065 = tpu.vector_load %arg6[%get3A_1064] {strides = array<i32>} : memref<256xi32, #tpu.memory_space<vmem>>, vector<16xi32>,
    %get3A_1066 = vector.shape_cast %get3A_1065 : vector<16xi32> to vector<16xi32>
    %add3A_1067 = arith.addi %get3A_1066, %mul3A_77 : vector<16xi32>
    %add3A_1068 = arith.constant 18000 : i32
    %add3A_1069 = vector.broadcast %add3A_1068 : i32 to vector<16xi32>
    %add3A_1070 = arith.addi %add3A_1067, %add3A_1069 : vector<16xi32>
    %add3A_1071 = vector.broadcast %mul3A_4 : i32 to vector<16xi32>
    %add3A_1072 = arith.addi %add3A_1070, %add3A_1071 : vector<16xi32>
    %swap3A_1073 = arith.constant 144 : index
    %swap3A_1074 = tpu.vector_load %arg8[%swap3A_1073] {strides = array<i32>} : memref<256xi32, #tpu.memory_space<vmem>>, vector<16xi32>,
    %swap3A_1075 = vector.shape_cast %swap3A_1074 : vector<16xi32> to vector<16xi32>
    %swap3A_1076 = vector.shape_cast %add3A_1072 : vector<16xi32> to vector<16xi32>
    tpu.vector_store %arg8[%swap3A_1073], %swap3A_1076 {strides = array<i32>} : memref<256xi32, #tpu.memory_space<vmem>>, vector<16xi32>,
    %get3A_1077 = arith.constant 160 : index
    %get3A_1078 = tpu.vector_load %arg6[%get3A_1077] {strides = array<i32>} : memref<256xi32, #tpu.memory_space<vmem>>, vector<16xi32>,
    %get3A_1079 = vector.shape_cast %get3A_1078 : vector<16xi32> to vector<16xi32>
    %add3A_1080 = arith.addi %get3A_1079, %mul3A_77 : vector<16xi32>
    %add3A_1081 = arith.constant 20000 : i32
    %add3A_1082 = vector.broadcast %add3A_1081 : i32 to vector<16xi32>
    %add3A_1083 = arith.addi %add3A_1080, %add3A_1082 : vector<16xi32>
    %add3A_1084 = vector.broadcast %mul3A_4 : i32 to vector<16xi32>
    %add3A_1085 = arith.addi %add3A_1083, %add3A_1084 : vector<16xi32>
    %swap3A_1086 = arith.constant 160 : index
    %swap3A_1087 = tpu.vector_load %arg8[%swap3A_1086] {strides = array<i32>} : memref<256xi32, #tpu.memory_space<vmem>>, vector<16xi32>,
    %swap3A_1088 = vector.shape_cast %swap3A_1087 : vector<16xi32> to vector<16xi32>
    %swap3A_1089 = vector.shape_cast %add3A_1085 : vector<16xi32> to vector<16xi32>
    tpu.vector_store %arg8[%swap3A_1086], %swap3A_1089 {strides = array<i32>} : memref<256xi32, #tpu.memory_space<vmem>>, vector<16xi32>,
    %get3A_1090 = arith.constant 176 : index
    %get3A_1091 = tpu.vector_load %arg6[%get3A_1090] {strides = array<i32>} : memref<256xi32, #tpu.memory_space<vmem>>, vector<16xi32>,
    %get3A_1092 = vector.shape_cast %get3A_1091 : vector<16xi32> to vector<16xi32>
    %add3A_1093 = arith.addi %get3A_1092, %mul3A_77 : vector<16xi32>
    %add3A_1094 = arith.constant 22000 : i32
    %add3A_1095 = vector.broadcast %add3A_1094 : i32 to vector<16xi32>
    %add3A_1096 = arith.addi %add3A_1093, %add3A_1095 : vector<16xi32>
    %add3A_1097 = vector.broadcast %mul3A_4 : i32 to vector<16xi32>
    %add3A_1098 = arith.addi %add3A_1096, %add3A_1097 : vector<16xi32>
    %swap3A_1099 = arith.constant 176 : index
    %swap3A_1100 = tpu.vector_load %arg8[%swap3A_1099] {strides = array<i32>} : memref<256xi32, #tpu.memory_space<vmem>>, vector<16xi32>,
    %swap3A_1101 = vector.shape_cast %swap3A_1100 : vector<16xi32> to vector<16xi32>
    %swap3A_1102 = vector.shape_cast %add3A_1098 : vector<16xi32> to vector<16xi32>
    tpu.vector_store %arg8[%swap3A_1099], %swap3A_1102 {strides = array<i32>} : memref<256xi32, #tpu.memory_space<vmem>>, vector<16xi32>,
    %get3A_1103 = arith.constant 192 : index
    %get3A_1104 = tpu.vector_load %arg6[%get3A_1103] {strides = array<i32>} : memref<256xi32, #tpu.memory_space<vmem>>, vector<16xi32>,
    %get3A_1105 = vector.shape_cast %get3A_1104 : vector<16xi32> to vector<16xi32>
    %add3A_1106 = arith.addi %get3A_1105, %mul3A_77 : vector<16xi32>
    %add3A_1107 = arith.constant 24000 : i32
    %add3A_1108 = vector.broadcast %add3A_1107 : i32 to vector<16xi32>
    %add3A_1109 = arith.addi %add3A_1106, %add3A_1108 : vector<16xi32>
    %add3A_1110 = vector.broadcast %mul3A_4 : i32 to vector<16xi32>
    %add3A_1111 = arith.addi %add3A_1109, %add3A_1110 : vector<16xi32>
    %swap3A_1112 = arith.constant 192 : index
    %swap3A_1113 = tpu.vector_load %arg8[%swap3A_1112] {strides = array<i32>} : memref<256xi32, #tpu.memory_space<vmem>>, vector<16xi32>,
    %swap3A_1114 = vector.shape_cast %swap3A_1113 : vector<16xi32> to vector<16xi32>
    %swap3A_1115 = vector.shape_cast %add3A_1111 : vector<16xi32> to vector<16xi32>
    tpu.vector_store %arg8[%swap3A_1112], %swap3A_1115 {strides = array<i32>} : memref<256xi32, #tpu.memory_space<vmem>>, vector<16xi32>,
    %get3A_1116 = arith.constant 208 : index
    %get3A_1117 = tpu.vector_load %arg6[%get3A_1116] {strides = array<i32>} : memref<256xi32, #tpu.memory_space<vmem>>, vector<16xi32>,
    %get3A_1118 = vector.shape_cast %get3A_1117 : vector<16xi32> to vector<16xi32>
    %add3A_1119 = arith.addi %get3A_1118, %mul3A_77 : vector<16xi32>
    %add3A_1120 = arith.constant 26000 : i32
    %add3A_1121 = vector.broadcast %add3A_1120 : i32 to vector<16xi32>
    %add3A_1122 = arith.addi %add3A_1119, %add3A_1121 : vector<16xi32>
    %add3A_1123 = vector.broadcast %mul3A_4 : i32 to vector<16xi32>
    %add3A_1124 = arith.addi %add3A_1122, %add3A_1123 : vector<16xi32>
    %swap3A_1125 = arith.constant 208 : index
    %swap3A_1126 = tpu.vector_load %arg8[%swap3A_1125] {strides = array<i32>} : memref<256xi32, #tpu.memory_space<vmem>>, vector<16xi32>,
    %swap3A_1127 = vector.shape_cast %swap3A_1126 : vector<16xi32> to vector<16xi32>
    %swap3A_1128 = vector.shape_cast %add3A_1124 : vector<16xi32> to vector<16xi32>
    tpu.vector_store %arg8[%swap3A_1125], %swap3A_1128 {strides = array<i32>} : memref<256xi32, #tpu.memory_space<vmem>>, vector<16xi32>,
    %get3A_1129 = arith.constant 224 : index
    %get3A_1130 = tpu.vector_load %arg6[%get3A_1129] {strides = array<i32>} : memref<256xi32, #tpu.memory_space<vmem>>, vector<16xi32>,
    %get3A_1131 = vector.shape_cast %get3A_1130 : vector<16xi32> to vector<16xi32>
    %add3A_1132 = arith.addi %get3A_1131, %mul3A_77 : vector<16xi32>
    %add3A_1133 = arith.constant 28000 : i32
    %add3A_1134 = vector.broadcast %add3A_1133 : i32 to vector<16xi32>
    %add3A_1135 = arith.addi %add3A_1132, %add3A_1134 : vector<16xi32>
    %add3A_1136 = vector.broadcast %mul3A_4 : i32 to vector<16xi32>
    %add3A_1137 = arith.addi %add3A_1135, %add3A_1136 : vector<16xi32>
    %swap3A_1138 = arith.constant 224 : index
    %swap3A_1139 = tpu.vector_load %arg8[%swap3A_1138] {strides = array<i32>} : memref<256xi32, #tpu.memory_space<vmem>>, vector<16xi32>,
    %swap3A_1140 = vector.shape_cast %swap3A_1139 : vector<16xi32> to vector<16xi32>
    %swap3A_1141 = vector.shape_cast %add3A_1137 : vector<16xi32> to vector<16xi32>
    tpu.vector_store %arg8[%swap3A_1138], %swap3A_1141 {strides = array<i32>} : memref<256xi32, #tpu.memory_space<vmem>>, vector<16xi32>,
    %get3A_1142 = arith.constant 240 : index
    %get3A_1143 = tpu.vector_load %arg6[%get3A_1142] {strides = array<i32>} : memref<256xi32, #tpu.memory_space<vmem>>, vector<16xi32>,
    %get3A_1144 = vector.shape_cast %get3A_1143 : vector<16xi32> to vector<16xi32>
    %add3A_1145 = arith.addi %get3A_1144, %mul3A_77 : vector<16xi32>
    %add3A_1146 = arith.constant 30000 : i32
    %add3A_1147 = vector.broadcast %add3A_1146 : i32 to vector<16xi32>
    %add3A_1148 = arith.addi %add3A_1145, %add3A_1147 : vector<16xi32>
    %add3A_1149 = vector.broadcast %mul3A_4 : i32 to vector<16xi32>
    %add3A_1150 = arith.addi %add3A_1148, %add3A_1149 : vector<16xi32>
    %swap3A_1151 = arith.constant 240 : index
    %swap3A_1152 = tpu.vector_load %arg8[%swap3A_1151] {strides = array<i32>} : memref<256xi32, #tpu.memory_space<vmem>>, vector<16xi32>,
    %swap3A_1153 = vector.shape_cast %swap3A_1152 : vector<16xi32> to vector<16xi32>
    %swap3A_1154 = vector.shape_cast %add3A_1150 : vector<16xi32> to vector<16xi32>
    tpu.vector_store %arg8[%swap3A_1151], %swap3A_1154 {strides = array<i32>} : memref<256xi32, #tpu.memory_space<vmem>>, vector<16xi32>,
    "tpu.region"() ({
      %run_scoped3A = tpu.sem_alloc : memref<!tpu.dma_semaphore, #tpu.memory_space<semaphore_mem>>
      %dma_start3A = arith.constant 0 : i32
      %dma_start3A_1805 = tpu.memref_slice %arg10[%dma_start3A] : memref<512000xf32, #tpu.memory_space<vmem_shared>> -> memref<512000xf32, #tpu.memory_space<vmem_shared>>
      tpu.enqueue_indirect_dma source(%arg7 : memref<256xf32, #tpu.memory_space<vmem>>) target(%dma_start3A_1805 : memref<512000xf32, #tpu.memory_space<vmem_shared>>) offsets(%arg8 : memref<256xi32, #tpu.memory_space<vmem>>) semaphore(%run_scoped3A : memref<!tpu.dma_semaphore, #tpu.memory_space<semaphore_mem>>)
      %dma_wait3A = arith.constant 0 : i32
      %dma_wait3A_1806 = tpu.memref_slice %arg10[%dma_wait3A] : memref<512000xf32, #tpu.memory_space<vmem_shared>> -> memref<512000xf32, #tpu.memory_space<vmem_shared>>
      tpu.wait_indirect_dma semaphore(%run_scoped3A : memref<!tpu.dma_semaphore, #tpu.memory_space<semaphore_mem>>) src(%arg7 : memref<256xf32, #tpu.memory_space<vmem>>) dst(%dma_wait3A_1806 : memref<512000xf32, #tpu.memory_space<vmem_shared>>)
      tpu.yield
    }) : () -> ()
    %mul3A_1155 = arith.constant 1000 : i32
    %mul3A_1156 = arith.muli %add3A_942, %mul3A_1155 : i32
    "tpu.region"() ({
      %run_scoped3A = tpu.sem_alloc : memref<!tpu.dma_semaphore, #tpu.memory_space<semaphore_mem>>
      %dma_start3A = tpu.memref_slice %arg4[%mul3A_1156] : memref<8192000xf32, #tpu.memory_space<hbm>> -> memref<32000xf32, #tpu.memory_space<hbm>>
      %dma_start3A_1805 = tpu.memref_slice %arg10[%mul3A_4] : memref<512000xf32, #tpu.memory_space<vmem_shared>> -> memref<32000xf32, #tpu.memory_space<vmem_shared>>
      tpu.enqueue_dma source(%dma_start3A_1805 : memref<32000xf32, #tpu.memory_space<vmem_shared>>) target(%dma_start3A : memref<32000xf32, #tpu.memory_space<hbm>>) target_semaphore(%run_scoped3A : memref<!tpu.dma_semaphore, #tpu.memory_space<semaphore_mem>>)
      %dma_wait3A = tpu.memref_slice %arg4[%mul3A_1156] : memref<8192000xf32, #tpu.memory_space<hbm>> -> memref<32000xf32, #tpu.memory_space<hbm>>
      %dma_wait3A_1806 = tpu.memref_slice %arg10[%mul3A_4] : memref<512000xf32, #tpu.memory_space<vmem_shared>> -> memref<32000xf32, #tpu.memory_space<vmem_shared>>
      tpu.wait_dma2 semaphore(%run_scoped3A : memref<!tpu.dma_semaphore, #tpu.memory_space<semaphore_mem>>) src(%dma_wait3A_1806 : memref<32000xf32, #tpu.memory_space<vmem_shared>>) dst(%dma_wait3A : memref<32000xf32, #tpu.memory_space<hbm>>)
      tpu.yield
    }) : () -> ()
    "tpu.region"() ({
      %run_scoped3A = tpu.sem_alloc : memref<!tpu.dma_semaphore, #tpu.memory_space<semaphore_mem>>
      %dma_start3A = arith.constant 0 : i32
      %dma_start3A_1805 = tpu.memref_slice %arg10[%dma_start3A] : memref<512000xf32, #tpu.memory_space<vmem_shared>> -> memref<512000xf32, #tpu.memory_space<vmem_shared>>
      tpu.enqueue_indirect_dma source(%arg9 : memref<256xf32, #tpu.memory_space<vmem>>) target(%dma_start3A_1805 : memref<512000xf32, #tpu.memory_space<vmem_shared>>) offsets(%arg8 : memref<256xi32, #tpu.memory_space<vmem>>) semaphore(%run_scoped3A : memref<!tpu.dma_semaphore, #tpu.memory_space<semaphore_mem>>)
      %dma_wait3A = arith.constant 0 : i32
      %dma_wait3A_1806 = tpu.memref_slice %arg10[%dma_wait3A] : memref<512000xf32, #tpu.memory_space<vmem_shared>> -> memref<512000xf32, #tpu.memory_space<vmem_shared>>
      tpu.wait_indirect_dma semaphore(%run_scoped3A : memref<!tpu.dma_semaphore, #tpu.memory_space<semaphore_mem>>) src(%arg9 : memref<256xf32, #tpu.memory_space<vmem>>) dst(%dma_wait3A_1806 : memref<512000xf32, #tpu.memory_space<vmem_shared>>)
      tpu.yield
    }) : () -> ()
    %add3A_1157 = arith.constant 160 : i32
    %add3A_1158 = arith.addi %mul3A_2, %add3A_1157 : i32
    %mul3A_1159 = arith.constant 8 : i32
    %mul3A_1160 = arith.muli %add3A_1158, %mul3A_1159 : i32
    "tpu.region"() ({
      %run_scoped3A = tpu.sem_alloc : memref<!tpu.dma_semaphore, #tpu.memory_space<semaphore_mem>>
      %dma_start3A = tpu.memref_slice %arg2[%mul3A_1160] : memref<65536xi32, #tpu.memory_space<hbm>> -> memref<256xi32, #tpu.memory_space<hbm>>
      %dma_start3A_1805 = tpu.memref_slice %arg2[%mul3A_1160] : memref<65536xi32, #tpu.memory_space<hbm>> -> memref<256xi32, #tpu.memory_space<hbm>>
      tpu.enqueue_dma source(%dma_start3A_1805 : memref<256xi32, #tpu.memory_space<hbm>>) target(%arg6 : memref<256xi32, #tpu.memory_space<vmem>>) target_semaphore(%run_scoped3A : memref<!tpu.dma_semaphore, #tpu.memory_space<semaphore_mem>>)
      %dma_wait3A = tpu.memref_slice %arg2[%mul3A_1160] : memref<65536xi32, #tpu.memory_space<hbm>> -> memref<256xi32, #tpu.memory_space<hbm>>
      %dma_wait3A_1806 = tpu.memref_slice %arg2[%mul3A_1160] : memref<65536xi32, #tpu.memory_space<hbm>> -> memref<256xi32, #tpu.memory_space<hbm>>
      tpu.wait_dma2 semaphore(%run_scoped3A : memref<!tpu.dma_semaphore, #tpu.memory_space<semaphore_mem>>) src(%dma_wait3A_1806 : memref<256xi32, #tpu.memory_space<hbm>>) dst(%arg6 : memref<256xi32, #tpu.memory_space<vmem>>)
      tpu.yield
    }) : () -> ()
    %mul3A_1161 = arith.constant 8 : i32
    %mul3A_1162 = arith.muli %add3A_1158, %mul3A_1161 : i32
    "tpu.region"() ({
      %run_scoped3A = tpu.sem_alloc : memref<!tpu.dma_semaphore, #tpu.memory_space<semaphore_mem>>
      %dma_start3A = tpu.memref_slice %arg3[%mul3A_1162] : memref<65536xf32, #tpu.memory_space<hbm>> -> memref<256xf32, #tpu.memory_space<hbm>>
      %dma_start3A_1805 = tpu.memref_slice %arg3[%mul3A_1162] : memref<65536xf32, #tpu.memory_space<hbm>> -> memref<256xf32, #tpu.memory_space<hbm>>
      tpu.enqueue_dma source(%dma_start3A_1805 : memref<256xf32, #tpu.memory_space<hbm>>) target(%arg7 : memref<256xf32, #tpu.memory_space<vmem>>) target_semaphore(%run_scoped3A : memref<!tpu.dma_semaphore, #tpu.memory_space<semaphore_mem>>)
      %dma_wait3A = tpu.memref_slice %arg3[%mul3A_1162] : memref<65536xf32, #tpu.memory_space<hbm>> -> memref<256xf32, #tpu.memory_space<hbm>>
      %dma_wait3A_1806 = tpu.memref_slice %arg3[%mul3A_1162] : memref<65536xf32, #tpu.memory_space<hbm>> -> memref<256xf32, #tpu.memory_space<hbm>>
      tpu.wait_dma2 semaphore(%run_scoped3A : memref<!tpu.dma_semaphore, #tpu.memory_space<semaphore_mem>>) src(%dma_wait3A_1806 : memref<256xf32, #tpu.memory_space<hbm>>) dst(%arg7 : memref<256xf32, #tpu.memory_space<vmem>>)
      tpu.yield
    }) : () -> ()
    %get3A_1163 = arith.constant 0 : index
    %get3A_1164 = tpu.vector_load %arg6[%get3A_1163] {strides = array<i32>} : memref<256xi32, #tpu.memory_space<vmem>>, vector<16xi32>,
    %get3A_1165 = vector.shape_cast %get3A_1164 : vector<16xi32> to vector<16xi32>
    %add3A_1166 = arith.addi %get3A_1165, %mul3A_77 : vector<16xi32>
    %add3A_1167 = arith.constant 0 : i32
    %add3A_1168 = vector.broadcast %add3A_1167 : i32 to vector<16xi32>
    %add3A_1169 = arith.addi %add3A_1166, %add3A_1168 : vector<16xi32>
    %add3A_1170 = vector.broadcast %mul3A_4 : i32 to vector<16xi32>
    %add3A_1171 = arith.addi %add3A_1169, %add3A_1170 : vector<16xi32>
    %swap3A_1172 = arith.constant 0 : index
    %swap3A_1173 = tpu.vector_load %arg8[%swap3A_1172] {strides = array<i32>} : memref<256xi32, #tpu.memory_space<vmem>>, vector<16xi32>,
    %swap3A_1174 = vector.shape_cast %swap3A_1173 : vector<16xi32> to vector<16xi32>
    %swap3A_1175 = vector.shape_cast %add3A_1171 : vector<16xi32> to vector<16xi32>
    tpu.vector_store %arg8[%swap3A_1172], %swap3A_1175 {strides = array<i32>} : memref<256xi32, #tpu.memory_space<vmem>>, vector<16xi32>,
    %get3A_1176 = arith.constant 16 : index
    %get3A_1177 = tpu.vector_load %arg6[%get3A_1176] {strides = array<i32>} : memref<256xi32, #tpu.memory_space<vmem>>, vector<16xi32>,
    %get3A_1178 = vector.shape_cast %get3A_1177 : vector<16xi32> to vector<16xi32>
    %add3A_1179 = arith.addi %get3A_1178, %mul3A_77 : vector<16xi32>
    %add3A_1180 = arith.constant 2000 : i32
    %add3A_1181 = vector.broadcast %add3A_1180 : i32 to vector<16xi32>
    %add3A_1182 = arith.addi %add3A_1179, %add3A_1181 : vector<16xi32>
    %add3A_1183 = vector.broadcast %mul3A_4 : i32 to vector<16xi32>
    %add3A_1184 = arith.addi %add3A_1182, %add3A_1183 : vector<16xi32>
    %swap3A_1185 = arith.constant 16 : index
    %swap3A_1186 = tpu.vector_load %arg8[%swap3A_1185] {strides = array<i32>} : memref<256xi32, #tpu.memory_space<vmem>>, vector<16xi32>,
    %swap3A_1187 = vector.shape_cast %swap3A_1186 : vector<16xi32> to vector<16xi32>
    %swap3A_1188 = vector.shape_cast %add3A_1184 : vector<16xi32> to vector<16xi32>
    tpu.vector_store %arg8[%swap3A_1185], %swap3A_1188 {strides = array<i32>} : memref<256xi32, #tpu.memory_space<vmem>>, vector<16xi32>,
    %get3A_1189 = arith.constant 32 : index
    %get3A_1190 = tpu.vector_load %arg6[%get3A_1189] {strides = array<i32>} : memref<256xi32, #tpu.memory_space<vmem>>, vector<16xi32>,
    %get3A_1191 = vector.shape_cast %get3A_1190 : vector<16xi32> to vector<16xi32>
    %add3A_1192 = arith.addi %get3A_1191, %mul3A_77 : vector<16xi32>
    %add3A_1193 = arith.constant 4000 : i32
    %add3A_1194 = vector.broadcast %add3A_1193 : i32 to vector<16xi32>
    %add3A_1195 = arith.addi %add3A_1192, %add3A_1194 : vector<16xi32>
    %add3A_1196 = vector.broadcast %mul3A_4 : i32 to vector<16xi32>
    %add3A_1197 = arith.addi %add3A_1195, %add3A_1196 : vector<16xi32>
    %swap3A_1198 = arith.constant 32 : index
    %swap3A_1199 = tpu.vector_load %arg8[%swap3A_1198] {strides = array<i32>} : memref<256xi32, #tpu.memory_space<vmem>>, vector<16xi32>,
    %swap3A_1200 = vector.shape_cast %swap3A_1199 : vector<16xi32> to vector<16xi32>
    %swap3A_1201 = vector.shape_cast %add3A_1197 : vector<16xi32> to vector<16xi32>
    tpu.vector_store %arg8[%swap3A_1198], %swap3A_1201 {strides = array<i32>} : memref<256xi32, #tpu.memory_space<vmem>>, vector<16xi32>,
    %get3A_1202 = arith.constant 48 : index
    %get3A_1203 = tpu.vector_load %arg6[%get3A_1202] {strides = array<i32>} : memref<256xi32, #tpu.memory_space<vmem>>, vector<16xi32>,
    %get3A_1204 = vector.shape_cast %get3A_1203 : vector<16xi32> to vector<16xi32>
    %add3A_1205 = arith.addi %get3A_1204, %mul3A_77 : vector<16xi32>
    %add3A_1206 = arith.constant 6000 : i32
    %add3A_1207 = vector.broadcast %add3A_1206 : i32 to vector<16xi32>
    %add3A_1208 = arith.addi %add3A_1205, %add3A_1207 : vector<16xi32>
    %add3A_1209 = vector.broadcast %mul3A_4 : i32 to vector<16xi32>
    %add3A_1210 = arith.addi %add3A_1208, %add3A_1209 : vector<16xi32>
    %swap3A_1211 = arith.constant 48 : index
    %swap3A_1212 = tpu.vector_load %arg8[%swap3A_1211] {strides = array<i32>} : memref<256xi32, #tpu.memory_space<vmem>>, vector<16xi32>,
    %swap3A_1213 = vector.shape_cast %swap3A_1212 : vector<16xi32> to vector<16xi32>
    %swap3A_1214 = vector.shape_cast %add3A_1210 : vector<16xi32> to vector<16xi32>
    tpu.vector_store %arg8[%swap3A_1211], %swap3A_1214 {strides = array<i32>} : memref<256xi32, #tpu.memory_space<vmem>>, vector<16xi32>,
    %get3A_1215 = arith.constant 64 : index
    %get3A_1216 = tpu.vector_load %arg6[%get3A_1215] {strides = array<i32>} : memref<256xi32, #tpu.memory_space<vmem>>, vector<16xi32>,
    %get3A_1217 = vector.shape_cast %get3A_1216 : vector<16xi32> to vector<16xi32>
    %add3A_1218 = arith.addi %get3A_1217, %mul3A_77 : vector<16xi32>
    %add3A_1219 = arith.constant 8000 : i32
    %add3A_1220 = vector.broadcast %add3A_1219 : i32 to vector<16xi32>
    %add3A_1221 = arith.addi %add3A_1218, %add3A_1220 : vector<16xi32>
    %add3A_1222 = vector.broadcast %mul3A_4 : i32 to vector<16xi32>
    %add3A_1223 = arith.addi %add3A_1221, %add3A_1222 : vector<16xi32>
    %swap3A_1224 = arith.constant 64 : index
    %swap3A_1225 = tpu.vector_load %arg8[%swap3A_1224] {strides = array<i32>} : memref<256xi32, #tpu.memory_space<vmem>>, vector<16xi32>,
    %swap3A_1226 = vector.shape_cast %swap3A_1225 : vector<16xi32> to vector<16xi32>
    %swap3A_1227 = vector.shape_cast %add3A_1223 : vector<16xi32> to vector<16xi32>
    tpu.vector_store %arg8[%swap3A_1224], %swap3A_1227 {strides = array<i32>} : memref<256xi32, #tpu.memory_space<vmem>>, vector<16xi32>,
    %get3A_1228 = arith.constant 80 : index
    %get3A_1229 = tpu.vector_load %arg6[%get3A_1228] {strides = array<i32>} : memref<256xi32, #tpu.memory_space<vmem>>, vector<16xi32>,
    %get3A_1230 = vector.shape_cast %get3A_1229 : vector<16xi32> to vector<16xi32>
    %add3A_1231 = arith.addi %get3A_1230, %mul3A_77 : vector<16xi32>
    %add3A_1232 = arith.constant 10000 : i32
    %add3A_1233 = vector.broadcast %add3A_1232 : i32 to vector<16xi32>
    %add3A_1234 = arith.addi %add3A_1231, %add3A_1233 : vector<16xi32>
    %add3A_1235 = vector.broadcast %mul3A_4 : i32 to vector<16xi32>
    %add3A_1236 = arith.addi %add3A_1234, %add3A_1235 : vector<16xi32>
    %swap3A_1237 = arith.constant 80 : index
    %swap3A_1238 = tpu.vector_load %arg8[%swap3A_1237] {strides = array<i32>} : memref<256xi32, #tpu.memory_space<vmem>>, vector<16xi32>,
    %swap3A_1239 = vector.shape_cast %swap3A_1238 : vector<16xi32> to vector<16xi32>
    %swap3A_1240 = vector.shape_cast %add3A_1236 : vector<16xi32> to vector<16xi32>
    tpu.vector_store %arg8[%swap3A_1237], %swap3A_1240 {strides = array<i32>} : memref<256xi32, #tpu.memory_space<vmem>>, vector<16xi32>,
    %get3A_1241 = arith.constant 96 : index
    %get3A_1242 = tpu.vector_load %arg6[%get3A_1241] {strides = array<i32>} : memref<256xi32, #tpu.memory_space<vmem>>, vector<16xi32>,
    %get3A_1243 = vector.shape_cast %get3A_1242 : vector<16xi32> to vector<16xi32>
    %add3A_1244 = arith.addi %get3A_1243, %mul3A_77 : vector<16xi32>
    %add3A_1245 = arith.constant 12000 : i32
    %add3A_1246 = vector.broadcast %add3A_1245 : i32 to vector<16xi32>
    %add3A_1247 = arith.addi %add3A_1244, %add3A_1246 : vector<16xi32>
    %add3A_1248 = vector.broadcast %mul3A_4 : i32 to vector<16xi32>
    %add3A_1249 = arith.addi %add3A_1247, %add3A_1248 : vector<16xi32>
    %swap3A_1250 = arith.constant 96 : index
    %swap3A_1251 = tpu.vector_load %arg8[%swap3A_1250] {strides = array<i32>} : memref<256xi32, #tpu.memory_space<vmem>>, vector<16xi32>,
    %swap3A_1252 = vector.shape_cast %swap3A_1251 : vector<16xi32> to vector<16xi32>
    %swap3A_1253 = vector.shape_cast %add3A_1249 : vector<16xi32> to vector<16xi32>
    tpu.vector_store %arg8[%swap3A_1250], %swap3A_1253 {strides = array<i32>} : memref<256xi32, #tpu.memory_space<vmem>>, vector<16xi32>,
    %get3A_1254 = arith.constant 112 : index
    %get3A_1255 = tpu.vector_load %arg6[%get3A_1254] {strides = array<i32>} : memref<256xi32, #tpu.memory_space<vmem>>, vector<16xi32>,
    %get3A_1256 = vector.shape_cast %get3A_1255 : vector<16xi32> to vector<16xi32>
    %add3A_1257 = arith.addi %get3A_1256, %mul3A_77 : vector<16xi32>
    %add3A_1258 = arith.constant 14000 : i32
    %add3A_1259 = vector.broadcast %add3A_1258 : i32 to vector<16xi32>
    %add3A_1260 = arith.addi %add3A_1257, %add3A_1259 : vector<16xi32>
    %add3A_1261 = vector.broadcast %mul3A_4 : i32 to vector<16xi32>
    %add3A_1262 = arith.addi %add3A_1260, %add3A_1261 : vector<16xi32>
    %swap3A_1263 = arith.constant 112 : index
    %swap3A_1264 = tpu.vector_load %arg8[%swap3A_1263] {strides = array<i32>} : memref<256xi32, #tpu.memory_space<vmem>>, vector<16xi32>,
    %swap3A_1265 = vector.shape_cast %swap3A_1264 : vector<16xi32> to vector<16xi32>
    %swap3A_1266 = vector.shape_cast %add3A_1262 : vector<16xi32> to vector<16xi32>
    tpu.vector_store %arg8[%swap3A_1263], %swap3A_1266 {strides = array<i32>} : memref<256xi32, #tpu.memory_space<vmem>>, vector<16xi32>,
    %get3A_1267 = arith.constant 128 : index
    %get3A_1268 = tpu.vector_load %arg6[%get3A_1267] {strides = array<i32>} : memref<256xi32, #tpu.memory_space<vmem>>, vector<16xi32>,
    %get3A_1269 = vector.shape_cast %get3A_1268 : vector<16xi32> to vector<16xi32>
    %add3A_1270 = arith.addi %get3A_1269, %mul3A_77 : vector<16xi32>
    %add3A_1271 = arith.constant 16000 : i32
    %add3A_1272 = vector.broadcast %add3A_1271 : i32 to vector<16xi32>
    %add3A_1273 = arith.addi %add3A_1270, %add3A_1272 : vector<16xi32>
    %add3A_1274 = vector.broadcast %mul3A_4 : i32 to vector<16xi32>
    %add3A_1275 = arith.addi %add3A_1273, %add3A_1274 : vector<16xi32>
    %swap3A_1276 = arith.constant 128 : index
    %swap3A_1277 = tpu.vector_load %arg8[%swap3A_1276] {strides = array<i32>} : memref<256xi32, #tpu.memory_space<vmem>>, vector<16xi32>,
    %swap3A_1278 = vector.shape_cast %swap3A_1277 : vector<16xi32> to vector<16xi32>
    %swap3A_1279 = vector.shape_cast %add3A_1275 : vector<16xi32> to vector<16xi32>
    tpu.vector_store %arg8[%swap3A_1276], %swap3A_1279 {strides = array<i32>} : memref<256xi32, #tpu.memory_space<vmem>>, vector<16xi32>,
    %get3A_1280 = arith.constant 144 : index
    %get3A_1281 = tpu.vector_load %arg6[%get3A_1280] {strides = array<i32>} : memref<256xi32, #tpu.memory_space<vmem>>, vector<16xi32>,
    %get3A_1282 = vector.shape_cast %get3A_1281 : vector<16xi32> to vector<16xi32>
    %add3A_1283 = arith.addi %get3A_1282, %mul3A_77 : vector<16xi32>
    %add3A_1284 = arith.constant 18000 : i32
    %add3A_1285 = vector.broadcast %add3A_1284 : i32 to vector<16xi32>
    %add3A_1286 = arith.addi %add3A_1283, %add3A_1285 : vector<16xi32>
    %add3A_1287 = vector.broadcast %mul3A_4 : i32 to vector<16xi32>
    %add3A_1288 = arith.addi %add3A_1286, %add3A_1287 : vector<16xi32>
    %swap3A_1289 = arith.constant 144 : index
    %swap3A_1290 = tpu.vector_load %arg8[%swap3A_1289] {strides = array<i32>} : memref<256xi32, #tpu.memory_space<vmem>>, vector<16xi32>,
    %swap3A_1291 = vector.shape_cast %swap3A_1290 : vector<16xi32> to vector<16xi32>
    %swap3A_1292 = vector.shape_cast %add3A_1288 : vector<16xi32> to vector<16xi32>
    tpu.vector_store %arg8[%swap3A_1289], %swap3A_1292 {strides = array<i32>} : memref<256xi32, #tpu.memory_space<vmem>>, vector<16xi32>,
    %get3A_1293 = arith.constant 160 : index
    %get3A_1294 = tpu.vector_load %arg6[%get3A_1293] {strides = array<i32>} : memref<256xi32, #tpu.memory_space<vmem>>, vector<16xi32>,
    %get3A_1295 = vector.shape_cast %get3A_1294 : vector<16xi32> to vector<16xi32>
    %add3A_1296 = arith.addi %get3A_1295, %mul3A_77 : vector<16xi32>
    %add3A_1297 = arith.constant 20000 : i32
    %add3A_1298 = vector.broadcast %add3A_1297 : i32 to vector<16xi32>
    %add3A_1299 = arith.addi %add3A_1296, %add3A_1298 : vector<16xi32>
    %add3A_1300 = vector.broadcast %mul3A_4 : i32 to vector<16xi32>
    %add3A_1301 = arith.addi %add3A_1299, %add3A_1300 : vector<16xi32>
    %swap3A_1302 = arith.constant 160 : index
    %swap3A_1303 = tpu.vector_load %arg8[%swap3A_1302] {strides = array<i32>} : memref<256xi32, #tpu.memory_space<vmem>>, vector<16xi32>,
    %swap3A_1304 = vector.shape_cast %swap3A_1303 : vector<16xi32> to vector<16xi32>
    %swap3A_1305 = vector.shape_cast %add3A_1301 : vector<16xi32> to vector<16xi32>
    tpu.vector_store %arg8[%swap3A_1302], %swap3A_1305 {strides = array<i32>} : memref<256xi32, #tpu.memory_space<vmem>>, vector<16xi32>,
    %get3A_1306 = arith.constant 176 : index
    %get3A_1307 = tpu.vector_load %arg6[%get3A_1306] {strides = array<i32>} : memref<256xi32, #tpu.memory_space<vmem>>, vector<16xi32>,
    %get3A_1308 = vector.shape_cast %get3A_1307 : vector<16xi32> to vector<16xi32>
    %add3A_1309 = arith.addi %get3A_1308, %mul3A_77 : vector<16xi32>
    %add3A_1310 = arith.constant 22000 : i32
    %add3A_1311 = vector.broadcast %add3A_1310 : i32 to vector<16xi32>
    %add3A_1312 = arith.addi %add3A_1309, %add3A_1311 : vector<16xi32>
    %add3A_1313 = vector.broadcast %mul3A_4 : i32 to vector<16xi32>
    %add3A_1314 = arith.addi %add3A_1312, %add3A_1313 : vector<16xi32>
    %swap3A_1315 = arith.constant 176 : index
    %swap3A_1316 = tpu.vector_load %arg8[%swap3A_1315] {strides = array<i32>} : memref<256xi32, #tpu.memory_space<vmem>>, vector<16xi32>,
    %swap3A_1317 = vector.shape_cast %swap3A_1316 : vector<16xi32> to vector<16xi32>
    %swap3A_1318 = vector.shape_cast %add3A_1314 : vector<16xi32> to vector<16xi32>
    tpu.vector_store %arg8[%swap3A_1315], %swap3A_1318 {strides = array<i32>} : memref<256xi32, #tpu.memory_space<vmem>>, vector<16xi32>,
    %get3A_1319 = arith.constant 192 : index
    %get3A_1320 = tpu.vector_load %arg6[%get3A_1319] {strides = array<i32>} : memref<256xi32, #tpu.memory_space<vmem>>, vector<16xi32>,
    %get3A_1321 = vector.shape_cast %get3A_1320 : vector<16xi32> to vector<16xi32>
    %add3A_1322 = arith.addi %get3A_1321, %mul3A_77 : vector<16xi32>
    %add3A_1323 = arith.constant 24000 : i32
    %add3A_1324 = vector.broadcast %add3A_1323 : i32 to vector<16xi32>
    %add3A_1325 = arith.addi %add3A_1322, %add3A_1324 : vector<16xi32>
    %add3A_1326 = vector.broadcast %mul3A_4 : i32 to vector<16xi32>
    %add3A_1327 = arith.addi %add3A_1325, %add3A_1326 : vector<16xi32>
    %swap3A_1328 = arith.constant 192 : index
    %swap3A_1329 = tpu.vector_load %arg8[%swap3A_1328] {strides = array<i32>} : memref<256xi32, #tpu.memory_space<vmem>>, vector<16xi32>,
    %swap3A_1330 = vector.shape_cast %swap3A_1329 : vector<16xi32> to vector<16xi32>
    %swap3A_1331 = vector.shape_cast %add3A_1327 : vector<16xi32> to vector<16xi32>
    tpu.vector_store %arg8[%swap3A_1328], %swap3A_1331 {strides = array<i32>} : memref<256xi32, #tpu.memory_space<vmem>>, vector<16xi32>,
    %get3A_1332 = arith.constant 208 : index
    %get3A_1333 = tpu.vector_load %arg6[%get3A_1332] {strides = array<i32>} : memref<256xi32, #tpu.memory_space<vmem>>, vector<16xi32>,
    %get3A_1334 = vector.shape_cast %get3A_1333 : vector<16xi32> to vector<16xi32>
    %add3A_1335 = arith.addi %get3A_1334, %mul3A_77 : vector<16xi32>
    %add3A_1336 = arith.constant 26000 : i32
    %add3A_1337 = vector.broadcast %add3A_1336 : i32 to vector<16xi32>
    %add3A_1338 = arith.addi %add3A_1335, %add3A_1337 : vector<16xi32>
    %add3A_1339 = vector.broadcast %mul3A_4 : i32 to vector<16xi32>
    %add3A_1340 = arith.addi %add3A_1338, %add3A_1339 : vector<16xi32>
    %swap3A_1341 = arith.constant 208 : index
    %swap3A_1342 = tpu.vector_load %arg8[%swap3A_1341] {strides = array<i32>} : memref<256xi32, #tpu.memory_space<vmem>>, vector<16xi32>,
    %swap3A_1343 = vector.shape_cast %swap3A_1342 : vector<16xi32> to vector<16xi32>
    %swap3A_1344 = vector.shape_cast %add3A_1340 : vector<16xi32> to vector<16xi32>
    tpu.vector_store %arg8[%swap3A_1341], %swap3A_1344 {strides = array<i32>} : memref<256xi32, #tpu.memory_space<vmem>>, vector<16xi32>,
    %get3A_1345 = arith.constant 224 : index
    %get3A_1346 = tpu.vector_load %arg6[%get3A_1345] {strides = array<i32>} : memref<256xi32, #tpu.memory_space<vmem>>, vector<16xi32>,
    %get3A_1347 = vector.shape_cast %get3A_1346 : vector<16xi32> to vector<16xi32>
    %add3A_1348 = arith.addi %get3A_1347, %mul3A_77 : vector<16xi32>
    %add3A_1349 = arith.constant 28000 : i32
    %add3A_1350 = vector.broadcast %add3A_1349 : i32 to vector<16xi32>
    %add3A_1351 = arith.addi %add3A_1348, %add3A_1350 : vector<16xi32>
    %add3A_1352 = vector.broadcast %mul3A_4 : i32 to vector<16xi32>
    %add3A_1353 = arith.addi %add3A_1351, %add3A_1352 : vector<16xi32>
    %swap3A_1354 = arith.constant 224 : index
    %swap3A_1355 = tpu.vector_load %arg8[%swap3A_1354] {strides = array<i32>} : memref<256xi32, #tpu.memory_space<vmem>>, vector<16xi32>,
    %swap3A_1356 = vector.shape_cast %swap3A_1355 : vector<16xi32> to vector<16xi32>
    %swap3A_1357 = vector.shape_cast %add3A_1353 : vector<16xi32> to vector<16xi32>
    tpu.vector_store %arg8[%swap3A_1354], %swap3A_1357 {strides = array<i32>} : memref<256xi32, #tpu.memory_space<vmem>>, vector<16xi32>,
    %get3A_1358 = arith.constant 240 : index
    %get3A_1359 = tpu.vector_load %arg6[%get3A_1358] {strides = array<i32>} : memref<256xi32, #tpu.memory_space<vmem>>, vector<16xi32>,
    %get3A_1360 = vector.shape_cast %get3A_1359 : vector<16xi32> to vector<16xi32>
    %add3A_1361 = arith.addi %get3A_1360, %mul3A_77 : vector<16xi32>
    %add3A_1362 = arith.constant 30000 : i32
    %add3A_1363 = vector.broadcast %add3A_1362 : i32 to vector<16xi32>
    %add3A_1364 = arith.addi %add3A_1361, %add3A_1363 : vector<16xi32>
    %add3A_1365 = vector.broadcast %mul3A_4 : i32 to vector<16xi32>
    %add3A_1366 = arith.addi %add3A_1364, %add3A_1365 : vector<16xi32>
    %swap3A_1367 = arith.constant 240 : index
    %swap3A_1368 = tpu.vector_load %arg8[%swap3A_1367] {strides = array<i32>} : memref<256xi32, #tpu.memory_space<vmem>>, vector<16xi32>,
    %swap3A_1369 = vector.shape_cast %swap3A_1368 : vector<16xi32> to vector<16xi32>
    %swap3A_1370 = vector.shape_cast %add3A_1366 : vector<16xi32> to vector<16xi32>
    tpu.vector_store %arg8[%swap3A_1367], %swap3A_1370 {strides = array<i32>} : memref<256xi32, #tpu.memory_space<vmem>>, vector<16xi32>,
    "tpu.region"() ({
      %run_scoped3A = tpu.sem_alloc : memref<!tpu.dma_semaphore, #tpu.memory_space<semaphore_mem>>
      %dma_start3A = arith.constant 0 : i32
      %dma_start3A_1805 = tpu.memref_slice %arg10[%dma_start3A] : memref<512000xf32, #tpu.memory_space<vmem_shared>> -> memref<512000xf32, #tpu.memory_space<vmem_shared>>
      tpu.enqueue_indirect_dma source(%arg7 : memref<256xf32, #tpu.memory_space<vmem>>) target(%dma_start3A_1805 : memref<512000xf32, #tpu.memory_space<vmem_shared>>) offsets(%arg8 : memref<256xi32, #tpu.memory_space<vmem>>) semaphore(%run_scoped3A : memref<!tpu.dma_semaphore, #tpu.memory_space<semaphore_mem>>)
      %dma_wait3A = arith.constant 0 : i32
      %dma_wait3A_1806 = tpu.memref_slice %arg10[%dma_wait3A] : memref<512000xf32, #tpu.memory_space<vmem_shared>> -> memref<512000xf32, #tpu.memory_space<vmem_shared>>
      tpu.wait_indirect_dma semaphore(%run_scoped3A : memref<!tpu.dma_semaphore, #tpu.memory_space<semaphore_mem>>) src(%arg7 : memref<256xf32, #tpu.memory_space<vmem>>) dst(%dma_wait3A_1806 : memref<512000xf32, #tpu.memory_space<vmem_shared>>)
      tpu.yield
    }) : () -> ()
    %mul3A_1371 = arith.constant 1000 : i32
    %mul3A_1372 = arith.muli %add3A_1158, %mul3A_1371 : i32
    "tpu.region"() ({
      %run_scoped3A = tpu.sem_alloc : memref<!tpu.dma_semaphore, #tpu.memory_space<semaphore_mem>>
      %dma_start3A = tpu.memref_slice %arg4[%mul3A_1372] : memref<8192000xf32, #tpu.memory_space<hbm>> -> memref<32000xf32, #tpu.memory_space<hbm>>
      %dma_start3A_1805 = tpu.memref_slice %arg10[%mul3A_4] : memref<512000xf32, #tpu.memory_space<vmem_shared>> -> memref<32000xf32, #tpu.memory_space<vmem_shared>>
      tpu.enqueue_dma source(%dma_start3A_1805 : memref<32000xf32, #tpu.memory_space<vmem_shared>>) target(%dma_start3A : memref<32000xf32, #tpu.memory_space<hbm>>) target_semaphore(%run_scoped3A : memref<!tpu.dma_semaphore, #tpu.memory_space<semaphore_mem>>)
      %dma_wait3A = tpu.memref_slice %arg4[%mul3A_1372] : memref<8192000xf32, #tpu.memory_space<hbm>> -> memref<32000xf32, #tpu.memory_space<hbm>>
      %dma_wait3A_1806 = tpu.memref_slice %arg10[%mul3A_4] : memref<512000xf32, #tpu.memory_space<vmem_shared>> -> memref<32000xf32, #tpu.memory_space<vmem_shared>>
      tpu.wait_dma2 semaphore(%run_scoped3A : memref<!tpu.dma_semaphore, #tpu.memory_space<semaphore_mem>>) src(%dma_wait3A_1806 : memref<32000xf32, #tpu.memory_space<vmem_shared>>) dst(%dma_wait3A : memref<32000xf32, #tpu.memory_space<hbm>>)
      tpu.yield
    }) : () -> ()
    "tpu.region"() ({
      %run_scoped3A = tpu.sem_alloc : memref<!tpu.dma_semaphore, #tpu.memory_space<semaphore_mem>>
      %dma_start3A = arith.constant 0 : i32
      %dma_start3A_1805 = tpu.memref_slice %arg10[%dma_start3A] : memref<512000xf32, #tpu.memory_space<vmem_shared>> -> memref<512000xf32, #tpu.memory_space<vmem_shared>>
      tpu.enqueue_indirect_dma source(%arg9 : memref<256xf32, #tpu.memory_space<vmem>>) target(%dma_start3A_1805 : memref<512000xf32, #tpu.memory_space<vmem_shared>>) offsets(%arg8 : memref<256xi32, #tpu.memory_space<vmem>>) semaphore(%run_scoped3A : memref<!tpu.dma_semaphore, #tpu.memory_space<semaphore_mem>>)
      %dma_wait3A = arith.constant 0 : i32
      %dma_wait3A_1806 = tpu.memref_slice %arg10[%dma_wait3A] : memref<512000xf32, #tpu.memory_space<vmem_shared>> -> memref<512000xf32, #tpu.memory_space<vmem_shared>>
      tpu.wait_indirect_dma semaphore(%run_scoped3A : memref<!tpu.dma_semaphore, #tpu.memory_space<semaphore_mem>>) src(%arg9 : memref<256xf32, #tpu.memory_space<vmem>>) dst(%dma_wait3A_1806 : memref<512000xf32, #tpu.memory_space<vmem_shared>>)
      tpu.yield
    }) : () -> ()
    %add3A_1373 = arith.constant 192 : i32
    %add3A_1374 = arith.addi %mul3A_2, %add3A_1373 : i32
    %mul3A_1375 = arith.constant 8 : i32
    %mul3A_1376 = arith.muli %add3A_1374, %mul3A_1375 : i32
    "tpu.region"() ({
      %run_scoped3A = tpu.sem_alloc : memref<!tpu.dma_semaphore, #tpu.memory_space<semaphore_mem>>
      %dma_start3A = tpu.memref_slice %arg2[%mul3A_1376] : memref<65536xi32, #tpu.memory_space<hbm>> -> memref<256xi32, #tpu.memory_space<hbm>>
      %dma_start3A_1805 = tpu.memref_slice %arg2[%mul3A_1376] : memref<65536xi32, #tpu.memory_space<hbm>> -> memref<256xi32, #tpu.memory_space<hbm>>
      tpu.enqueue_dma source(%dma_start3A_1805 : memref<256xi32, #tpu.memory_space<hbm>>) target(%arg6 : memref<256xi32, #tpu.memory_space<vmem>>) target_semaphore(%run_scoped3A : memref<!tpu.dma_semaphore, #tpu.memory_space<semaphore_mem>>)
      %dma_wait3A = tpu.memref_slice %arg2[%mul3A_1376] : memref<65536xi32, #tpu.memory_space<hbm>> -> memref<256xi32, #tpu.memory_space<hbm>>
      %dma_wait3A_1806 = tpu.memref_slice %arg2[%mul3A_1376] : memref<65536xi32, #tpu.memory_space<hbm>> -> memref<256xi32, #tpu.memory_space<hbm>>
      tpu.wait_dma2 semaphore(%run_scoped3A : memref<!tpu.dma_semaphore, #tpu.memory_space<semaphore_mem>>) src(%dma_wait3A_1806 : memref<256xi32, #tpu.memory_space<hbm>>) dst(%arg6 : memref<256xi32, #tpu.memory_space<vmem>>)
      tpu.yield
    }) : () -> ()
    %mul3A_1377 = arith.constant 8 : i32
    %mul3A_1378 = arith.muli %add3A_1374, %mul3A_1377 : i32
    "tpu.region"() ({
      %run_scoped3A = tpu.sem_alloc : memref<!tpu.dma_semaphore, #tpu.memory_space<semaphore_mem>>
      %dma_start3A = tpu.memref_slice %arg3[%mul3A_1378] : memref<65536xf32, #tpu.memory_space<hbm>> -> memref<256xf32, #tpu.memory_space<hbm>>
      %dma_start3A_1805 = tpu.memref_slice %arg3[%mul3A_1378] : memref<65536xf32, #tpu.memory_space<hbm>> -> memref<256xf32, #tpu.memory_space<hbm>>
      tpu.enqueue_dma source(%dma_start3A_1805 : memref<256xf32, #tpu.memory_space<hbm>>) target(%arg7 : memref<256xf32, #tpu.memory_space<vmem>>) target_semaphore(%run_scoped3A : memref<!tpu.dma_semaphore, #tpu.memory_space<semaphore_mem>>)
      %dma_wait3A = tpu.memref_slice %arg3[%mul3A_1378] : memref<65536xf32, #tpu.memory_space<hbm>> -> memref<256xf32, #tpu.memory_space<hbm>>
      %dma_wait3A_1806 = tpu.memref_slice %arg3[%mul3A_1378] : memref<65536xf32, #tpu.memory_space<hbm>> -> memref<256xf32, #tpu.memory_space<hbm>>
      tpu.wait_dma2 semaphore(%run_scoped3A : memref<!tpu.dma_semaphore, #tpu.memory_space<semaphore_mem>>) src(%dma_wait3A_1806 : memref<256xf32, #tpu.memory_space<hbm>>) dst(%arg7 : memref<256xf32, #tpu.memory_space<vmem>>)
      tpu.yield
    }) : () -> ()
    %get3A_1379 = arith.constant 0 : index
    %get3A_1380 = tpu.vector_load %arg6[%get3A_1379] {strides = array<i32>} : memref<256xi32, #tpu.memory_space<vmem>>, vector<16xi32>,
    %get3A_1381 = vector.shape_cast %get3A_1380 : vector<16xi32> to vector<16xi32>
    %add3A_1382 = arith.addi %get3A_1381, %mul3A_77 : vector<16xi32>
    %add3A_1383 = arith.constant 0 : i32
    %add3A_1384 = vector.broadcast %add3A_1383 : i32 to vector<16xi32>
    %add3A_1385 = arith.addi %add3A_1382, %add3A_1384 : vector<16xi32>
    %add3A_1386 = vector.broadcast %mul3A_4 : i32 to vector<16xi32>
    %add3A_1387 = arith.addi %add3A_1385, %add3A_1386 : vector<16xi32>
    %swap3A_1388 = arith.constant 0 : index
    %swap3A_1389 = tpu.vector_load %arg8[%swap3A_1388] {strides = array<i32>} : memref<256xi32, #tpu.memory_space<vmem>>, vector<16xi32>,
    %swap3A_1390 = vector.shape_cast %swap3A_1389 : vector<16xi32> to vector<16xi32>
    %swap3A_1391 = vector.shape_cast %add3A_1387 : vector<16xi32> to vector<16xi32>
    tpu.vector_store %arg8[%swap3A_1388], %swap3A_1391 {strides = array<i32>} : memref<256xi32, #tpu.memory_space<vmem>>, vector<16xi32>,
    %get3A_1392 = arith.constant 16 : index
    %get3A_1393 = tpu.vector_load %arg6[%get3A_1392] {strides = array<i32>} : memref<256xi32, #tpu.memory_space<vmem>>, vector<16xi32>,
    %get3A_1394 = vector.shape_cast %get3A_1393 : vector<16xi32> to vector<16xi32>
    %add3A_1395 = arith.addi %get3A_1394, %mul3A_77 : vector<16xi32>
    %add3A_1396 = arith.constant 2000 : i32
    %add3A_1397 = vector.broadcast %add3A_1396 : i32 to vector<16xi32>
    %add3A_1398 = arith.addi %add3A_1395, %add3A_1397 : vector<16xi32>
    %add3A_1399 = vector.broadcast %mul3A_4 : i32 to vector<16xi32>
    %add3A_1400 = arith.addi %add3A_1398, %add3A_1399 : vector<16xi32>
    %swap3A_1401 = arith.constant 16 : index
    %swap3A_1402 = tpu.vector_load %arg8[%swap3A_1401] {strides = array<i32>} : memref<256xi32, #tpu.memory_space<vmem>>, vector<16xi32>,
    %swap3A_1403 = vector.shape_cast %swap3A_1402 : vector<16xi32> to vector<16xi32>
    %swap3A_1404 = vector.shape_cast %add3A_1400 : vector<16xi32> to vector<16xi32>
    tpu.vector_store %arg8[%swap3A_1401], %swap3A_1404 {strides = array<i32>} : memref<256xi32, #tpu.memory_space<vmem>>, vector<16xi32>,
    %get3A_1405 = arith.constant 32 : index
    %get3A_1406 = tpu.vector_load %arg6[%get3A_1405] {strides = array<i32>} : memref<256xi32, #tpu.memory_space<vmem>>, vector<16xi32>,
    %get3A_1407 = vector.shape_cast %get3A_1406 : vector<16xi32> to vector<16xi32>
    %add3A_1408 = arith.addi %get3A_1407, %mul3A_77 : vector<16xi32>
    %add3A_1409 = arith.constant 4000 : i32
    %add3A_1410 = vector.broadcast %add3A_1409 : i32 to vector<16xi32>
    %add3A_1411 = arith.addi %add3A_1408, %add3A_1410 : vector<16xi32>
    %add3A_1412 = vector.broadcast %mul3A_4 : i32 to vector<16xi32>
    %add3A_1413 = arith.addi %add3A_1411, %add3A_1412 : vector<16xi32>
    %swap3A_1414 = arith.constant 32 : index
    %swap3A_1415 = tpu.vector_load %arg8[%swap3A_1414] {strides = array<i32>} : memref<256xi32, #tpu.memory_space<vmem>>, vector<16xi32>,
    %swap3A_1416 = vector.shape_cast %swap3A_1415 : vector<16xi32> to vector<16xi32>
    %swap3A_1417 = vector.shape_cast %add3A_1413 : vector<16xi32> to vector<16xi32>
    tpu.vector_store %arg8[%swap3A_1414], %swap3A_1417 {strides = array<i32>} : memref<256xi32, #tpu.memory_space<vmem>>, vector<16xi32>,
    %get3A_1418 = arith.constant 48 : index
    %get3A_1419 = tpu.vector_load %arg6[%get3A_1418] {strides = array<i32>} : memref<256xi32, #tpu.memory_space<vmem>>, vector<16xi32>,
    %get3A_1420 = vector.shape_cast %get3A_1419 : vector<16xi32> to vector<16xi32>
    %add3A_1421 = arith.addi %get3A_1420, %mul3A_77 : vector<16xi32>
    %add3A_1422 = arith.constant 6000 : i32
    %add3A_1423 = vector.broadcast %add3A_1422 : i32 to vector<16xi32>
    %add3A_1424 = arith.addi %add3A_1421, %add3A_1423 : vector<16xi32>
    %add3A_1425 = vector.broadcast %mul3A_4 : i32 to vector<16xi32>
    %add3A_1426 = arith.addi %add3A_1424, %add3A_1425 : vector<16xi32>
    %swap3A_1427 = arith.constant 48 : index
    %swap3A_1428 = tpu.vector_load %arg8[%swap3A_1427] {strides = array<i32>} : memref<256xi32, #tpu.memory_space<vmem>>, vector<16xi32>,
    %swap3A_1429 = vector.shape_cast %swap3A_1428 : vector<16xi32> to vector<16xi32>
    %swap3A_1430 = vector.shape_cast %add3A_1426 : vector<16xi32> to vector<16xi32>
    tpu.vector_store %arg8[%swap3A_1427], %swap3A_1430 {strides = array<i32>} : memref<256xi32, #tpu.memory_space<vmem>>, vector<16xi32>,
    %get3A_1431 = arith.constant 64 : index
    %get3A_1432 = tpu.vector_load %arg6[%get3A_1431] {strides = array<i32>} : memref<256xi32, #tpu.memory_space<vmem>>, vector<16xi32>,
    %get3A_1433 = vector.shape_cast %get3A_1432 : vector<16xi32> to vector<16xi32>
    %add3A_1434 = arith.addi %get3A_1433, %mul3A_77 : vector<16xi32>
    %add3A_1435 = arith.constant 8000 : i32
    %add3A_1436 = vector.broadcast %add3A_1435 : i32 to vector<16xi32>
    %add3A_1437 = arith.addi %add3A_1434, %add3A_1436 : vector<16xi32>
    %add3A_1438 = vector.broadcast %mul3A_4 : i32 to vector<16xi32>
    %add3A_1439 = arith.addi %add3A_1437, %add3A_1438 : vector<16xi32>
    %swap3A_1440 = arith.constant 64 : index
    %swap3A_1441 = tpu.vector_load %arg8[%swap3A_1440] {strides = array<i32>} : memref<256xi32, #tpu.memory_space<vmem>>, vector<16xi32>,
    %swap3A_1442 = vector.shape_cast %swap3A_1441 : vector<16xi32> to vector<16xi32>
    %swap3A_1443 = vector.shape_cast %add3A_1439 : vector<16xi32> to vector<16xi32>
    tpu.vector_store %arg8[%swap3A_1440], %swap3A_1443 {strides = array<i32>} : memref<256xi32, #tpu.memory_space<vmem>>, vector<16xi32>,
    %get3A_1444 = arith.constant 80 : index
    %get3A_1445 = tpu.vector_load %arg6[%get3A_1444] {strides = array<i32>} : memref<256xi32, #tpu.memory_space<vmem>>, vector<16xi32>,
    %get3A_1446 = vector.shape_cast %get3A_1445 : vector<16xi32> to vector<16xi32>
    %add3A_1447 = arith.addi %get3A_1446, %mul3A_77 : vector<16xi32>
    %add3A_1448 = arith.constant 10000 : i32
    %add3A_1449 = vector.broadcast %add3A_1448 : i32 to vector<16xi32>
    %add3A_1450 = arith.addi %add3A_1447, %add3A_1449 : vector<16xi32>
    %add3A_1451 = vector.broadcast %mul3A_4 : i32 to vector<16xi32>
    %add3A_1452 = arith.addi %add3A_1450, %add3A_1451 : vector<16xi32>
    %swap3A_1453 = arith.constant 80 : index
    %swap3A_1454 = tpu.vector_load %arg8[%swap3A_1453] {strides = array<i32>} : memref<256xi32, #tpu.memory_space<vmem>>, vector<16xi32>,
    %swap3A_1455 = vector.shape_cast %swap3A_1454 : vector<16xi32> to vector<16xi32>
    %swap3A_1456 = vector.shape_cast %add3A_1452 : vector<16xi32> to vector<16xi32>
    tpu.vector_store %arg8[%swap3A_1453], %swap3A_1456 {strides = array<i32>} : memref<256xi32, #tpu.memory_space<vmem>>, vector<16xi32>,
    %get3A_1457 = arith.constant 96 : index
    %get3A_1458 = tpu.vector_load %arg6[%get3A_1457] {strides = array<i32>} : memref<256xi32, #tpu.memory_space<vmem>>, vector<16xi32>,
    %get3A_1459 = vector.shape_cast %get3A_1458 : vector<16xi32> to vector<16xi32>
    %add3A_1460 = arith.addi %get3A_1459, %mul3A_77 : vector<16xi32>
    %add3A_1461 = arith.constant 12000 : i32
    %add3A_1462 = vector.broadcast %add3A_1461 : i32 to vector<16xi32>
    %add3A_1463 = arith.addi %add3A_1460, %add3A_1462 : vector<16xi32>
    %add3A_1464 = vector.broadcast %mul3A_4 : i32 to vector<16xi32>
    %add3A_1465 = arith.addi %add3A_1463, %add3A_1464 : vector<16xi32>
    %swap3A_1466 = arith.constant 96 : index
    %swap3A_1467 = tpu.vector_load %arg8[%swap3A_1466] {strides = array<i32>} : memref<256xi32, #tpu.memory_space<vmem>>, vector<16xi32>,
    %swap3A_1468 = vector.shape_cast %swap3A_1467 : vector<16xi32> to vector<16xi32>
    %swap3A_1469 = vector.shape_cast %add3A_1465 : vector<16xi32> to vector<16xi32>
    tpu.vector_store %arg8[%swap3A_1466], %swap3A_1469 {strides = array<i32>} : memref<256xi32, #tpu.memory_space<vmem>>, vector<16xi32>,
    %get3A_1470 = arith.constant 112 : index
    %get3A_1471 = tpu.vector_load %arg6[%get3A_1470] {strides = array<i32>} : memref<256xi32, #tpu.memory_space<vmem>>, vector<16xi32>,
    %get3A_1472 = vector.shape_cast %get3A_1471 : vector<16xi32> to vector<16xi32>
    %add3A_1473 = arith.addi %get3A_1472, %mul3A_77 : vector<16xi32>
    %add3A_1474 = arith.constant 14000 : i32
    %add3A_1475 = vector.broadcast %add3A_1474 : i32 to vector<16xi32>
    %add3A_1476 = arith.addi %add3A_1473, %add3A_1475 : vector<16xi32>
    %add3A_1477 = vector.broadcast %mul3A_4 : i32 to vector<16xi32>
    %add3A_1478 = arith.addi %add3A_1476, %add3A_1477 : vector<16xi32>
    %swap3A_1479 = arith.constant 112 : index
    %swap3A_1480 = tpu.vector_load %arg8[%swap3A_1479] {strides = array<i32>} : memref<256xi32, #tpu.memory_space<vmem>>, vector<16xi32>,
    %swap3A_1481 = vector.shape_cast %swap3A_1480 : vector<16xi32> to vector<16xi32>
    %swap3A_1482 = vector.shape_cast %add3A_1478 : vector<16xi32> to vector<16xi32>
    tpu.vector_store %arg8[%swap3A_1479], %swap3A_1482 {strides = array<i32>} : memref<256xi32, #tpu.memory_space<vmem>>, vector<16xi32>,
    %get3A_1483 = arith.constant 128 : index
    %get3A_1484 = tpu.vector_load %arg6[%get3A_1483] {strides = array<i32>} : memref<256xi32, #tpu.memory_space<vmem>>, vector<16xi32>,
    %get3A_1485 = vector.shape_cast %get3A_1484 : vector<16xi32> to vector<16xi32>
    %add3A_1486 = arith.addi %get3A_1485, %mul3A_77 : vector<16xi32>
    %add3A_1487 = arith.constant 16000 : i32
    %add3A_1488 = vector.broadcast %add3A_1487 : i32 to vector<16xi32>
    %add3A_1489 = arith.addi %add3A_1486, %add3A_1488 : vector<16xi32>
    %add3A_1490 = vector.broadcast %mul3A_4 : i32 to vector<16xi32>
    %add3A_1491 = arith.addi %add3A_1489, %add3A_1490 : vector<16xi32>
    %swap3A_1492 = arith.constant 128 : index
    %swap3A_1493 = tpu.vector_load %arg8[%swap3A_1492] {strides = array<i32>} : memref<256xi32, #tpu.memory_space<vmem>>, vector<16xi32>,
    %swap3A_1494 = vector.shape_cast %swap3A_1493 : vector<16xi32> to vector<16xi32>
    %swap3A_1495 = vector.shape_cast %add3A_1491 : vector<16xi32> to vector<16xi32>
    tpu.vector_store %arg8[%swap3A_1492], %swap3A_1495 {strides = array<i32>} : memref<256xi32, #tpu.memory_space<vmem>>, vector<16xi32>,
    %get3A_1496 = arith.constant 144 : index
    %get3A_1497 = tpu.vector_load %arg6[%get3A_1496] {strides = array<i32>} : memref<256xi32, #tpu.memory_space<vmem>>, vector<16xi32>,
    %get3A_1498 = vector.shape_cast %get3A_1497 : vector<16xi32> to vector<16xi32>
    %add3A_1499 = arith.addi %get3A_1498, %mul3A_77 : vector<16xi32>
    %add3A_1500 = arith.constant 18000 : i32
    %add3A_1501 = vector.broadcast %add3A_1500 : i32 to vector<16xi32>
    %add3A_1502 = arith.addi %add3A_1499, %add3A_1501 : vector<16xi32>
    %add3A_1503 = vector.broadcast %mul3A_4 : i32 to vector<16xi32>
    %add3A_1504 = arith.addi %add3A_1502, %add3A_1503 : vector<16xi32>
    %swap3A_1505 = arith.constant 144 : index
    %swap3A_1506 = tpu.vector_load %arg8[%swap3A_1505] {strides = array<i32>} : memref<256xi32, #tpu.memory_space<vmem>>, vector<16xi32>,
    %swap3A_1507 = vector.shape_cast %swap3A_1506 : vector<16xi32> to vector<16xi32>
    %swap3A_1508 = vector.shape_cast %add3A_1504 : vector<16xi32> to vector<16xi32>
    tpu.vector_store %arg8[%swap3A_1505], %swap3A_1508 {strides = array<i32>} : memref<256xi32, #tpu.memory_space<vmem>>, vector<16xi32>,
    %get3A_1509 = arith.constant 160 : index
    %get3A_1510 = tpu.vector_load %arg6[%get3A_1509] {strides = array<i32>} : memref<256xi32, #tpu.memory_space<vmem>>, vector<16xi32>,
    %get3A_1511 = vector.shape_cast %get3A_1510 : vector<16xi32> to vector<16xi32>
    %add3A_1512 = arith.addi %get3A_1511, %mul3A_77 : vector<16xi32>
    %add3A_1513 = arith.constant 20000 : i32
    %add3A_1514 = vector.broadcast %add3A_1513 : i32 to vector<16xi32>
    %add3A_1515 = arith.addi %add3A_1512, %add3A_1514 : vector<16xi32>
    %add3A_1516 = vector.broadcast %mul3A_4 : i32 to vector<16xi32>
    %add3A_1517 = arith.addi %add3A_1515, %add3A_1516 : vector<16xi32>
    %swap3A_1518 = arith.constant 160 : index
    %swap3A_1519 = tpu.vector_load %arg8[%swap3A_1518] {strides = array<i32>} : memref<256xi32, #tpu.memory_space<vmem>>, vector<16xi32>,
    %swap3A_1520 = vector.shape_cast %swap3A_1519 : vector<16xi32> to vector<16xi32>
    %swap3A_1521 = vector.shape_cast %add3A_1517 : vector<16xi32> to vector<16xi32>
    tpu.vector_store %arg8[%swap3A_1518], %swap3A_1521 {strides = array<i32>} : memref<256xi32, #tpu.memory_space<vmem>>, vector<16xi32>,
    %get3A_1522 = arith.constant 176 : index
    %get3A_1523 = tpu.vector_load %arg6[%get3A_1522] {strides = array<i32>} : memref<256xi32, #tpu.memory_space<vmem>>, vector<16xi32>,
    %get3A_1524 = vector.shape_cast %get3A_1523 : vector<16xi32> to vector<16xi32>
    %add3A_1525 = arith.addi %get3A_1524, %mul3A_77 : vector<16xi32>
    %add3A_1526 = arith.constant 22000 : i32
    %add3A_1527 = vector.broadcast %add3A_1526 : i32 to vector<16xi32>
    %add3A_1528 = arith.addi %add3A_1525, %add3A_1527 : vector<16xi32>
    %add3A_1529 = vector.broadcast %mul3A_4 : i32 to vector<16xi32>
    %add3A_1530 = arith.addi %add3A_1528, %add3A_1529 : vector<16xi32>
    %swap3A_1531 = arith.constant 176 : index
    %swap3A_1532 = tpu.vector_load %arg8[%swap3A_1531] {strides = array<i32>} : memref<256xi32, #tpu.memory_space<vmem>>, vector<16xi32>,
    %swap3A_1533 = vector.shape_cast %swap3A_1532 : vector<16xi32> to vector<16xi32>
    %swap3A_1534 = vector.shape_cast %add3A_1530 : vector<16xi32> to vector<16xi32>
    tpu.vector_store %arg8[%swap3A_1531], %swap3A_1534 {strides = array<i32>} : memref<256xi32, #tpu.memory_space<vmem>>, vector<16xi32>,
    %get3A_1535 = arith.constant 192 : index
    %get3A_1536 = tpu.vector_load %arg6[%get3A_1535] {strides = array<i32>} : memref<256xi32, #tpu.memory_space<vmem>>, vector<16xi32>,
    %get3A_1537 = vector.shape_cast %get3A_1536 : vector<16xi32> to vector<16xi32>
    %add3A_1538 = arith.addi %get3A_1537, %mul3A_77 : vector<16xi32>
    %add3A_1539 = arith.constant 24000 : i32
    %add3A_1540 = vector.broadcast %add3A_1539 : i32 to vector<16xi32>
    %add3A_1541 = arith.addi %add3A_1538, %add3A_1540 : vector<16xi32>
    %add3A_1542 = vector.broadcast %mul3A_4 : i32 to vector<16xi32>
    %add3A_1543 = arith.addi %add3A_1541, %add3A_1542 : vector<16xi32>
    %swap3A_1544 = arith.constant 192 : index
    %swap3A_1545 = tpu.vector_load %arg8[%swap3A_1544] {strides = array<i32>} : memref<256xi32, #tpu.memory_space<vmem>>, vector<16xi32>,
    %swap3A_1546 = vector.shape_cast %swap3A_1545 : vector<16xi32> to vector<16xi32>
    %swap3A_1547 = vector.shape_cast %add3A_1543 : vector<16xi32> to vector<16xi32>
    tpu.vector_store %arg8[%swap3A_1544], %swap3A_1547 {strides = array<i32>} : memref<256xi32, #tpu.memory_space<vmem>>, vector<16xi32>,
    %get3A_1548 = arith.constant 208 : index
    %get3A_1549 = tpu.vector_load %arg6[%get3A_1548] {strides = array<i32>} : memref<256xi32, #tpu.memory_space<vmem>>, vector<16xi32>,
    %get3A_1550 = vector.shape_cast %get3A_1549 : vector<16xi32> to vector<16xi32>
    %add3A_1551 = arith.addi %get3A_1550, %mul3A_77 : vector<16xi32>
    %add3A_1552 = arith.constant 26000 : i32
    %add3A_1553 = vector.broadcast %add3A_1552 : i32 to vector<16xi32>
    %add3A_1554 = arith.addi %add3A_1551, %add3A_1553 : vector<16xi32>
    %add3A_1555 = vector.broadcast %mul3A_4 : i32 to vector<16xi32>
    %add3A_1556 = arith.addi %add3A_1554, %add3A_1555 : vector<16xi32>
    %swap3A_1557 = arith.constant 208 : index
    %swap3A_1558 = tpu.vector_load %arg8[%swap3A_1557] {strides = array<i32>} : memref<256xi32, #tpu.memory_space<vmem>>, vector<16xi32>,
    %swap3A_1559 = vector.shape_cast %swap3A_1558 : vector<16xi32> to vector<16xi32>
    %swap3A_1560 = vector.shape_cast %add3A_1556 : vector<16xi32> to vector<16xi32>
    tpu.vector_store %arg8[%swap3A_1557], %swap3A_1560 {strides = array<i32>} : memref<256xi32, #tpu.memory_space<vmem>>, vector<16xi32>,
    %get3A_1561 = arith.constant 224 : index
    %get3A_1562 = tpu.vector_load %arg6[%get3A_1561] {strides = array<i32>} : memref<256xi32, #tpu.memory_space<vmem>>, vector<16xi32>,
    %get3A_1563 = vector.shape_cast %get3A_1562 : vector<16xi32> to vector<16xi32>
    %add3A_1564 = arith.addi %get3A_1563, %mul3A_77 : vector<16xi32>
    %add3A_1565 = arith.constant 28000 : i32
    %add3A_1566 = vector.broadcast %add3A_1565 : i32 to vector<16xi32>
    %add3A_1567 = arith.addi %add3A_1564, %add3A_1566 : vector<16xi32>
    %add3A_1568 = vector.broadcast %mul3A_4 : i32 to vector<16xi32>
    %add3A_1569 = arith.addi %add3A_1567, %add3A_1568 : vector<16xi32>
    %swap3A_1570 = arith.constant 224 : index
    %swap3A_1571 = tpu.vector_load %arg8[%swap3A_1570] {strides = array<i32>} : memref<256xi32, #tpu.memory_space<vmem>>, vector<16xi32>,
    %swap3A_1572 = vector.shape_cast %swap3A_1571 : vector<16xi32> to vector<16xi32>
    %swap3A_1573 = vector.shape_cast %add3A_1569 : vector<16xi32> to vector<16xi32>
    tpu.vector_store %arg8[%swap3A_1570], %swap3A_1573 {strides = array<i32>} : memref<256xi32, #tpu.memory_space<vmem>>, vector<16xi32>,
    %get3A_1574 = arith.constant 240 : index
    %get3A_1575 = tpu.vector_load %arg6[%get3A_1574] {strides = array<i32>} : memref<256xi32, #tpu.memory_space<vmem>>, vector<16xi32>,
    %get3A_1576 = vector.shape_cast %get3A_1575 : vector<16xi32> to vector<16xi32>
    %add3A_1577 = arith.addi %get3A_1576, %mul3A_77 : vector<16xi32>
    %add3A_1578 = arith.constant 30000 : i32
    %add3A_1579 = vector.broadcast %add3A_1578 : i32 to vector<16xi32>
    %add3A_1580 = arith.addi %add3A_1577, %add3A_1579 : vector<16xi32>
    %add3A_1581 = vector.broadcast %mul3A_4 : i32 to vector<16xi32>
    %add3A_1582 = arith.addi %add3A_1580, %add3A_1581 : vector<16xi32>
    %swap3A_1583 = arith.constant 240 : index
    %swap3A_1584 = tpu.vector_load %arg8[%swap3A_1583] {strides = array<i32>} : memref<256xi32, #tpu.memory_space<vmem>>, vector<16xi32>,
    %swap3A_1585 = vector.shape_cast %swap3A_1584 : vector<16xi32> to vector<16xi32>
    %swap3A_1586 = vector.shape_cast %add3A_1582 : vector<16xi32> to vector<16xi32>
    tpu.vector_store %arg8[%swap3A_1583], %swap3A_1586 {strides = array<i32>} : memref<256xi32, #tpu.memory_space<vmem>>, vector<16xi32>,
    "tpu.region"() ({
      %run_scoped3A = tpu.sem_alloc : memref<!tpu.dma_semaphore, #tpu.memory_space<semaphore_mem>>
      %dma_start3A = arith.constant 0 : i32
      %dma_start3A_1805 = tpu.memref_slice %arg10[%dma_start3A] : memref<512000xf32, #tpu.memory_space<vmem_shared>> -> memref<512000xf32, #tpu.memory_space<vmem_shared>>
      tpu.enqueue_indirect_dma source(%arg7 : memref<256xf32, #tpu.memory_space<vmem>>) target(%dma_start3A_1805 : memref<512000xf32, #tpu.memory_space<vmem_shared>>) offsets(%arg8 : memref<256xi32, #tpu.memory_space<vmem>>) semaphore(%run_scoped3A : memref<!tpu.dma_semaphore, #tpu.memory_space<semaphore_mem>>)
      %dma_wait3A = arith.constant 0 : i32
      %dma_wait3A_1806 = tpu.memref_slice %arg10[%dma_wait3A] : memref<512000xf32, #tpu.memory_space<vmem_shared>> -> memref<512000xf32, #tpu.memory_space<vmem_shared>>
      tpu.wait_indirect_dma semaphore(%run_scoped3A : memref<!tpu.dma_semaphore, #tpu.memory_space<semaphore_mem>>) src(%arg7 : memref<256xf32, #tpu.memory_space<vmem>>) dst(%dma_wait3A_1806 : memref<512000xf32, #tpu.memory_space<vmem_shared>>)
      tpu.yield
    }) : () -> ()
    %mul3A_1587 = arith.constant 1000 : i32
    %mul3A_1588 = arith.muli %add3A_1374, %mul3A_1587 : i32
    "tpu.region"() ({
      %run_scoped3A = tpu.sem_alloc : memref<!tpu.dma_semaphore, #tpu.memory_space<semaphore_mem>>
      %dma_start3A = tpu.memref_slice %arg4[%mul3A_1588] : memref<8192000xf32, #tpu.memory_space<hbm>> -> memref<32000xf32, #tpu.memory_space<hbm>>
      %dma_start3A_1805 = tpu.memref_slice %arg10[%mul3A_4] : memref<512000xf32, #tpu.memory_space<vmem_shared>> -> memref<32000xf32, #tpu.memory_space<vmem_shared>>
      tpu.enqueue_dma source(%dma_start3A_1805 : memref<32000xf32, #tpu.memory_space<vmem_shared>>) target(%dma_start3A : memref<32000xf32, #tpu.memory_space<hbm>>) target_semaphore(%run_scoped3A : memref<!tpu.dma_semaphore, #tpu.memory_space<semaphore_mem>>)
      %dma_wait3A = tpu.memref_slice %arg4[%mul3A_1588] : memref<8192000xf32, #tpu.memory_space<hbm>> -> memref<32000xf32, #tpu.memory_space<hbm>>
      %dma_wait3A_1806 = tpu.memref_slice %arg10[%mul3A_4] : memref<512000xf32, #tpu.memory_space<vmem_shared>> -> memref<32000xf32, #tpu.memory_space<vmem_shared>>
      tpu.wait_dma2 semaphore(%run_scoped3A : memref<!tpu.dma_semaphore, #tpu.memory_space<semaphore_mem>>) src(%dma_wait3A_1806 : memref<32000xf32, #tpu.memory_space<vmem_shared>>) dst(%dma_wait3A : memref<32000xf32, #tpu.memory_space<hbm>>)
      tpu.yield
    }) : () -> ()
    "tpu.region"() ({
      %run_scoped3A = tpu.sem_alloc : memref<!tpu.dma_semaphore, #tpu.memory_space<semaphore_mem>>
      %dma_start3A = arith.constant 0 : i32
      %dma_start3A_1805 = tpu.memref_slice %arg10[%dma_start3A] : memref<512000xf32, #tpu.memory_space<vmem_shared>> -> memref<512000xf32, #tpu.memory_space<vmem_shared>>
      tpu.enqueue_indirect_dma source(%arg9 : memref<256xf32, #tpu.memory_space<vmem>>) target(%dma_start3A_1805 : memref<512000xf32, #tpu.memory_space<vmem_shared>>) offsets(%arg8 : memref<256xi32, #tpu.memory_space<vmem>>) semaphore(%run_scoped3A : memref<!tpu.dma_semaphore, #tpu.memory_space<semaphore_mem>>)
      %dma_wait3A = arith.constant 0 : i32
      %dma_wait3A_1806 = tpu.memref_slice %arg10[%dma_wait3A] : memref<512000xf32, #tpu.memory_space<vmem_shared>> -> memref<512000xf32, #tpu.memory_space<vmem_shared>>
      tpu.wait_indirect_dma semaphore(%run_scoped3A : memref<!tpu.dma_semaphore, #tpu.memory_space<semaphore_mem>>) src(%arg9 : memref<256xf32, #tpu.memory_space<vmem>>) dst(%dma_wait3A_1806 : memref<512000xf32, #tpu.memory_space<vmem_shared>>)
      tpu.yield
    }) : () -> ()
    %add3A_1589 = arith.constant 224 : i32
    %add3A_1590 = arith.addi %mul3A_2, %add3A_1589 : i32
    %mul3A_1591 = arith.constant 8 : i32
    %mul3A_1592 = arith.muli %add3A_1590, %mul3A_1591 : i32
    "tpu.region"() ({
      %run_scoped3A = tpu.sem_alloc : memref<!tpu.dma_semaphore, #tpu.memory_space<semaphore_mem>>
      %dma_start3A = tpu.memref_slice %arg2[%mul3A_1592] : memref<65536xi32, #tpu.memory_space<hbm>> -> memref<256xi32, #tpu.memory_space<hbm>>
      %dma_start3A_1805 = tpu.memref_slice %arg2[%mul3A_1592] : memref<65536xi32, #tpu.memory_space<hbm>> -> memref<256xi32, #tpu.memory_space<hbm>>
      tpu.enqueue_dma source(%dma_start3A_1805 : memref<256xi32, #tpu.memory_space<hbm>>) target(%arg6 : memref<256xi32, #tpu.memory_space<vmem>>) target_semaphore(%run_scoped3A : memref<!tpu.dma_semaphore, #tpu.memory_space<semaphore_mem>>)
      %dma_wait3A = tpu.memref_slice %arg2[%mul3A_1592] : memref<65536xi32, #tpu.memory_space<hbm>> -> memref<256xi32, #tpu.memory_space<hbm>>
      %dma_wait3A_1806 = tpu.memref_slice %arg2[%mul3A_1592] : memref<65536xi32, #tpu.memory_space<hbm>> -> memref<256xi32, #tpu.memory_space<hbm>>
      tpu.wait_dma2 semaphore(%run_scoped3A : memref<!tpu.dma_semaphore, #tpu.memory_space<semaphore_mem>>) src(%dma_wait3A_1806 : memref<256xi32, #tpu.memory_space<hbm>>) dst(%arg6 : memref<256xi32, #tpu.memory_space<vmem>>)
      tpu.yield
    }) : () -> ()
    %mul3A_1593 = arith.constant 8 : i32
    %mul3A_1594 = arith.muli %add3A_1590, %mul3A_1593 : i32
    "tpu.region"() ({
      %run_scoped3A = tpu.sem_alloc : memref<!tpu.dma_semaphore, #tpu.memory_space<semaphore_mem>>
      %dma_start3A = tpu.memref_slice %arg3[%mul3A_1594] : memref<65536xf32, #tpu.memory_space<hbm>> -> memref<256xf32, #tpu.memory_space<hbm>>
      %dma_start3A_1805 = tpu.memref_slice %arg3[%mul3A_1594] : memref<65536xf32, #tpu.memory_space<hbm>> -> memref<256xf32, #tpu.memory_space<hbm>>
      tpu.enqueue_dma source(%dma_start3A_1805 : memref<256xf32, #tpu.memory_space<hbm>>) target(%arg7 : memref<256xf32, #tpu.memory_space<vmem>>) target_semaphore(%run_scoped3A : memref<!tpu.dma_semaphore, #tpu.memory_space<semaphore_mem>>)
      %dma_wait3A = tpu.memref_slice %arg3[%mul3A_1594] : memref<65536xf32, #tpu.memory_space<hbm>> -> memref<256xf32, #tpu.memory_space<hbm>>
      %dma_wait3A_1806 = tpu.memref_slice %arg3[%mul3A_1594] : memref<65536xf32, #tpu.memory_space<hbm>> -> memref<256xf32, #tpu.memory_space<hbm>>
      tpu.wait_dma2 semaphore(%run_scoped3A : memref<!tpu.dma_semaphore, #tpu.memory_space<semaphore_mem>>) src(%dma_wait3A_1806 : memref<256xf32, #tpu.memory_space<hbm>>) dst(%arg7 : memref<256xf32, #tpu.memory_space<vmem>>)
      tpu.yield
    }) : () -> ()
    %get3A_1595 = arith.constant 0 : index
    %get3A_1596 = tpu.vector_load %arg6[%get3A_1595] {strides = array<i32>} : memref<256xi32, #tpu.memory_space<vmem>>, vector<16xi32>,
    %get3A_1597 = vector.shape_cast %get3A_1596 : vector<16xi32> to vector<16xi32>
    %add3A_1598 = arith.addi %get3A_1597, %mul3A_77 : vector<16xi32>
    %add3A_1599 = arith.constant 0 : i32
    %add3A_1600 = vector.broadcast %add3A_1599 : i32 to vector<16xi32>
    %add3A_1601 = arith.addi %add3A_1598, %add3A_1600 : vector<16xi32>
    %add3A_1602 = vector.broadcast %mul3A_4 : i32 to vector<16xi32>
    %add3A_1603 = arith.addi %add3A_1601, %add3A_1602 : vector<16xi32>
    %swap3A_1604 = arith.constant 0 : index
    %swap3A_1605 = tpu.vector_load %arg8[%swap3A_1604] {strides = array<i32>} : memref<256xi32, #tpu.memory_space<vmem>>, vector<16xi32>,
    %swap3A_1606 = vector.shape_cast %swap3A_1605 : vector<16xi32> to vector<16xi32>
    %swap3A_1607 = vector.shape_cast %add3A_1603 : vector<16xi32> to vector<16xi32>
    tpu.vector_store %arg8[%swap3A_1604], %swap3A_1607 {strides = array<i32>} : memref<256xi32, #tpu.memory_space<vmem>>, vector<16xi32>,
    %get3A_1608 = arith.constant 16 : index
    %get3A_1609 = tpu.vector_load %arg6[%get3A_1608] {strides = array<i32>} : memref<256xi32, #tpu.memory_space<vmem>>, vector<16xi32>,
    %get3A_1610 = vector.shape_cast %get3A_1609 : vector<16xi32> to vector<16xi32>
    %add3A_1611 = arith.addi %get3A_1610, %mul3A_77 : vector<16xi32>
    %add3A_1612 = arith.constant 2000 : i32
    %add3A_1613 = vector.broadcast %add3A_1612 : i32 to vector<16xi32>
    %add3A_1614 = arith.addi %add3A_1611, %add3A_1613 : vector<16xi32>
    %add3A_1615 = vector.broadcast %mul3A_4 : i32 to vector<16xi32>
    %add3A_1616 = arith.addi %add3A_1614, %add3A_1615 : vector<16xi32>
    %swap3A_1617 = arith.constant 16 : index
    %swap3A_1618 = tpu.vector_load %arg8[%swap3A_1617] {strides = array<i32>} : memref<256xi32, #tpu.memory_space<vmem>>, vector<16xi32>,
    %swap3A_1619 = vector.shape_cast %swap3A_1618 : vector<16xi32> to vector<16xi32>
    %swap3A_1620 = vector.shape_cast %add3A_1616 : vector<16xi32> to vector<16xi32>
    tpu.vector_store %arg8[%swap3A_1617], %swap3A_1620 {strides = array<i32>} : memref<256xi32, #tpu.memory_space<vmem>>, vector<16xi32>,
    %get3A_1621 = arith.constant 32 : index
    %get3A_1622 = tpu.vector_load %arg6[%get3A_1621] {strides = array<i32>} : memref<256xi32, #tpu.memory_space<vmem>>, vector<16xi32>,
    %get3A_1623 = vector.shape_cast %get3A_1622 : vector<16xi32> to vector<16xi32>
    %add3A_1624 = arith.addi %get3A_1623, %mul3A_77 : vector<16xi32>
    %add3A_1625 = arith.constant 4000 : i32
    %add3A_1626 = vector.broadcast %add3A_1625 : i32 to vector<16xi32>
    %add3A_1627 = arith.addi %add3A_1624, %add3A_1626 : vector<16xi32>
    %add3A_1628 = vector.broadcast %mul3A_4 : i32 to vector<16xi32>
    %add3A_1629 = arith.addi %add3A_1627, %add3A_1628 : vector<16xi32>
    %swap3A_1630 = arith.constant 32 : index
    %swap3A_1631 = tpu.vector_load %arg8[%swap3A_1630] {strides = array<i32>} : memref<256xi32, #tpu.memory_space<vmem>>, vector<16xi32>,
    %swap3A_1632 = vector.shape_cast %swap3A_1631 : vector<16xi32> to vector<16xi32>
    %swap3A_1633 = vector.shape_cast %add3A_1629 : vector<16xi32> to vector<16xi32>
    tpu.vector_store %arg8[%swap3A_1630], %swap3A_1633 {strides = array<i32>} : memref<256xi32, #tpu.memory_space<vmem>>, vector<16xi32>,
    %get3A_1634 = arith.constant 48 : index
    %get3A_1635 = tpu.vector_load %arg6[%get3A_1634] {strides = array<i32>} : memref<256xi32, #tpu.memory_space<vmem>>, vector<16xi32>,
    %get3A_1636 = vector.shape_cast %get3A_1635 : vector<16xi32> to vector<16xi32>
    %add3A_1637 = arith.addi %get3A_1636, %mul3A_77 : vector<16xi32>
    %add3A_1638 = arith.constant 6000 : i32
    %add3A_1639 = vector.broadcast %add3A_1638 : i32 to vector<16xi32>
    %add3A_1640 = arith.addi %add3A_1637, %add3A_1639 : vector<16xi32>
    %add3A_1641 = vector.broadcast %mul3A_4 : i32 to vector<16xi32>
    %add3A_1642 = arith.addi %add3A_1640, %add3A_1641 : vector<16xi32>
    %swap3A_1643 = arith.constant 48 : index
    %swap3A_1644 = tpu.vector_load %arg8[%swap3A_1643] {strides = array<i32>} : memref<256xi32, #tpu.memory_space<vmem>>, vector<16xi32>,
    %swap3A_1645 = vector.shape_cast %swap3A_1644 : vector<16xi32> to vector<16xi32>
    %swap3A_1646 = vector.shape_cast %add3A_1642 : vector<16xi32> to vector<16xi32>
    tpu.vector_store %arg8[%swap3A_1643], %swap3A_1646 {strides = array<i32>} : memref<256xi32, #tpu.memory_space<vmem>>, vector<16xi32>,
    %get3A_1647 = arith.constant 64 : index
    %get3A_1648 = tpu.vector_load %arg6[%get3A_1647] {strides = array<i32>} : memref<256xi32, #tpu.memory_space<vmem>>, vector<16xi32>,
    %get3A_1649 = vector.shape_cast %get3A_1648 : vector<16xi32> to vector<16xi32>
    %add3A_1650 = arith.addi %get3A_1649, %mul3A_77 : vector<16xi32>
    %add3A_1651 = arith.constant 8000 : i32
    %add3A_1652 = vector.broadcast %add3A_1651 : i32 to vector<16xi32>
    %add3A_1653 = arith.addi %add3A_1650, %add3A_1652 : vector<16xi32>
    %add3A_1654 = vector.broadcast %mul3A_4 : i32 to vector<16xi32>
    %add3A_1655 = arith.addi %add3A_1653, %add3A_1654 : vector<16xi32>
    %swap3A_1656 = arith.constant 64 : index
    %swap3A_1657 = tpu.vector_load %arg8[%swap3A_1656] {strides = array<i32>} : memref<256xi32, #tpu.memory_space<vmem>>, vector<16xi32>,
    %swap3A_1658 = vector.shape_cast %swap3A_1657 : vector<16xi32> to vector<16xi32>
    %swap3A_1659 = vector.shape_cast %add3A_1655 : vector<16xi32> to vector<16xi32>
    tpu.vector_store %arg8[%swap3A_1656], %swap3A_1659 {strides = array<i32>} : memref<256xi32, #tpu.memory_space<vmem>>, vector<16xi32>,
    %get3A_1660 = arith.constant 80 : index
    %get3A_1661 = tpu.vector_load %arg6[%get3A_1660] {strides = array<i32>} : memref<256xi32, #tpu.memory_space<vmem>>, vector<16xi32>,
    %get3A_1662 = vector.shape_cast %get3A_1661 : vector<16xi32> to vector<16xi32>
    %add3A_1663 = arith.addi %get3A_1662, %mul3A_77 : vector<16xi32>
    %add3A_1664 = arith.constant 10000 : i32
    %add3A_1665 = vector.broadcast %add3A_1664 : i32 to vector<16xi32>
    %add3A_1666 = arith.addi %add3A_1663, %add3A_1665 : vector<16xi32>
    %add3A_1667 = vector.broadcast %mul3A_4 : i32 to vector<16xi32>
    %add3A_1668 = arith.addi %add3A_1666, %add3A_1667 : vector<16xi32>
    %swap3A_1669 = arith.constant 80 : index
    %swap3A_1670 = tpu.vector_load %arg8[%swap3A_1669] {strides = array<i32>} : memref<256xi32, #tpu.memory_space<vmem>>, vector<16xi32>,
    %swap3A_1671 = vector.shape_cast %swap3A_1670 : vector<16xi32> to vector<16xi32>
    %swap3A_1672 = vector.shape_cast %add3A_1668 : vector<16xi32> to vector<16xi32>
    tpu.vector_store %arg8[%swap3A_1669], %swap3A_1672 {strides = array<i32>} : memref<256xi32, #tpu.memory_space<vmem>>, vector<16xi32>,
    %get3A_1673 = arith.constant 96 : index
    %get3A_1674 = tpu.vector_load %arg6[%get3A_1673] {strides = array<i32>} : memref<256xi32, #tpu.memory_space<vmem>>, vector<16xi32>,
    %get3A_1675 = vector.shape_cast %get3A_1674 : vector<16xi32> to vector<16xi32>
    %add3A_1676 = arith.addi %get3A_1675, %mul3A_77 : vector<16xi32>
    %add3A_1677 = arith.constant 12000 : i32
    %add3A_1678 = vector.broadcast %add3A_1677 : i32 to vector<16xi32>
    %add3A_1679 = arith.addi %add3A_1676, %add3A_1678 : vector<16xi32>
    %add3A_1680 = vector.broadcast %mul3A_4 : i32 to vector<16xi32>
    %add3A_1681 = arith.addi %add3A_1679, %add3A_1680 : vector<16xi32>
    %swap3A_1682 = arith.constant 96 : index
    %swap3A_1683 = tpu.vector_load %arg8[%swap3A_1682] {strides = array<i32>} : memref<256xi32, #tpu.memory_space<vmem>>, vector<16xi32>,
    %swap3A_1684 = vector.shape_cast %swap3A_1683 : vector<16xi32> to vector<16xi32>
    %swap3A_1685 = vector.shape_cast %add3A_1681 : vector<16xi32> to vector<16xi32>
    tpu.vector_store %arg8[%swap3A_1682], %swap3A_1685 {strides = array<i32>} : memref<256xi32, #tpu.memory_space<vmem>>, vector<16xi32>,
    %get3A_1686 = arith.constant 112 : index
    %get3A_1687 = tpu.vector_load %arg6[%get3A_1686] {strides = array<i32>} : memref<256xi32, #tpu.memory_space<vmem>>, vector<16xi32>,
    %get3A_1688 = vector.shape_cast %get3A_1687 : vector<16xi32> to vector<16xi32>
    %add3A_1689 = arith.addi %get3A_1688, %mul3A_77 : vector<16xi32>
    %add3A_1690 = arith.constant 14000 : i32
    %add3A_1691 = vector.broadcast %add3A_1690 : i32 to vector<16xi32>
    %add3A_1692 = arith.addi %add3A_1689, %add3A_1691 : vector<16xi32>
    %add3A_1693 = vector.broadcast %mul3A_4 : i32 to vector<16xi32>
    %add3A_1694 = arith.addi %add3A_1692, %add3A_1693 : vector<16xi32>
    %swap3A_1695 = arith.constant 112 : index
    %swap3A_1696 = tpu.vector_load %arg8[%swap3A_1695] {strides = array<i32>} : memref<256xi32, #tpu.memory_space<vmem>>, vector<16xi32>,
    %swap3A_1697 = vector.shape_cast %swap3A_1696 : vector<16xi32> to vector<16xi32>
    %swap3A_1698 = vector.shape_cast %add3A_1694 : vector<16xi32> to vector<16xi32>
    tpu.vector_store %arg8[%swap3A_1695], %swap3A_1698 {strides = array<i32>} : memref<256xi32, #tpu.memory_space<vmem>>, vector<16xi32>,
    %get3A_1699 = arith.constant 128 : index
    %get3A_1700 = tpu.vector_load %arg6[%get3A_1699] {strides = array<i32>} : memref<256xi32, #tpu.memory_space<vmem>>, vector<16xi32>,
    %get3A_1701 = vector.shape_cast %get3A_1700 : vector<16xi32> to vector<16xi32>
    %add3A_1702 = arith.addi %get3A_1701, %mul3A_77 : vector<16xi32>
    %add3A_1703 = arith.constant 16000 : i32
    %add3A_1704 = vector.broadcast %add3A_1703 : i32 to vector<16xi32>
    %add3A_1705 = arith.addi %add3A_1702, %add3A_1704 : vector<16xi32>
    %add3A_1706 = vector.broadcast %mul3A_4 : i32 to vector<16xi32>
    %add3A_1707 = arith.addi %add3A_1705, %add3A_1706 : vector<16xi32>
    %swap3A_1708 = arith.constant 128 : index
    %swap3A_1709 = tpu.vector_load %arg8[%swap3A_1708] {strides = array<i32>} : memref<256xi32, #tpu.memory_space<vmem>>, vector<16xi32>,
    %swap3A_1710 = vector.shape_cast %swap3A_1709 : vector<16xi32> to vector<16xi32>
    %swap3A_1711 = vector.shape_cast %add3A_1707 : vector<16xi32> to vector<16xi32>
    tpu.vector_store %arg8[%swap3A_1708], %swap3A_1711 {strides = array<i32>} : memref<256xi32, #tpu.memory_space<vmem>>, vector<16xi32>,
    %get3A_1712 = arith.constant 144 : index
    %get3A_1713 = tpu.vector_load %arg6[%get3A_1712] {strides = array<i32>} : memref<256xi32, #tpu.memory_space<vmem>>, vector<16xi32>,
    %get3A_1714 = vector.shape_cast %get3A_1713 : vector<16xi32> to vector<16xi32>
    %add3A_1715 = arith.addi %get3A_1714, %mul3A_77 : vector<16xi32>
    %add3A_1716 = arith.constant 18000 : i32
    %add3A_1717 = vector.broadcast %add3A_1716 : i32 to vector<16xi32>
    %add3A_1718 = arith.addi %add3A_1715, %add3A_1717 : vector<16xi32>
    %add3A_1719 = vector.broadcast %mul3A_4 : i32 to vector<16xi32>
    %add3A_1720 = arith.addi %add3A_1718, %add3A_1719 : vector<16xi32>
    %swap3A_1721 = arith.constant 144 : index
    %swap3A_1722 = tpu.vector_load %arg8[%swap3A_1721] {strides = array<i32>} : memref<256xi32, #tpu.memory_space<vmem>>, vector<16xi32>,
    %swap3A_1723 = vector.shape_cast %swap3A_1722 : vector<16xi32> to vector<16xi32>
    %swap3A_1724 = vector.shape_cast %add3A_1720 : vector<16xi32> to vector<16xi32>
    tpu.vector_store %arg8[%swap3A_1721], %swap3A_1724 {strides = array<i32>} : memref<256xi32, #tpu.memory_space<vmem>>, vector<16xi32>,
    %get3A_1725 = arith.constant 160 : index
    %get3A_1726 = tpu.vector_load %arg6[%get3A_1725] {strides = array<i32>} : memref<256xi32, #tpu.memory_space<vmem>>, vector<16xi32>,
    %get3A_1727 = vector.shape_cast %get3A_1726 : vector<16xi32> to vector<16xi32>
    %add3A_1728 = arith.addi %get3A_1727, %mul3A_77 : vector<16xi32>
    %add3A_1729 = arith.constant 20000 : i32
    %add3A_1730 = vector.broadcast %add3A_1729 : i32 to vector<16xi32>
    %add3A_1731 = arith.addi %add3A_1728, %add3A_1730 : vector<16xi32>
    %add3A_1732 = vector.broadcast %mul3A_4 : i32 to vector<16xi32>
    %add3A_1733 = arith.addi %add3A_1731, %add3A_1732 : vector<16xi32>
    %swap3A_1734 = arith.constant 160 : index
    %swap3A_1735 = tpu.vector_load %arg8[%swap3A_1734] {strides = array<i32>} : memref<256xi32, #tpu.memory_space<vmem>>, vector<16xi32>,
    %swap3A_1736 = vector.shape_cast %swap3A_1735 : vector<16xi32> to vector<16xi32>
    %swap3A_1737 = vector.shape_cast %add3A_1733 : vector<16xi32> to vector<16xi32>
    tpu.vector_store %arg8[%swap3A_1734], %swap3A_1737 {strides = array<i32>} : memref<256xi32, #tpu.memory_space<vmem>>, vector<16xi32>,
    %get3A_1738 = arith.constant 176 : index
    %get3A_1739 = tpu.vector_load %arg6[%get3A_1738] {strides = array<i32>} : memref<256xi32, #tpu.memory_space<vmem>>, vector<16xi32>,
    %get3A_1740 = vector.shape_cast %get3A_1739 : vector<16xi32> to vector<16xi32>
    %add3A_1741 = arith.addi %get3A_1740, %mul3A_77 : vector<16xi32>
    %add3A_1742 = arith.constant 22000 : i32
    %add3A_1743 = vector.broadcast %add3A_1742 : i32 to vector<16xi32>
    %add3A_1744 = arith.addi %add3A_1741, %add3A_1743 : vector<16xi32>
    %add3A_1745 = vector.broadcast %mul3A_4 : i32 to vector<16xi32>
    %add3A_1746 = arith.addi %add3A_1744, %add3A_1745 : vector<16xi32>
    %swap3A_1747 = arith.constant 176 : index
    %swap3A_1748 = tpu.vector_load %arg8[%swap3A_1747] {strides = array<i32>} : memref<256xi32, #tpu.memory_space<vmem>>, vector<16xi32>,
    %swap3A_1749 = vector.shape_cast %swap3A_1748 : vector<16xi32> to vector<16xi32>
    %swap3A_1750 = vector.shape_cast %add3A_1746 : vector<16xi32> to vector<16xi32>
    tpu.vector_store %arg8[%swap3A_1747], %swap3A_1750 {strides = array<i32>} : memref<256xi32, #tpu.memory_space<vmem>>, vector<16xi32>,
    %get3A_1751 = arith.constant 192 : index
    %get3A_1752 = tpu.vector_load %arg6[%get3A_1751] {strides = array<i32>} : memref<256xi32, #tpu.memory_space<vmem>>, vector<16xi32>,
    %get3A_1753 = vector.shape_cast %get3A_1752 : vector<16xi32> to vector<16xi32>
    %add3A_1754 = arith.addi %get3A_1753, %mul3A_77 : vector<16xi32>
    %add3A_1755 = arith.constant 24000 : i32
    %add3A_1756 = vector.broadcast %add3A_1755 : i32 to vector<16xi32>
    %add3A_1757 = arith.addi %add3A_1754, %add3A_1756 : vector<16xi32>
    %add3A_1758 = vector.broadcast %mul3A_4 : i32 to vector<16xi32>
    %add3A_1759 = arith.addi %add3A_1757, %add3A_1758 : vector<16xi32>
    %swap3A_1760 = arith.constant 192 : index
    %swap3A_1761 = tpu.vector_load %arg8[%swap3A_1760] {strides = array<i32>} : memref<256xi32, #tpu.memory_space<vmem>>, vector<16xi32>,
    %swap3A_1762 = vector.shape_cast %swap3A_1761 : vector<16xi32> to vector<16xi32>
    %swap3A_1763 = vector.shape_cast %add3A_1759 : vector<16xi32> to vector<16xi32>
    tpu.vector_store %arg8[%swap3A_1760], %swap3A_1763 {strides = array<i32>} : memref<256xi32, #tpu.memory_space<vmem>>, vector<16xi32>,
    %get3A_1764 = arith.constant 208 : index
    %get3A_1765 = tpu.vector_load %arg6[%get3A_1764] {strides = array<i32>} : memref<256xi32, #tpu.memory_space<vmem>>, vector<16xi32>,
    %get3A_1766 = vector.shape_cast %get3A_1765 : vector<16xi32> to vector<16xi32>
    %add3A_1767 = arith.addi %get3A_1766, %mul3A_77 : vector<16xi32>
    %add3A_1768 = arith.constant 26000 : i32
    %add3A_1769 = vector.broadcast %add3A_1768 : i32 to vector<16xi32>
    %add3A_1770 = arith.addi %add3A_1767, %add3A_1769 : vector<16xi32>
    %add3A_1771 = vector.broadcast %mul3A_4 : i32 to vector<16xi32>
    %add3A_1772 = arith.addi %add3A_1770, %add3A_1771 : vector<16xi32>
    %swap3A_1773 = arith.constant 208 : index
    %swap3A_1774 = tpu.vector_load %arg8[%swap3A_1773] {strides = array<i32>} : memref<256xi32, #tpu.memory_space<vmem>>, vector<16xi32>,
    %swap3A_1775 = vector.shape_cast %swap3A_1774 : vector<16xi32> to vector<16xi32>
    %swap3A_1776 = vector.shape_cast %add3A_1772 : vector<16xi32> to vector<16xi32>
    tpu.vector_store %arg8[%swap3A_1773], %swap3A_1776 {strides = array<i32>} : memref<256xi32, #tpu.memory_space<vmem>>, vector<16xi32>,
    %get3A_1777 = arith.constant 224 : index
    %get3A_1778 = tpu.vector_load %arg6[%get3A_1777] {strides = array<i32>} : memref<256xi32, #tpu.memory_space<vmem>>, vector<16xi32>,
    %get3A_1779 = vector.shape_cast %get3A_1778 : vector<16xi32> to vector<16xi32>
    %add3A_1780 = arith.addi %get3A_1779, %mul3A_77 : vector<16xi32>
    %add3A_1781 = arith.constant 28000 : i32
    %add3A_1782 = vector.broadcast %add3A_1781 : i32 to vector<16xi32>
    %add3A_1783 = arith.addi %add3A_1780, %add3A_1782 : vector<16xi32>
    %add3A_1784 = vector.broadcast %mul3A_4 : i32 to vector<16xi32>
    %add3A_1785 = arith.addi %add3A_1783, %add3A_1784 : vector<16xi32>
    %swap3A_1786 = arith.constant 224 : index
    %swap3A_1787 = tpu.vector_load %arg8[%swap3A_1786] {strides = array<i32>} : memref<256xi32, #tpu.memory_space<vmem>>, vector<16xi32>,
    %swap3A_1788 = vector.shape_cast %swap3A_1787 : vector<16xi32> to vector<16xi32>
    %swap3A_1789 = vector.shape_cast %add3A_1785 : vector<16xi32> to vector<16xi32>
    tpu.vector_store %arg8[%swap3A_1786], %swap3A_1789 {strides = array<i32>} : memref<256xi32, #tpu.memory_space<vmem>>, vector<16xi32>,
    %get3A_1790 = arith.constant 240 : index
    %get3A_1791 = tpu.vector_load %arg6[%get3A_1790] {strides = array<i32>} : memref<256xi32, #tpu.memory_space<vmem>>, vector<16xi32>,
    %get3A_1792 = vector.shape_cast %get3A_1791 : vector<16xi32> to vector<16xi32>
    %add3A_1793 = arith.addi %get3A_1792, %mul3A_77 : vector<16xi32>
    %add3A_1794 = arith.constant 30000 : i32
    %add3A_1795 = vector.broadcast %add3A_1794 : i32 to vector<16xi32>
    %add3A_1796 = arith.addi %add3A_1793, %add3A_1795 : vector<16xi32>
    %add3A_1797 = vector.broadcast %mul3A_4 : i32 to vector<16xi32>
    %add3A_1798 = arith.addi %add3A_1796, %add3A_1797 : vector<16xi32>
    %swap3A_1799 = arith.constant 240 : index
    %swap3A_1800 = tpu.vector_load %arg8[%swap3A_1799] {strides = array<i32>} : memref<256xi32, #tpu.memory_space<vmem>>, vector<16xi32>,
    %swap3A_1801 = vector.shape_cast %swap3A_1800 : vector<16xi32> to vector<16xi32>
    %swap3A_1802 = vector.shape_cast %add3A_1798 : vector<16xi32> to vector<16xi32>
    tpu.vector_store %arg8[%swap3A_1799], %swap3A_1802 {strides = array<i32>} : memref<256xi32, #tpu.memory_space<vmem>>, vector<16xi32>,
    "tpu.region"() ({
      %run_scoped3A = tpu.sem_alloc : memref<!tpu.dma_semaphore, #tpu.memory_space<semaphore_mem>>
      %dma_start3A = arith.constant 0 : i32
      %dma_start3A_1805 = tpu.memref_slice %arg10[%dma_start3A] : memref<512000xf32, #tpu.memory_space<vmem_shared>> -> memref<512000xf32, #tpu.memory_space<vmem_shared>>
      tpu.enqueue_indirect_dma source(%arg7 : memref<256xf32, #tpu.memory_space<vmem>>) target(%dma_start3A_1805 : memref<512000xf32, #tpu.memory_space<vmem_shared>>) offsets(%arg8 : memref<256xi32, #tpu.memory_space<vmem>>) semaphore(%run_scoped3A : memref<!tpu.dma_semaphore, #tpu.memory_space<semaphore_mem>>)
      %dma_wait3A = arith.constant 0 : i32
      %dma_wait3A_1806 = tpu.memref_slice %arg10[%dma_wait3A] : memref<512000xf32, #tpu.memory_space<vmem_shared>> -> memref<512000xf32, #tpu.memory_space<vmem_shared>>
      tpu.wait_indirect_dma semaphore(%run_scoped3A : memref<!tpu.dma_semaphore, #tpu.memory_space<semaphore_mem>>) src(%arg7 : memref<256xf32, #tpu.memory_space<vmem>>) dst(%dma_wait3A_1806 : memref<512000xf32, #tpu.memory_space<vmem_shared>>)
      tpu.yield
    }) : () -> ()
    %mul3A_1803 = arith.constant 1000 : i32
    %mul3A_1804 = arith.muli %add3A_1590, %mul3A_1803 : i32
    "tpu.region"() ({
      %run_scoped3A = tpu.sem_alloc : memref<!tpu.dma_semaphore, #tpu.memory_space<semaphore_mem>>
      %dma_start3A = tpu.memref_slice %arg4[%mul3A_1804] : memref<8192000xf32, #tpu.memory_space<hbm>> -> memref<32000xf32, #tpu.memory_space<hbm>>
      %dma_start3A_1805 = tpu.memref_slice %arg10[%mul3A_4] : memref<512000xf32, #tpu.memory_space<vmem_shared>> -> memref<32000xf32, #tpu.memory_space<vmem_shared>>
      tpu.enqueue_dma source(%dma_start3A_1805 : memref<32000xf32, #tpu.memory_space<vmem_shared>>) target(%dma_start3A : memref<32000xf32, #tpu.memory_space<hbm>>) target_semaphore(%run_scoped3A : memref<!tpu.dma_semaphore, #tpu.memory_space<semaphore_mem>>)
      %dma_wait3A = tpu.memref_slice %arg4[%mul3A_1804] : memref<8192000xf32, #tpu.memory_space<hbm>> -> memref<32000xf32, #tpu.memory_space<hbm>>
      %dma_wait3A_1806 = tpu.memref_slice %arg10[%mul3A_4] : memref<512000xf32, #tpu.memory_space<vmem_shared>> -> memref<32000xf32, #tpu.memory_space<vmem_shared>>
      tpu.wait_dma2 semaphore(%run_scoped3A : memref<!tpu.dma_semaphore, #tpu.memory_space<semaphore_mem>>) src(%dma_wait3A_1806 : memref<32000xf32, #tpu.memory_space<vmem_shared>>) dst(%dma_wait3A : memref<32000xf32, #tpu.memory_space<hbm>>)
      tpu.yield
    }) : () -> ()
    "tpu.region"() ({
      %run_scoped3A = tpu.sem_alloc : memref<!tpu.dma_semaphore, #tpu.memory_space<semaphore_mem>>
      %dma_start3A = arith.constant 0 : i32
      %dma_start3A_1805 = tpu.memref_slice %arg10[%dma_start3A] : memref<512000xf32, #tpu.memory_space<vmem_shared>> -> memref<512000xf32, #tpu.memory_space<vmem_shared>>
      tpu.enqueue_indirect_dma source(%arg9 : memref<256xf32, #tpu.memory_space<vmem>>) target(%dma_start3A_1805 : memref<512000xf32, #tpu.memory_space<vmem_shared>>) offsets(%arg8 : memref<256xi32, #tpu.memory_space<vmem>>) semaphore(%run_scoped3A : memref<!tpu.dma_semaphore, #tpu.memory_space<semaphore_mem>>)
      %dma_wait3A = arith.constant 0 : i32
      %dma_wait3A_1806 = tpu.memref_slice %arg10[%dma_wait3A] : memref<512000xf32, #tpu.memory_space<vmem_shared>> -> memref<512000xf32, #tpu.memory_space<vmem_shared>>
      tpu.wait_indirect_dma semaphore(%run_scoped3A : memref<!tpu.dma_semaphore, #tpu.memory_space<semaphore_mem>>) src(%arg9 : memref<256xf32, #tpu.memory_space<vmem>>) dst(%dma_wait3A_1806 : memref<512000xf32, #tpu.memory_space<vmem_shared>>)
      tpu.yield
    }) : () -> ()
    return
  }
}

module attributes {stable_mosaic.version = 14 : i64} {
  func.func @_topk_sel_kernel(%arg0: i32, %arg1: memref<512x1000xf32, #tpu.memory_space<vmem>>, %arg2: memref<512x8xi32, #tpu.memory_space<vmem>>, %arg3: memref<512x8xf32, #tpu.memory_space<vmem>>) attributes {dimension_semantics = [#tpu.dimension_semantics<arbitrary>], iteration_bounds = array<i64: 16>, scalar_prefetch = 0 : i64, scratch_operands = 0 : i64, tpu.core_type = #tpu.core_type<tc>, window_params = [{transform_indices = @transform_0, window_bounds = array<i64: 512, 1000>}, {transform_indices = @transform_1, window_bounds = array<i64: 512, 8>}, {transform_indices = @transform_2, window_bounds = array<i64: 512, 8>}]} {
    %get3A = arith.constant 0 : index
    %get3A_0 = arith.constant 0 : index
    %get3A_1 = vector.load %arg1[%get3A, %get3A_0] : memref<512x1000xf32, #tpu.memory_space<vmem>>, vector<512x1000xf32>
    %reduce_max3A = arith.constant dense<0xFF800000> : vector<512xf32>
    %reduce_max3A_2 = vector.multi_reduction <maximumf>, %get3A_1, %reduce_max3A [1] : vector<512x1000xf32> to vector<512xf32>
    %broadcast_in_dim3A = vector.shape_cast %reduce_max3A_2 : vector<512xf32> to vector<512x1xf32>
    %sub3A = vector.broadcast %broadcast_in_dim3A : vector<512x1xf32> to vector<512x1000xf32>
    %sub3A_3 = arith.subf %get3A_1, %sub3A : vector<512x1000xf32>
    %mul3A = arith.constant 5.000000e-01 : f32
    %mul3A_4 = vector.broadcast %mul3A : f32 to vector<512x1000xf32>
    %mul3A_5 = arith.mulf %sub3A_3, %mul3A_4 : vector<512x1000xf32>
    %exp3A = math.exp %mul3A_5 : vector<512x1000xf32>
    %reduce_sum3A = arith.constant dense<0.000000e+00> : vector<512xf32>
    %reduce_sum3A_6 = vector.multi_reduction <add>, %exp3A, %reduce_sum3A [1] : vector<512x1000xf32> to vector<512xf32>
    %broadcast_in_dim3A_7 = vector.shape_cast %reduce_sum3A_6 : vector<512xf32> to vector<512x1xf32>
    %iota3A = tpu.iota {dimensions = array<i32: 1>} : vector<512x1000xi32>
    %sub3A_8 = arith.constant 1000 : i32
    %sub3A_9 = vector.broadcast %sub3A_8 : i32 to vector<512x1000xi32>
    %sub3A_10 = arith.subi %sub3A_9, %iota3A : vector<512x1000xi32>
    %convert_element_type3A = arith.sitofp %sub3A_10 : vector<512x1000xi32> to vector<512x1000xf32>
    %broadcast_in_dim3A_11 = arith.constant 1.000000e+00 : f32
    %broadcast_in_dim3A_12 = vector.broadcast %broadcast_in_dim3A_11 : f32 to vector<512x1xf32>
    %ge3A = vector.broadcast %broadcast_in_dim3A_12 : vector<512x1xf32> to vector<512x1000xf32>
    %ge3A_13 = arith.cmpf oge, %exp3A, %ge3A : vector<512x1000xf32>
    %jit3A = arith.constant 0.000000e+00 : f32
    %broadcast_in_dim3A_14 = vector.broadcast %jit3A : f32 to vector<512x1000xf32>
    %select_n3A = arith.select %ge3A_13, %convert_element_type3A, %broadcast_in_dim3A_14 : vector<512x1000xi1>, vector<512x1000xf32>
    %reduce_max3A_15 = arith.constant dense<0xFF800000> : vector<512xf32>
    %reduce_max3A_16 = vector.multi_reduction <maximumf>, %select_n3A, %reduce_max3A_15 [1] : vector<512x1000xf32> to vector<512xf32>
    %broadcast_in_dim3A_17 = vector.shape_cast %reduce_max3A_16 : vector<512xf32> to vector<512x1xf32>
    %div3A = arith.divf %broadcast_in_dim3A_12, %broadcast_in_dim3A_7 : vector<512x1xf32>
    %sub3A_18 = arith.subf %broadcast_in_dim3A_7, %broadcast_in_dim3A_12 : vector<512x1xf32>
    %eq3A = vector.broadcast %broadcast_in_dim3A_17 : vector<512x1xf32> to vector<512x1000xf32>
    %eq3A_19 = arith.cmpf oeq, %convert_element_type3A, %eq3A : vector<512x1000xf32>
    %jit3A_20 = arith.constant 0.000000e+00 : f32
    %broadcast_in_dim3A_21 = vector.broadcast %jit3A_20 : f32 to vector<512x1000xf32>
    %select_n3A_22 = arith.select %eq3A_19, %broadcast_in_dim3A_21, %exp3A : vector<512x1000xi1>, vector<512x1000xf32>
    %reduce_max3A_23 = arith.constant dense<0xFF800000> : vector<512xf32>
    %reduce_max3A_24 = vector.multi_reduction <maximumf>, %select_n3A_22, %reduce_max3A_23 [1] : vector<512x1000xf32> to vector<512xf32>
    %broadcast_in_dim3A_25 = vector.shape_cast %reduce_max3A_24 : vector<512xf32> to vector<512x1xf32>
    %ge3A_26 = vector.broadcast %broadcast_in_dim3A_25 : vector<512x1xf32> to vector<512x1000xf32>
    %ge3A_27 = arith.cmpf oge, %select_n3A_22, %ge3A_26 : vector<512x1000xf32>
    %jit3A_28 = arith.constant 0.000000e+00 : f32
    %broadcast_in_dim3A_29 = vector.broadcast %jit3A_28 : f32 to vector<512x1000xf32>
    %select_n3A_30 = arith.select %ge3A_27, %convert_element_type3A, %broadcast_in_dim3A_29 : vector<512x1000xi1>, vector<512x1000xf32>
    %reduce_max3A_31 = arith.constant dense<0xFF800000> : vector<512xf32>
    %reduce_max3A_32 = vector.multi_reduction <maximumf>, %select_n3A_30, %reduce_max3A_31 [1] : vector<512x1000xf32> to vector<512xf32>
    %broadcast_in_dim3A_33 = vector.shape_cast %reduce_max3A_32 : vector<512xf32> to vector<512x1xf32>
    %div3A_34 = arith.divf %broadcast_in_dim3A_25, %sub3A_18 : vector<512x1xf32>
    %sub3A_35 = arith.subf %sub3A_18, %broadcast_in_dim3A_25 : vector<512x1xf32>
    %eq3A_36 = vector.broadcast %broadcast_in_dim3A_33 : vector<512x1xf32> to vector<512x1000xf32>
    %eq3A_37 = arith.cmpf oeq, %convert_element_type3A, %eq3A_36 : vector<512x1000xf32>
    %jit3A_38 = arith.constant 0.000000e+00 : f32
    %broadcast_in_dim3A_39 = vector.broadcast %jit3A_38 : f32 to vector<512x1000xf32>
    %select_n3A_40 = arith.select %eq3A_37, %broadcast_in_dim3A_39, %select_n3A_22 : vector<512x1000xi1>, vector<512x1000xf32>
    %reduce_max3A_41 = arith.constant dense<0xFF800000> : vector<512xf32>
    %reduce_max3A_42 = vector.multi_reduction <maximumf>, %select_n3A_40, %reduce_max3A_41 [1] : vector<512x1000xf32> to vector<512xf32>
    %broadcast_in_dim3A_43 = vector.shape_cast %reduce_max3A_42 : vector<512xf32> to vector<512x1xf32>
    %ge3A_44 = vector.broadcast %broadcast_in_dim3A_43 : vector<512x1xf32> to vector<512x1000xf32>
    %ge3A_45 = arith.cmpf oge, %select_n3A_40, %ge3A_44 : vector<512x1000xf32>
    %jit3A_46 = arith.constant 0.000000e+00 : f32
    %broadcast_in_dim3A_47 = vector.broadcast %jit3A_46 : f32 to vector<512x1000xf32>
    %select_n3A_48 = arith.select %ge3A_45, %convert_element_type3A, %broadcast_in_dim3A_47 : vector<512x1000xi1>, vector<512x1000xf32>
    %reduce_max3A_49 = arith.constant dense<0xFF800000> : vector<512xf32>
    %reduce_max3A_50 = vector.multi_reduction <maximumf>, %select_n3A_48, %reduce_max3A_49 [1] : vector<512x1000xf32> to vector<512xf32>
    %broadcast_in_dim3A_51 = vector.shape_cast %reduce_max3A_50 : vector<512xf32> to vector<512x1xf32>
    %div3A_52 = arith.divf %broadcast_in_dim3A_43, %sub3A_35 : vector<512x1xf32>
    %sub3A_53 = arith.subf %sub3A_35, %broadcast_in_dim3A_43 : vector<512x1xf32>
    %eq3A_54 = vector.broadcast %broadcast_in_dim3A_51 : vector<512x1xf32> to vector<512x1000xf32>
    %eq3A_55 = arith.cmpf oeq, %convert_element_type3A, %eq3A_54 : vector<512x1000xf32>
    %jit3A_56 = arith.constant 0.000000e+00 : f32
    %broadcast_in_dim3A_57 = vector.broadcast %jit3A_56 : f32 to vector<512x1000xf32>
    %select_n3A_58 = arith.select %eq3A_55, %broadcast_in_dim3A_57, %select_n3A_40 : vector<512x1000xi1>, vector<512x1000xf32>
    %reduce_max3A_59 = arith.constant dense<0xFF800000> : vector<512xf32>
    %reduce_max3A_60 = vector.multi_reduction <maximumf>, %select_n3A_58, %reduce_max3A_59 [1] : vector<512x1000xf32> to vector<512xf32>
    %broadcast_in_dim3A_61 = vector.shape_cast %reduce_max3A_60 : vector<512xf32> to vector<512x1xf32>
    %ge3A_62 = vector.broadcast %broadcast_in_dim3A_61 : vector<512x1xf32> to vector<512x1000xf32>
    %ge3A_63 = arith.cmpf oge, %select_n3A_58, %ge3A_62 : vector<512x1000xf32>
    %jit3A_64 = arith.constant 0.000000e+00 : f32
    %broadcast_in_dim3A_65 = vector.broadcast %jit3A_64 : f32 to vector<512x1000xf32>
    %select_n3A_66 = arith.select %ge3A_63, %convert_element_type3A, %broadcast_in_dim3A_65 : vector<512x1000xi1>, vector<512x1000xf32>
    %reduce_max3A_67 = arith.constant dense<0xFF800000> : vector<512xf32>
    %reduce_max3A_68 = vector.multi_reduction <maximumf>, %select_n3A_66, %reduce_max3A_67 [1] : vector<512x1000xf32> to vector<512xf32>
    %broadcast_in_dim3A_69 = vector.shape_cast %reduce_max3A_68 : vector<512xf32> to vector<512x1xf32>
    %div3A_70 = arith.divf %broadcast_in_dim3A_61, %sub3A_53 : vector<512x1xf32>
    %sub3A_71 = arith.subf %sub3A_53, %broadcast_in_dim3A_61 : vector<512x1xf32>
    %eq3A_72 = vector.broadcast %broadcast_in_dim3A_69 : vector<512x1xf32> to vector<512x1000xf32>
    %eq3A_73 = arith.cmpf oeq, %convert_element_type3A, %eq3A_72 : vector<512x1000xf32>
    %jit3A_74 = arith.constant 0.000000e+00 : f32
    %broadcast_in_dim3A_75 = vector.broadcast %jit3A_74 : f32 to vector<512x1000xf32>
    %select_n3A_76 = arith.select %eq3A_73, %broadcast_in_dim3A_75, %select_n3A_58 : vector<512x1000xi1>, vector<512x1000xf32>
    %reduce_max3A_77 = arith.constant dense<0xFF800000> : vector<512xf32>
    %reduce_max3A_78 = vector.multi_reduction <maximumf>, %select_n3A_76, %reduce_max3A_77 [1] : vector<512x1000xf32> to vector<512xf32>
    %broadcast_in_dim3A_79 = vector.shape_cast %reduce_max3A_78 : vector<512xf32> to vector<512x1xf32>
    %ge3A_80 = vector.broadcast %broadcast_in_dim3A_79 : vector<512x1xf32> to vector<512x1000xf32>
    %ge3A_81 = arith.cmpf oge, %select_n3A_76, %ge3A_80 : vector<512x1000xf32>
    %jit3A_82 = arith.constant 0.000000e+00 : f32
    %broadcast_in_dim3A_83 = vector.broadcast %jit3A_82 : f32 to vector<512x1000xf32>
    %select_n3A_84 = arith.select %ge3A_81, %convert_element_type3A, %broadcast_in_dim3A_83 : vector<512x1000xi1>, vector<512x1000xf32>
    %reduce_max3A_85 = arith.constant dense<0xFF800000> : vector<512xf32>
    %reduce_max3A_86 = vector.multi_reduction <maximumf>, %select_n3A_84, %reduce_max3A_85 [1] : vector<512x1000xf32> to vector<512xf32>
    %broadcast_in_dim3A_87 = vector.shape_cast %reduce_max3A_86 : vector<512xf32> to vector<512x1xf32>
    %div3A_88 = arith.divf %broadcast_in_dim3A_79, %sub3A_71 : vector<512x1xf32>
    %sub3A_89 = arith.subf %sub3A_71, %broadcast_in_dim3A_79 : vector<512x1xf32>
    %eq3A_90 = vector.broadcast %broadcast_in_dim3A_87 : vector<512x1xf32> to vector<512x1000xf32>
    %eq3A_91 = arith.cmpf oeq, %convert_element_type3A, %eq3A_90 : vector<512x1000xf32>
    %jit3A_92 = arith.constant 0.000000e+00 : f32
    %broadcast_in_dim3A_93 = vector.broadcast %jit3A_92 : f32 to vector<512x1000xf32>
    %select_n3A_94 = arith.select %eq3A_91, %broadcast_in_dim3A_93, %select_n3A_76 : vector<512x1000xi1>, vector<512x1000xf32>
    %reduce_max3A_95 = arith.constant dense<0xFF800000> : vector<512xf32>
    %reduce_max3A_96 = vector.multi_reduction <maximumf>, %select_n3A_94, %reduce_max3A_95 [1] : vector<512x1000xf32> to vector<512xf32>
    %broadcast_in_dim3A_97 = vector.shape_cast %reduce_max3A_96 : vector<512xf32> to vector<512x1xf32>
    %ge3A_98 = vector.broadcast %broadcast_in_dim3A_97 : vector<512x1xf32> to vector<512x1000xf32>
    %ge3A_99 = arith.cmpf oge, %select_n3A_94, %ge3A_98 : vector<512x1000xf32>
    %jit3A_100 = arith.constant 0.000000e+00 : f32
    %broadcast_in_dim3A_101 = vector.broadcast %jit3A_100 : f32 to vector<512x1000xf32>
    %select_n3A_102 = arith.select %ge3A_99, %convert_element_type3A, %broadcast_in_dim3A_101 : vector<512x1000xi1>, vector<512x1000xf32>
    %reduce_max3A_103 = arith.constant dense<0xFF800000> : vector<512xf32>
    %reduce_max3A_104 = vector.multi_reduction <maximumf>, %select_n3A_102, %reduce_max3A_103 [1] : vector<512x1000xf32> to vector<512xf32>
    %broadcast_in_dim3A_105 = vector.shape_cast %reduce_max3A_104 : vector<512xf32> to vector<512x1xf32>
    %div3A_106 = arith.divf %broadcast_in_dim3A_97, %sub3A_89 : vector<512x1xf32>
    %sub3A_107 = arith.subf %sub3A_89, %broadcast_in_dim3A_97 : vector<512x1xf32>
    %eq3A_108 = vector.broadcast %broadcast_in_dim3A_105 : vector<512x1xf32> to vector<512x1000xf32>
    %eq3A_109 = arith.cmpf oeq, %convert_element_type3A, %eq3A_108 : vector<512x1000xf32>
    %jit3A_110 = arith.constant 0.000000e+00 : f32
    %broadcast_in_dim3A_111 = vector.broadcast %jit3A_110 : f32 to vector<512x1000xf32>
    %select_n3A_112 = arith.select %eq3A_109, %broadcast_in_dim3A_111, %select_n3A_94 : vector<512x1000xi1>, vector<512x1000xf32>
    %reduce_max3A_113 = arith.constant dense<0xFF800000> : vector<512xf32>
    %reduce_max3A_114 = vector.multi_reduction <maximumf>, %select_n3A_112, %reduce_max3A_113 [1] : vector<512x1000xf32> to vector<512xf32>
    %broadcast_in_dim3A_115 = vector.shape_cast %reduce_max3A_114 : vector<512xf32> to vector<512x1xf32>
    %ge3A_116 = vector.broadcast %broadcast_in_dim3A_115 : vector<512x1xf32> to vector<512x1000xf32>
    %ge3A_117 = arith.cmpf oge, %select_n3A_112, %ge3A_116 : vector<512x1000xf32>
    %jit3A_118 = arith.constant 0.000000e+00 : f32
    %broadcast_in_dim3A_119 = vector.broadcast %jit3A_118 : f32 to vector<512x1000xf32>
    %select_n3A_120 = arith.select %ge3A_117, %convert_element_type3A, %broadcast_in_dim3A_119 : vector<512x1000xi1>, vector<512x1000xf32>
    %reduce_max3A_121 = arith.constant dense<0xFF800000> : vector<512xf32>
    %reduce_max3A_122 = vector.multi_reduction <maximumf>, %select_n3A_120, %reduce_max3A_121 [1] : vector<512x1000xf32> to vector<512xf32>
    %broadcast_in_dim3A_123 = vector.shape_cast %reduce_max3A_122 : vector<512xf32> to vector<512x1xf32>
    %div3A_124 = arith.divf %broadcast_in_dim3A_115, %sub3A_107 : vector<512x1xf32>
    %sub3A_125 = arith.subf %sub3A_107, %broadcast_in_dim3A_115 : vector<512x1xf32>
    %eq3A_126 = vector.broadcast %broadcast_in_dim3A_123 : vector<512x1xf32> to vector<512x1000xf32>
    %eq3A_127 = arith.cmpf oeq, %convert_element_type3A, %eq3A_126 : vector<512x1000xf32>
    %jit3A_128 = arith.constant 0.000000e+00 : f32
    %broadcast_in_dim3A_129 = vector.broadcast %jit3A_128 : f32 to vector<512x1000xf32>
    %select_n3A_130 = arith.select %eq3A_127, %broadcast_in_dim3A_129, %select_n3A_112 : vector<512x1000xi1>, vector<512x1000xf32>
    %reduce_max3A_131 = arith.constant dense<0xFF800000> : vector<512xf32>
    %reduce_max3A_132 = vector.multi_reduction <maximumf>, %select_n3A_130, %reduce_max3A_131 [1] : vector<512x1000xf32> to vector<512xf32>
    %broadcast_in_dim3A_133 = vector.shape_cast %reduce_max3A_132 : vector<512xf32> to vector<512x1xf32>
    %ge3A_134 = vector.broadcast %broadcast_in_dim3A_133 : vector<512x1xf32> to vector<512x1000xf32>
    %ge3A_135 = arith.cmpf oge, %select_n3A_130, %ge3A_134 : vector<512x1000xf32>
    %jit3A_136 = arith.constant 0.000000e+00 : f32
    %broadcast_in_dim3A_137 = vector.broadcast %jit3A_136 : f32 to vector<512x1000xf32>
    %select_n3A_138 = arith.select %ge3A_135, %convert_element_type3A, %broadcast_in_dim3A_137 : vector<512x1000xi1>, vector<512x1000xf32>
    %reduce_max3A_139 = arith.constant dense<0xFF800000> : vector<512xf32>
    %reduce_max3A_140 = vector.multi_reduction <maximumf>, %select_n3A_138, %reduce_max3A_139 [1] : vector<512x1000xf32> to vector<512xf32>
    %broadcast_in_dim3A_141 = vector.shape_cast %reduce_max3A_140 : vector<512xf32> to vector<512x1xf32>
    %div3A_142 = arith.divf %broadcast_in_dim3A_133, %sub3A_125 : vector<512x1xf32>
    %concatenate3A = tpu.concatenate %broadcast_in_dim3A_17, %broadcast_in_dim3A_33, %broadcast_in_dim3A_51, %broadcast_in_dim3A_69, %broadcast_in_dim3A_87, %broadcast_in_dim3A_105, %broadcast_in_dim3A_123, %broadcast_in_dim3A_141 in 1 : vector<512x1xf32>, vector<512x1xf32>, vector<512x1xf32>, vector<512x1xf32>, vector<512x1xf32>, vector<512x1xf32>, vector<512x1xf32>, vector<512x1xf32> -> vector<512x8xf32>
    %sub3A_143 = arith.constant 1.000000e+03 : f32
    %sub3A_144 = vector.broadcast %sub3A_143 : f32 to vector<512x8xf32>
    %sub3A_145 = arith.subf %sub3A_144, %concatenate3A : vector<512x8xf32>
    %convert_element_type3A_146 = arith.fptosi %sub3A_145 : vector<512x8xf32> to vector<512x8xi32>
    %swap3A = arith.constant 0 : index
    %swap3A_147 = arith.constant 0 : index
    %swap3A_148 = vector.load %arg2[%swap3A, %swap3A_147] : memref<512x8xi32, #tpu.memory_space<vmem>>, vector<512x8xi32>
    tpu.vector_store %arg2[%swap3A, %swap3A_147], %convert_element_type3A_146 {strides = array<i32>} : memref<512x8xi32, #tpu.memory_space<vmem>>, vector<512x8xi32>,
    %concatenate3A_149 = tpu.concatenate %div3A, %div3A_34, %div3A_52, %div3A_70, %div3A_88, %div3A_106, %div3A_124, %div3A_142 in 1 : vector<512x1xf32>, vector<512x1xf32>, vector<512x1xf32>, vector<512x1xf32>, vector<512x1xf32>, vector<512x1xf32>, vector<512x1xf32>, vector<512x1xf32> -> vector<512x8xf32>
    %swap3A_150 = arith.constant 0 : index
    %swap3A_151 = arith.constant 0 : index
    %swap3A_152 = vector.load %arg3[%swap3A_150, %swap3A_151] : memref<512x8xf32, #tpu.memory_space<vmem>>, vector<512x8xf32>
    tpu.vector_store %arg3[%swap3A_150, %swap3A_151], %concatenate3A_149 {strides = array<i32>} : memref<512x8xf32, #tpu.memory_space<vmem>>, vector<512x8xf32>,
    return
  }
  func.func @transform_0(%arg0: i32) -> (i32, i32) {
    %c0_i32 = arith.constant 0 : i32
    %c0_i32_0 = arith.constant 0 : i32
    return %arg0, %c0_i32 : i32, i32
  }
  func.func @transform_1(%arg0: i32) -> (i32, i32) {
    %c0_i32 = arith.constant 0 : i32
    %c0_i32_0 = arith.constant 0 : i32
    return %arg0, %c0_i32 : i32, i32
  }
  func.func @transform_2(%arg0: i32) -> (i32, i32) {
    %c0_i32 = arith.constant 0 : i32
    %c0_i32_0 = arith.constant 0 : i32
    return %arg0, %c0_i32 : i32, i32
  }
}

</mosaic_0001>

<sc_bundles>
// kernel: kernel.4.cloned.1.call-start
scs
__scs_entry_jumppad:
0x0: {  	(pc) =	sbr.rel $0x88, $3  }
0x1: {  	(tag) =	ssettag $0x0;
	lr =	simm.s32 $0x1  }
0x2: {  	[smem:$0x3F9F] =	sst lr;
	_ =	strace $0xD0000000  }
0x3: {  	_ = 	snop  }
0x4: {  	_ = 	snop  }
0x5: {  	_ = 	snop  }
0x6: {  	_ = 	snop  }
0x7: {  	_ = 	snop  }
__scs_overlays_trampoline_lowered:
0x8: {  	[smem:$0x3FAE] =	sst s0  }
0x9: {  	[smem:$0x3FAF] =	sst s1  }
0xa: {  	[smem:$0x3FB0] =	sst s2  }
0xb: {  	[smem:$0x3FB1] =	sst s3  }
0xc: {  	[smem:$0x3FB2] =	sst s4  }
0xd: {  	[smem:$0x3FB3] =	sst s5  }
0xe: {  	[smem:$0x3FB4] =	sst s6  }
0xf: {  	[smem:$0x3FB5] =	sst s7  }
0x10: {  	[smem:$0x3FB6] =	sst s8  }
0x11: {  	[smem:$0x3FB7] =	sst s9;
	s0 =	simm.s32 @!p0 $0x0  }
0x12: {  	s1 =	sld [smem:$0x3F9D];
	s0 =	simm.s32 @p0 $0x1  }
0x13: {  	[smem:$0x3FB8] =	sst s0;
	s0 =	simm.s32 @!p1 $0x0  }
0x14: {  	s2 =	sld [smem:$0x3F9C];
	s0 =	simm.s32 @p1 $0x1  }
0x15: {  	[smem:$0x3FB9] =	sst s0;
	s0 =	simm.s32 @!p2 $0x0  }
0x16: {  	s3 =	sld [smem:$0x3FDB];
	s0 =	simm.s32 @p2 $0x1  }
0x17: {  	s4 =	simm.s32 $0x1BF5;
	[smem:$0x3FBB] =	sst s0  }
0x18: {  	s0 =	sld [smem:$0x3F9E];
	_ =	swait.ge [sflag:s4], $0x0  }
0x19: {  	s7 =	sld [smem:$0x3F9F]  }
0x1a: {  	s8 =	sadd.s32 $0xFFFFE003, lr  }
0x1b: {  	s9 =	sadd.s32 $0xFFFFFEF7, lr;
	s5 =	simm.s32 $0xFFFFFFFF;
	p2 =	slt.u32 s8, $0xFFFFF086  }
0x1c: {  	p1 =	slt.u32 s9, $0xF7A;
	s5 =	simm.s32 @!p2 $0x0  }
0x1d: {  	s5 =	simm.s32 @p1 $0x1;
	p0 =	seq.s32 s7, s2  }
0x1e: {  	s7 =	smul.u32 @!p0 $0xF7A, s2;
	p2 =	seq.s32 @!p0 s5, $0x0  }
0x1f: {  	s9 =	smul.u32 $0xF7A, s1;
	s8 =	simm.s32 @!p0 $0x1BF5;
	p2 =	por !p2, p0  }
0x20: {  	[sflag:s8] =	ssyncset.s32 @!p0 $0xFFFFF086;
	s6 =	sadd.s32 @!p0 s3, s7;
	s7 =	simm.s32 @!p0 $0x108  }
0x21: {  	s3 =	sadd.s32 s3, s9;
	s6 =	sadd.s32 @!p0 $0x88, s6;
	s7 =	simm.s32 @p2 $0x1082  }
0x22: {  	[simem:s7], [sflag:s8] =	dma.local @!p0 [hbm:s6], $0xF7A  }
0x23: {  	s9 =	sor.u32 $0xD0000000, s2;
	s6 =	simm.s32 $0x108;
	_ =	swait.ge @!p0 [sflag:s8], $0x0  }
0x24: {  	s3 =	sadd.s32 $0x88, s3;
	s6 =	simm.s32 @!p1 $0x1082;
	[sflag:s4] =	ssyncset.s32 $0xFFFFF086  }
0x25: {  	[simem:s6], [sflag:s4] =	dma.local [hbm:s3], $0xF7A  }
0x26: {  	[smem:$0x3F9F] =	sst s1;
	(tag) =	ssettag s2;
	_ =	strace s9  }
0x27: {  	s1 =	sld [smem:$0x3FAF]  }
0x28: {  	s2 =	sld [smem:$0x3FB0]  }
0x29: {  	s4 =	sld [smem:$0x3FB2]  }
0x2a: {  	p0 =	seq.s32 s5, $0x0;
	s5 =	sld [smem:$0x3FB3]  }
0x2b: {  	s6 =	sld [smem:$0x3FB4]  }
0x2c: {  	s7 =	sld [smem:$0x3FB5]  }
0x2d: {  	s3 =	simm.s32 $0x108;
	s8 =	sld [smem:$0x3FB6]  }
0x2e: {  	s3 =	simm.s32 @!p0 $0x1082;
	s9 =	sld [smem:$0x3FB7]  }
0x2f: {  	lr =	sadd.s32 s0, s3;
	s0 =	sld [smem:$0x3FAE]  }
0x30: {  	s3 =	sld [smem:$0x3FB1]  }
0x31: {  	[smem:$0x3FBA] =	sst s10  }
0x32: {  	s10 =	sld [smem:$0x3FB8];
	_ =	sdelay $0x3  }
0x33: {  	p0 =	seq.s32 s10, $0x1;
	s10 =	sld [smem:$0x3FBA];
	_ =	sdelay $0x3  }
0x34: {  	[smem:$0x3FBA] =	sst s10  }
0x35: {  	s10 =	sld [smem:$0x3FB9];
	_ =	sdelay $0x3  }
0x36: {  	p1 =	seq.s32 s10, $0x1;
	s10 =	sld [smem:$0x3FBA];
	_ =	sdelay $0x3  }
0x37: {  	[smem:$0x3FBA] =	sst s10  }
0x38: {  	s10 =	sld [smem:$0x3FBB]  }
0x39: {  	_ = 	snop;
	(pc) =	sbr.ind lr, $3  }
0x3a: {  	_ = 	snop  }
0x3b: {  	_ = 	snop  }
0x3c: {  	p2 =	seq.s32 s10, $0x1;
	s10 =	sld [smem:$0x3FBA]  }
0x3d: {  	_ =	shalt  }
0x3e: {  	_ =	shalt  }
0x3f: {  	_ =	shalt  }
0x40: {  	_ =	shalt  }
0x41: {  	_ =	shalt  }
0x42: {  	_ =	shalt  }
0x43: {  	_ =	shalt  }
0x44: {  	_ =	shalt  }
0x45: {  	_ =	shalt  }
0x46: {  	_ =	shalt  }
0x47: {  	_ =	shalt  }
0x48: {  	_ =	shalt  }
0x49: {  	_ =	shalt  }
0x4a: {  	_ =	shalt  }
0x4b: {  	_ =	shalt  }
0x4c: {  	_ =	shalt  }
0x4d: {  	_ =	shalt  }
0x4e: {  	_ =	shalt  }
0x4f: {  	_ =	shalt  }
0x50: {  	_ =	shalt  }
0x51: {  	_ =	shalt  }
0x52: {  	_ =	shalt  }
0x53: {  	_ =	shalt  }
0x54: {  	_ =	shalt  }
0x55: {  	_ =	shalt  }
0x56: {  	_ =	shalt  }
0x57: {  	_ =	shalt  }
0x58: {  	_ =	shalt  }
0x59: {  	_ =	shalt  }
0x5a: {  	_ =	shalt  }
0x5b: {  	_ =	shalt  }
0x5c: {  	_ =	shalt  }
0x5d: {  	_ =	shalt  }
0x5e: {  	_ =	shalt  }
0x5f: {  	_ =	shalt  }
0x60: {  	_ =	shalt  }
0x61: {  	_ =	shalt  }
0x62: {  	_ =	shalt  }
0x63: {  	_ =	shalt  }
0x64: {  	_ =	shalt  }
0x65: {  	_ =	shalt  }
0x66: {  	_ =	shalt  }
0x67: {  	_ =	shalt  }
0x68: {  	_ =	shalt  }
0x69: {  	_ =	shalt  }
0x6a: {  	_ =	shalt  }
0x6b: {  	_ =	shalt  }
0x6c: {  	_ =	shalt  }
0x6d: {  	_ =	shalt  }
0x6e: {  	_ =	shalt  }
0x6f: {  	_ =	shalt  }
0x70: {  	_ =	shalt  }
0x71: {  	_ =	shalt  }
0x72: {  	_ =	shalt  }
0x73: {  	_ =	shalt  }
0x74: {  	_ =	shalt  }
0x75: {  	_ =	shalt  }
0x76: {  	_ =	shalt  }
0x77: {  	_ =	shalt  }
0x78: {  	_ =	shalt  }
0x79: {  	_ =	shalt  }
0x7a: {  	_ =	shalt  }
0x7b: {  	_ =	shalt  }
0x7c: {  	_ =	shalt  }
0x7d: {  	_ =	shalt  }
0x7e: {  	_ =	shalt  }
0x7f: {  	_ =	shalt  }
0x80: {  	_ =	shalt  }
0x81: {  	_ =	shalt  }
0x82: {  	_ =	shalt  }
0x83: {  	_ =	shalt  }
0x84: {  	_ =	shalt  }
0x85: {  	_ =	shalt  }
0x86: {  	_ =	shalt  }
0x87: {  	_ =	shalt  }
.Lfunc_end0:
.L_simem_size_0:
called_computation_lowered:
.L_overlay_start_0:
0x88: {  	s2 =	sld [smem:$0x3FD9]  }
0x89: {  	s3 =	sld [smem:$0x3FFE];
	_ =	sdelay $0x1  }
0x8a: {  	s1 =	srdreg.scid  }
0x8b: {  	s0 =	sand.u32 $0x1, s1  }
0x8c: {  	s14 =	sshll.u32 s0, $0xA;
	s2 =	sadd.s32 s3, s2  }
0x8d: {  	s2 =	sadd.s32 s2, s14  }
0x8e: {  	[smem:$0x3FC6] =	sst s2  }
0x8f: {  	_ = 	snop  }
0x90: {  	s2 =	sld [smem:$0x3FD0];
	_ =	sdelay $0x2  }
0x91: {  	s15 =	simm.s32 $0xA;
	s4 =	simm.s32 $0x10  }
0x92: {  	[smem:s4], [sflag:s15] =	dma.local [hbm:s2], $0x1  }
0x93: {  	_ =	swait.eq [sflag:s15], $0x1  }
0x94: {  	[sflag:s15] =	ssyncset.done $0x0  }
0x95: {  	s16 =	sld [smem:$0x10];
	[sflag:s15] =	ssyncadd.s32 $0xFFFFFFFF  }
0x96: {  	s17 =	sld [smem:$0x11];
	(tm) =	ssettm $0x1  }
0x97: {  	s18 =	sld [smem:$0x3FFB];
	_ =	sdelay $0x3  }
0x98: {  	_ =	strace s18  }
0x99: {  	s4 =	sld [smem:$0x3FFC];
	_ =	sdelay $0x3  }
0x9a: {  	_ =	strace s4  }
0x9b: {  	s4 =	sld [smem:$0x3FFD];
	_ =	sdelay $0x3  }
0x9c: {  	_ =	strace s4  }
0x9d: {  	_ =	strace $0x8FFFFFFF  }
0x9e: {  	s19 =	sld [smem:$0x3FDB];
	_ =	sdelay $0x1  }
0x9f: {  	s5 =	simm.s32 $_scs_section_size  }
0xa0: {  	s6 =	simm.s32 $_size__tile_overlayer_lowered;
	s7 =	simm.s32 $_tile_overlayer_lowered  }
0xa1: {  	s22 =	simm.s32 $0x1BFF;
	s21 =	sshll.u32 s7, $0x1;
	s4 =	sadd.s32 s5, s19  }
0xa2: {  	s8 =	simm.s32 $0x0;
	s20 =	sshll.u32 s6, $0x1;
	s6 =	sadd.s32 s21, s4  }
0xa3: {  	[timem:s8], [sflag:s22] =	dma.local [hbm:s6], s20  }
0xa4: {  	_ =	swait.ge [sflag:s22], s20  }
0xa5: {  	s5 =	ssub.s32 $0x0, s20;
	[sflag:s22] =	ssyncset.done $0x0  }
0xa6: {  	[sflag:s22] =	ssyncadd.s32 s5;
	_ =	sdelay $0x1  }
0xa7: {  	s23 =	simm.s32 $0x1B8B  }
0xa8: {  	_ =	swait.ge [sflag:s23], $0x1  }
0xa9: {  	[sflag:s23] =	ssyncset.done $0x0  }
0xaa: {  	s25 =	simm.s32 $0x1B8E;
	s24 =	sld [smem:$0x3FFE];
	[sflag:s23] =	ssyncadd.s32 $0xFFFFFFFF  }
0xab: {  	s26 =	simm.s32 $execute0_lowered;
	[smem:$0x3FD2] =	sst s25  }
0xac: {  	s6 =	sshll.u32 s26, $0x1;
	_ =	strace $0x80000046;
	[dreg:$0x1] =	wrdreg $0xFFFFFFFF  }
0xad: {  	s28 =	simm.s32 $_size_execute0_lowered;
	s4 =	sadd.s32 s4, s6;
	[dreg:$0x0] =	wrdreg $0x0  }
0xae: {  	s6 =	sshll.u32 s28, $0x1;
	[dreg:$0x2] =	wrdreg s4  }
0xaf: {  	[dreg:$0x3] =	wrdreg s6  }
0xb0: {  	[dreg:$0x4] =	wrdreg $0xC0  }
0xb1: {  	_ =	task [dreg:s8], $0x5FFFF  }
0xb2: {  	[dreg:$0x1] =	wrdreg $0xFFFFFFFF  }
0xb3: {  	[dreg:$0x0] =	wrdreg $0x60  }
0xb4: {  	[dreg:$0x2] =	wrdreg s16  }
0xb5: {  	[dreg:$0x3] =	wrdreg s24  }
0xb6: {  	[dreg:$0x4] =	wrdreg s17  }
0xb7: {  	[dreg:$0x5] =	wrdreg $0x81000  }
0xb8: {  	[dreg:$0x6] =	wrdreg $0x9  }
0xb9: {  	_ =	task.clear_ibuf [dreg:s8], $0x7FFFF;
	_ =	strace $0x90000046  }
0xba: {  	s29 =	simm.s32 $0x9;
	_ =	strace $0x80000048  }
0xbb: {  	_ =	swait.ge [sflag:s29], $0x1  }
0xbc: {  	[sflag:s29] =	ssyncadd.s32 $0xFFFFFFFF  }
0xbd: {  	_ =	strace $0x90000048  }
0xbe: {  	_ =	sfence  }
0xbf: {  	s30 =	sld [smem:$0x0];
	_ =	sdelay $0x2  }
0xc0: {  	s31 =	sshll.u32 s1, $0xD;
	s1 =	sshrl.u32 s1, $0x2  }
0xc1: {  	s3 =	sand.u32 $0x4000, s31;
	s1 =	sadd.s32 s1, s30  }
0xc2: {  	s0 =	sor.u32 s3, s0;
	s1 =	sshll.u32 s1, $0x11  }
0xc3: {  	s0 =	sor.u32 s1, s0  }
0xc4: {  	s0 =	sadd.s32 $0x8F2B, s0  }
0xc5: {  	[sflag:s0] =	ssyncadd.remote.s32 $0x1  }
0xc6: {  	_ =	sfence.sel $0xFFFF  }
0xc7: {  	[dreg:$0x0] =	wrdreg $0xFFFFFFFF;
	(pc) =	sbr.abs _section_cstart, $3  }
0xc8: {  	[dreg:$0x1] =	wrdreg $0xFFFFFFFF  }
0xc9: {  	_ =	task.clear_ibuf [dreg:s8], $0x2FFFF;
	_ =	strace $0x9FFFFFFF  }
0xca: {  	(tm) =	ssettm $0x7FFFFFFF  }
0xcb: {  	_ =	shalt  }
tec
execute0_lowered:
.L_overlay_start_1:
0x0: {  	(tag) =	ssettag $0x1  }
0x1: {  	s4 =	rddreg [dreg:$0x0]  }
0x2: {  	s2 =	rddreg [dreg:$0x1]  }
0x3: {  	s0 =	rddreg [dreg:$0x2];
	s3 =	srdreg.scid  }
0x4: {  	s1 =	simm.s32 $0x0;
	s8 =	stileid.u32;
	s31 =	simm.s32 $0x1  }
0x5: {  	s3 =	sand.u32 $0x1, s3;
	[smem:$0x7FF] =	sst s1;
	s6 =	sshll.u32 s8, $0x1  }
0x6: {  	s7 =	sadd.s32 $0x800, s2;
	s5 =	ssub.s32 $0x2, s3;
	s3 =	sor.u32 s3, s6  }
0x7: {  	s17 =	sshrl.u32 s5, $0x1;
	s18 =	sshll.u32 s3, $0x8;
	s6 =	smul.u32 $0x7D00, s3  }
0x8: {  	s3 =	smul.u32 $0x7D00, s8;
	s2 =	ssub.s32 s5, s17;
	s19 =	sadd.s32 s4, s18  }
0x9: {  	v0 =	vlaneseq.u32;
	s20 =	sor.u32 $0x20, s18;
	s9 =	sor.u32 $0x40, s18;
	s24 =	sor.u32 $0x60, s18  }
0xa: {  	v0 =	vshrl.u32 v0, $0x3;
	s26 =	sor.u32 $0x80, s18;
	s17 =	sor.u32 $0xA0, s18;
	s5 =	sor.u32 $0xE0, s18  }
0xb: {  	v14 =	vmul.u32 $0x3E8, v0;
	[dreg:$0x5] =	wrdreg s19;
	s6 =	sadd.s32 s0, s6;
	s21 =	smul.u32 $0x7D, s20  }
0xc: {  	s10 =	sadd.s32 s4, s20;
	s8 =	sadd.s32 s7, s20;
	s22 =	smul.u32 $0x7D, s9  }
0xd: {  	v1 =	vadd.s32 $0x7D0, v14;
	s23 =	sadd.s32 s4, s9;
	s25 =	sadd.s32 s7, s9;
	s12 =	smul.u32 $0x7D, s24  }
0xe: {  	v2 =	vadd.s32 $0xFA0, v14;
	v3 =	vadd.s32 $0x1770, v14;
	v4 =	vadd.s32 $0x1F40, v14;
	s11 =	sadd.s32 s7, s24;
	s13 =	sadd.s32 s4, s26;
	[dreg:$0x6] =	wrdreg s6  }
0xf: {  	v5 =	vadd.s32 $0x2710, v14;
	v6 =	vadd.s32 $0x2EE0, v14;
	v7 =	vadd.s32 $0x36B0, v14;
	s14 =	sadd.s32 s7, s26;
	s15 =	sadd.s32 s4, s17;
	[dreg:$0x7] =	wrdreg s10  }
0x10: {  	v8 =	vadd.s32 $0x3E80, v14;
	v9 =	vadd.s32 $0x4650, v14;
	v10 =	vadd.s32 $0x4E20, v14;
	s16 =	sadd.s32 s7, s17;
	s20 =	sor.u32 $0xC0, s18;
	[dreg:$0x8] =	wrdreg s8  }
0x11: {  	v11 =	vadd.s32 $0x55F0, v14;
	v12 =	vadd.s32 $0x5DC0, v14;
	v13 =	vadd.s32 $0x6590, v14;
	s29 =	smax.u32 s2, $0x1;
	s2 =	simm.s32 $0x100;
	[dreg:$0xa] =	wrdreg s23  }
0x12: {  	v15 =	vadd.s32 $0x6D60, v14;
	v16 =	vadd.s32 $0x7530, v14;
	v0 =	vadd.s32 s3, v14;
	[dreg:$0xb] =	wrdreg s25;
	s10 =	sadd.s32 s4, s24;
	s19 =	sadd.s32 s7, s20  }
0x13: {  	v1 =	vadd.s32 s3, v1;
	v2 =	vadd.s32 s3, v2;
	v3 =	vadd.s32 s3, v3;
	s8 =	smul.u32 $0x7D, s5;
	s23 =	rddreg [dreg:$0x3];
	s6 =	sadd.s32 s0, s21  }
0x14: {  	v4 =	vadd.s32 s3, v4;
	v5 =	vadd.s32 s3, v5;
	v6 =	vadd.s32 s3, v6;
	s9 =	sadd.s32 s0, s22;
	s12 =	sadd.s32 s0, s12;
	s22 =	smul.u32 $0x7D, s17  }
0x15: {  	v7 =	vadd.s32 s3, v7;
	v8 =	vadd.s32 s3, v8;
	v9 =	vadd.s32 s3, v9;
	s17 =	sadd.s32 s7, s18;
	s18 =	sadd.s32 s4, s20;
	s21 =	sadd.s32 s7, s5  }
0x16: {  	v10 =	vadd.s32 s3, v10;
	v11 =	vadd.s32 s3, v11;
	v12 =	vadd.s32 s3, v12;
	s30 =	sadd.s32 s3, s23;
	[dreg:$0x9] =	wrdreg s6;
	s6 =	smul.u32 $0x7D, s26  }
0x17: {  	v13 =	vadd.s32 s3, v13;
	v14 =	vadd.s32 s3, v15;
	v15 =	vadd.s32 s3, v16;
	s3 =	simm.s32 $0x7F00;
	s26 =	smul.u32 $0x7D, s20;
	s20 =	sadd.s32 s4, s5  }
0x18: {  	s28 =	sadd.s32 s0, s8;
	s4 =	simm.s32 $0x8000;
	s5 =	simm.s32 $0x0  }
0x19: {  	s25 =	sadd.s32 s0, s22;
	_ =	strace $0x80000047;
	s22 =	simm.s32 $0x7D00  }
0x1a: {  	v16 =	vimm.f32 $0.0e+00;
	s24 =	sadd.s32 s0, s6;
	s26 =	sadd.s32 s0, s26;
	s0 =	simm.s32 $0x7E00  }
.LBB2_1:
0x1b: {  	s6 =	simm.s32 $0x40;
	s7 =	simm.s32 $0x0  }
.LBB2_2:
0x1c: {  	p0 =	sne.s32 s6, $0x1F3C0;
	[tilespmem:s7+$0x0] =	vst v16;
	s7 =	smov.u32 s6;
	s6 =	sadd.s32 $0x40, s6  }
.Ltmp0:
0x1d: {  	(pc) =	sbr.rel @p0 .LBB2_2-.Ltmp0, $2  }
0x1e: {  	_ =	sdelay $0x2  }
0x1f: {  	s7 =	sshra.s32 s7, $0x2  }
0x20: {  	[tilespmem:s7+$0x0] =	vst v16  }
0x21: {  	[tilespmem:$0x8000] =	vst v16  }
0x22: {  	[tilespmem:$0x8010] =	vst v16  }
0x23: {  	[tilespmem:$0x8020] =	vst v16  }
0x24: {  	[tilespmem:$0x8030] =	vst v16  }
0x25: {  	[tilespmem:$0x8040] =	vst v16  }
0x26: {  	[tilespmem:$0x8050] =	vst v16  }
0x27: {  	[tilespmem:$0x8060] =	vst v16  }
0x28: {  	[tilespmem:$0x8070] =	vst v16  }
0x29: {  	[tilespmem:$0x8080] =	vst v16  }
0x2a: {  	[tilespmem:$0x8090] =	vst v16  }
0x2b: {  	[tilespmem:$0x80A0] =	vst v16  }
0x2c: {  	[tilespmem:$0x80B0] =	vst v16  }
0x2d: {  	[tilespmem:$0x80C0] =	vst v16  }
0x2e: {  	[tilespmem:$0x80D0] =	vst v16  }
0x2f: {  	[tilespmem:$0x80E0] =	vst v16  }
0x30: {  	[tilespmem:$0x80F0] =	vst v16  }
0x31: {  	[spmem:s30] =	stream.linear.scatter [tilespmem:s1], [sflag:$0x1], $0x7D00, $0x38;
	[tilespmem:$0xFE00] =	vst v63  }
0x32: {  	_ =	swait.ge [sflag:s31], $0x7D00  }
0x33: {  	[sflag:s31] =	ssyncset.done $0x0  }
0x34: {  	s6 =	rddreg [dreg:$0x5];
	[sflag:s31] =	ssyncadd.s32 $0xFFFF8300  }
0x35: {  	[tilespmem:s22], [sflag:$0x1] =	stream.linear.gather [hbm4b:s6+s1], $0x100, $0x38;
	[tilespmem:$0xFE00] =	vst v63  }
0x36: {  	_ =	swait.ge [sflag:s31], $0x100  }
0x37: {  	[sflag:s31] =	ssyncset.done $0x0  }
0x38: {  	[sflag:s31] =	ssyncadd.s32 $0xFFFFFF00  }
0x39: {  	[tilespmem:s0], [sflag:$0x1] =	stream.linear.gather [hbm4b:s17+s1], $0x100, $0x38;
	[tilespmem:$0xFE00] =	vst v63  }
0x3a: {  	_ =	swait.ge [sflag:s31], $0x100  }
0x3b: {  	[sflag:s31] =	ssyncset.done $0x0  }
0x3c: {  	[sflag:s31] =	ssyncadd.s32 $0xFFFFFF00  }
0x3d: {  	v17 =	vld [tilespmem:$0x7D00]  }
0x3e: {  	v18 =	vld [tilespmem:$0x7D10]  }
0x3f: {  	v19 =	vld [tilespmem:$0x7D20]  }
0x40: {  	v20 =	vld [tilespmem:$0x7D30]  }
0x41: {  	v21 =	vld [tilespmem:$0x7D40]  }
0x42: {  	v22 =	vld [tilespmem:$0x7D50];
	v17 =	vadd.s32 v17, v0  }
0x43: {  	[tilespmem:$0x7F00] =	vst v17;
	v17 =	vadd.s32 v18, v1;
	v18 =	vld [tilespmem:$0x7D60]  }
0x44: {  	[tilespmem:$0x7F10] =	vst v17;
	v17 =	vadd.s32 v19, v2;
	v19 =	vld [tilespmem:$0x7D70]  }
0x45: {  	v35 =	vld [tilespmem:$0x7D80];
	[tilespmem:$0x7F20] =	vst v17;
	v17 =	vadd.s32 v20, v3  }
0x46: {  	v36 =	vld [tilespmem:$0x7D90];
	[tilespmem:$0x7F30] =	vst v17;
	v17 =	vadd.s32 v21, v4  }
0x47: {  	v37 =	vld [tilespmem:$0x7DA0];
	[tilespmem:$0x7F40] =	vst v17;
	v17 =	vadd.s32 v22, v5  }
0x48: {  	[tilespmem:$0x7F50] =	vst v17;
	v17 =	vadd.s32 v18, v6;
	v18 =	vld [tilespmem:$0x7DB0]  }
0x49: {  	[tilespmem:$0x7F60] =	vst v17;
	v17 =	vadd.s32 v19, v7;
	v19 =	vld [tilespmem:$0x7DC0]  }
0x4a: {  	v38 =	vld [tilespmem:$0x7DD0];
	[tilespmem:$0x7F70] =	vst v17;
	v17 =	vadd.s32 v35, v8  }
0x4b: {  	v39 =	vld [tilespmem:$0x7DE0];
	[tilespmem:$0x7F80] =	vst v17;
	v17 =	vadd.s32 v36, v9  }
0x4c: {  	v40 =	vld [tilespmem:$0x7DF0];
	[tilespmem:$0x7F90] =	vst v17;
	v17 =	vadd.s32 v37, v10  }
0x4d: {  	[tilespmem:$0x7FA0] =	vst v17;
	v17 =	vadd.s32 v18, v11  }
0x4e: {  	[tilespmem:$0x7FB0] =	vst v17;
	v17 =	vadd.s32 v19, v12  }
0x4f: {  	[tilespmem:$0x7FC0] =	vst v17;
	v17 =	vadd.s32 v38, v13  }
0x50: {  	[tilespmem:$0x7FD0] =	vst v17;
	v17 =	vadd.s32 v39, v14  }
0x51: {  	[tilespmem:$0x7FE0] =	vst v17;
	v17 =	vadd.s32 v40, v15  }
0x52: {  	[tilespmem:$0x7FF0] =	vst v17  }
0x53: {  	[spmem:s23] =	stream.indirect.scatter [tilespmem:s0], [sflag:$0x1], $0x1, s3, s2, $0xb8;
	[tilespmem:$0xFE00] =	vst v63  }
0x54: {  	s8 =	stileid.u32;
	_ =	swait.ge [sflag:s31], $0x100  }
0x55: {  	s7 =	sshrl.u32 s30, $0x3;
	s6 =	sshll.u32 s8, $0x6;
	[sflag:s31] =	ssyncset.done $0x0  }
0x56: {  	s6 =	sor.u32 $0x1C01, s6;
	s8 =	rddreg [dreg:$0x6];
	[sflag:s31] =	ssyncadd.s32 $0xFFFFFF00  }
0x57: {  	[hbm:s8], [sflag:s6] =	dma.local [spmem:s7], $0xFA0  }
0x58: {  	_ =	swait.ge [sflag:s31], $0xFA0  }
0x59: {  	[sflag:s31] =	ssyncset.done $0x0  }
0x5a: {  	[sflag:s31] =	ssyncadd.s32 $0xFFFFF060  }
0x5b: {  	[spmem:s23] =	stream.indirect.scatter [tilespmem:s4], [sflag:$0x1], $0x1, s3, s2, $0xb8;
	[tilespmem:$0xFE00] =	vst v63  }
0x5c: {  	_ =	swait.ge [sflag:s31], $0x100  }
0x5d: {  	[sflag:s31] =	ssyncset.done $0x0  }
0x5e: {  	s8 =	rddreg [dreg:$0x7];
	[sflag:s31] =	ssyncadd.s32 $0xFFFFFF00  }
0x5f: {  	[tilespmem:s22], [sflag:$0x1] =	stream.linear.gather [hbm4b:s8+s1], $0x100, $0x38;
	[tilespmem:$0xFE00] =	vst v63  }
0x60: {  	_ =	swait.ge [sflag:s31], $0x100  }
0x61: {  	[sflag:s31] =	ssyncset.done $0x0  }
0x62: {  	s8 =	rddreg [dreg:$0x8];
	[sflag:s31] =	ssyncadd.s32 $0xFFFFFF00  }
0x63: {  	[tilespmem:s0], [sflag:$0x1] =	stream.linear.gather [hbm4b:s8+s1], $0x100, $0x38;
	[tilespmem:$0xFE00] =	vst v63  }
0x64: {  	_ =	swait.ge [sflag:s31], $0x100  }
0x65: {  	[sflag:s31] =	ssyncset.done $0x0  }
0x66: {  	[sflag:s31] =	ssyncadd.s32 $0xFFFFFF00  }
0x67: {  	v17 =	vld [tilespmem:$0x7D00]  }
0x68: {  	v18 =	vld [tilespmem:$0x7D10]  }
0x69: {  	v19 =	vld [tilespmem:$0x7D20]  }
0x6a: {  	v41 =	vld [tilespmem:$0x7D30]  }
0x6b: {  	v42 =	vld [tilespmem:$0x7D40]  }
0x6c: {  	v43 =	vld [tilespmem:$0x7D50];
	v17 =	vadd.s32 v17, v0  }
0x6d: {  	[tilespmem:$0x7F00] =	vst v17;
	v17 =	vadd.s32 v18, v1;
	v18 =	vld [tilespmem:$0x7D60]  }
0x6e: {  	[tilespmem:$0x7F10] =	vst v17;
	v17 =	vadd.s32 v19, v2;
	v19 =	vld [tilespmem:$0x7D70]  }
0x6f: {  	v44 =	vld [tilespmem:$0x7D80];
	[tilespmem:$0x7F20] =	vst v17;
	v17 =	vadd.s32 v41, v3  }
0x70: {  	v45 =	vld [tilespmem:$0x7D90];
	[tilespmem:$0x7F30] =	vst v17;
	v17 =	vadd.s32 v42, v4  }
0x71: {  	v46 =	vld [tilespmem:$0x7DA0];
	[tilespmem:$0x7F40] =	vst v17;
	v17 =	vadd.s32 v43, v5  }
0x72: {  	[tilespmem:$0x7F50] =	vst v17;
	v17 =	vadd.s32 v18, v6;
	v18 =	vld [tilespmem:$0x7DB0]  }
0x73: {  	[tilespmem:$0x7F60] =	vst v17;
	v17 =	vadd.s32 v19, v7;
	v19 =	vld [tilespmem:$0x7DC0]  }
0x74: {  	v47 =	vld [tilespmem:$0x7DD0];
	[tilespmem:$0x7F70] =	vst v17;
	v17 =	vadd.s32 v44, v8  }
0x75: {  	v48 =	vld [tilespmem:$0x7DE0];
	[tilespmem:$0x7F80] =	vst v17;
	v17 =	vadd.s32 v45, v9  }
0x76: {  	v49 =	vld [tilespmem:$0x7DF0];
	[tilespmem:$0x7F90] =	vst v17;
	v17 =	vadd.s32 v46, v10  }
0x77: {  	[tilespmem:$0x7FA0] =	vst v17;
	v17 =	vadd.s32 v18, v11  }
0x78: {  	[tilespmem:$0x7FB0] =	vst v17;
	v17 =	vadd.s32 v19, v12  }
0x79: {  	[tilespmem:$0x7FC0] =	vst v17;
	v17 =	vadd.s32 v47, v13  }
0x7a: {  	[tilespmem:$0x7FD0] =	vst v17;
	v17 =	vadd.s32 v48, v14  }
0x7b: {  	[tilespmem:$0x7FE0] =	vst v17;
	v17 =	vadd.s32 v49, v15  }
0x7c: {  	[tilespmem:$0x7FF0] =	vst v17  }
0x7d: {  	[spmem:s23] =	stream.indirect.scatter [tilespmem:s0], [sflag:$0x1], $0x1, s3, s2, $0xb8;
	[tilespmem:$0xFE00] =	vst v63  }
0x7e: {  	_ =	swait.ge [sflag:s31], $0x100  }
0x7f: {  	[sflag:s31] =	ssyncset.done $0x0  }
0x80: {  	s8 =	rddreg [dreg:$0x9];
	[sflag:s31] =	ssyncadd.s32 $0xFFFFFF00  }
0x81: {  	[hbm:s8], [sflag:s6] =	dma.local [spmem:s7], $0xFA0  }
0x82: {  	_ =	swait.ge [sflag:s31], $0xFA0  }
0x83: {  	[sflag:s31] =	ssyncset.done $0x0  }
0x84: {  	[sflag:s31] =	ssyncadd.s32 $0xFFFFF060  }
0x85: {  	[spmem:s23] =	stream.indirect.scatter [tilespmem:s4], [sflag:$0x1], $0x1, s3, s2, $0xb8;
	[tilespmem:$0xFE00] =	vst v63  }
0x86: {  	_ =	swait.ge [sflag:s31], $0x100  }
0x87: {  	[sflag:s31] =	ssyncset.done $0x0  }
0x88: {  	s8 =	rddreg [dreg:$0xa];
	[sflag:s31] =	ssyncadd.s32 $0xFFFFFF00  }
0x89: {  	[tilespmem:s22], [sflag:$0x1] =	stream.linear.gather [hbm4b:s8+s1], $0x100, $0x38;
	[tilespmem:$0xFE00] =	vst v63  }
0x8a: {  	_ =	swait.ge [sflag:s31], $0x100  }
0x8b: {  	[sflag:s31] =	ssyncset.done $0x0  }
0x8c: {  	s8 =	rddreg [dreg:$0xb];
	[sflag:s31] =	ssyncadd.s32 $0xFFFFFF00  }
0x8d: {  	[tilespmem:s0], [sflag:$0x1] =	stream.linear.gather [hbm4b:s8+s1], $0x100, $0x38;
	[tilespmem:$0xFE00] =	vst v63  }
0x8e: {  	_ =	swait.ge [sflag:s31], $0x100  }
0x8f: {  	[sflag:s31] =	ssyncset.done $0x0  }
0x90: {  	[sflag:s31] =	ssyncadd.s32 $0xFFFFFF00  }
0x91: {  	v17 =	vld [tilespmem:$0x7D00]  }
0x92: {  	v18 =	vld [tilespmem:$0x7D10]  }
0x93: {  	v19 =	vld [tilespmem:$0x7D20]  }
0x94: {  	v50 =	vld [tilespmem:$0x7D30]  }
0x95: {  	v51 =	vld [tilespmem:$0x7D40]  }
0x96: {  	v52 =	vld [tilespmem:$0x7D50];
	v17 =	vadd.s32 v17, v0  }
0x97: {  	[tilespmem:$0x7F00] =	vst v17;
	v17 =	vadd.s32 v18, v1;
	v18 =	vld [tilespmem:$0x7D60]  }
0x98: {  	[tilespmem:$0x7F10] =	vst v17;
	v17 =	vadd.s32 v19, v2;
	v19 =	vld [tilespmem:$0x7D70]  }
0x99: {  	v53 =	vld [tilespmem:$0x7D80];
	[tilespmem:$0x7F20] =	vst v17;
	v17 =	vadd.s32 v50, v3  }
0x9a: {  	v54 =	vld [tilespmem:$0x7D90];
	[tilespmem:$0x7F30] =	vst v17;
	v17 =	vadd.s32 v51, v4  }
0x9b: {  	v55 =	vld [tilespmem:$0x7DA0];
	[tilespmem:$0x7F40] =	vst v17;
	v17 =	vadd.s32 v52, v5  }
0x9c: {  	[tilespmem:$0x7F50] =	vst v17;
	v17 =	vadd.s32 v18, v6;
	v18 =	vld [tilespmem:$0x7DB0]  }
0x9d: {  	[tilespmem:$0x7F60] =	vst v17;
	v17 =	vadd.s32 v19, v7;
	v19 =	vld [tilespmem:$0x7DC0]  }
0x9e: {  	v56 =	vld [tilespmem:$0x7DD0];
	[tilespmem:$0x7F70] =	vst v17;
	v17 =	vadd.s32 v53, v8  }
0x9f: {  	v57 =	vld [tilespmem:$0x7DE0];
	[tilespmem:$0x7F80] =	vst v17;
	v17 =	vadd.s32 v54, v9  }
0xa0: {  	v58 =	vld [tilespmem:$0x7DF0];
	[tilespmem:$0x7F90] =	vst v17;
	v17 =	vadd.s32 v55, v10  }
0xa1: {  	[tilespmem:$0x7FA0] =	vst v17;
	v17 =	vadd.s32 v18, v11  }
0xa2: {  	[tilespmem:$0x7FB0] =	vst v17;
	v17 =	vadd.s32 v19, v12  }
0xa3: {  	[tilespmem:$0x7FC0] =	vst v17;
	v17 =	vadd.s32 v56, v13  }
0xa4: {  	[tilespmem:$0x7FD0] =	vst v17;
	v17 =	vadd.s32 v57, v14  }
0xa5: {  	[tilespmem:$0x7FE0] =	vst v17;
	v17 =	vadd.s32 v58, v15  }
0xa6: {  	[tilespmem:$0x7FF0] =	vst v17  }
0xa7: {  	[spmem:s23] =	stream.indirect.scatter [tilespmem:s0], [sflag:$0x1], $0x1, s3, s2, $0xb8;
	[tilespmem:$0xFE00] =	vst v63  }
0xa8: {  	_ =	swait.ge [sflag:s31], $0x100  }
0xa9: {  	[sflag:s31] =	ssyncset.done $0x0  }
0xaa: {  	[sflag:s31] =	ssyncadd.s32 $0xFFFFFF00  }
0xab: {  	[hbm:s9], [sflag:s6] =	dma.local [spmem:s7], $0xFA0  }
0xac: {  	_ =	swait.ge [sflag:s31], $0xFA0  }
0xad: {  	[sflag:s31] =	ssyncset.done $0x0  }
0xae: {  	[sflag:s31] =	ssyncadd.s32 $0xFFFFF060  }
0xaf: {  	[spmem:s23] =	stream.indirect.scatter [tilespmem:s4], [sflag:$0x1], $0x1, s3, s2, $0xb8;
	[tilespmem:$0xFE00] =	vst v63  }
0xb0: {  	_ =	swait.ge [sflag:s31], $0x100  }
0xb1: {  	[sflag:s31] =	ssyncset.done $0x0  }
0xb2: {  	[sflag:s31] =	ssyncadd.s32 $0xFFFFFF00  }
0xb3: {  	[tilespmem:s22], [sflag:$0x1] =	stream.linear.gather [hbm4b:s10+s1], $0x100, $0x38;
	[tilespmem:$0xFE00] =	vst v63  }
0xb4: {  	_ =	swait.ge [sflag:s31], $0x100  }
0xb5: {  	[sflag:s31] =	ssyncset.done $0x0  }
0xb6: {  	[sflag:s31] =	ssyncadd.s32 $0xFFFFFF00  }
0xb7: {  	[tilespmem:s0], [sflag:$0x1] =	stream.linear.gather [hbm4b:s11+s1], $0x100, $0x38;
	[tilespmem:$0xFE00] =	vst v63  }
0xb8: {  	_ =	swait.ge [sflag:s31], $0x100  }
0xb9: {  	[sflag:s31] =	ssyncset.done $0x0  }
0xba: {  	[sflag:s31] =	ssyncadd.s32 $0xFFFFFF00  }
0xbb: {  	v17 =	vld [tilespmem:$0x7D00]  }
0xbc: {  	v18 =	vld [tilespmem:$0x7D10]  }
0xbd: {  	v19 =	vld [tilespmem:$0x7D20]  }
0xbe: {  	v59 =	vld [tilespmem:$0x7D30]  }
0xbf: {  	v60 =	vld [tilespmem:$0x7D40]  }
0xc0: {  	v61 =	vld [tilespmem:$0x7D50];
	v17 =	vadd.s32 v17, v0  }
0xc1: {  	[tilespmem:$0x7F00] =	vst v17;
	v17 =	vadd.s32 v18, v1;
	v18 =	vld [tilespmem:$0x7D60]  }
0xc2: {  	[tilespmem:$0x7F10] =	vst v17;
	v17 =	vadd.s32 v19, v2;
	v19 =	vld [tilespmem:$0x7D70]  }
0xc3: {  	v62 =	vld [tilespmem:$0x7D80];
	[tilespmem:$0x7F20] =	vst v17;
	v17 =	vadd.s32 v59, v3  }
0xc4: {  	v63 =	vld [tilespmem:$0x7D90];
	[tilespmem:$0x7F30] =	vst v17;
	v17 =	vadd.s32 v60, v4  }
0xc5: {  	v24 =	vld [tilespmem:$0x7DA0];
	[tilespmem:$0x7F40] =	vst v17;
	v17 =	vadd.s32 v61, v5  }
0xc6: {  	[tilespmem:$0x7F50] =	vst v17;
	v17 =	vadd.s32 v18, v6;
	v18 =	vld [tilespmem:$0x7DB0]  }
0xc7: {  	[tilespmem:$0x7F60] =	vst v17;
	v17 =	vadd.s32 v19, v7;
	v19 =	vld [tilespmem:$0x7DC0]  }
0xc8: {  	v25 =	vld [tilespmem:$0x7DD0];
	[tilespmem:$0x7F70] =	vst v17;
	v17 =	vadd.s32 v62, v8  }
0xc9: {  	v26 =	vld [tilespmem:$0x7DE0];
	[tilespmem:$0x7F80] =	vst v17;
	v17 =	vadd.s32 v63, v9  }
0xca: {  	v27 =	vld [tilespmem:$0x7DF0];
	[tilespmem:$0x7F90] =	vst v17;
	v17 =	vadd.s32 v24, v10  }
0xcb: {  	[tilespmem:$0x7FA0] =	vst v17;
	v17 =	vadd.s32 v18, v11  }
0xcc: {  	[tilespmem:$0x7FB0] =	vst v17;
	v17 =	vadd.s32 v19, v12  }
0xcd: {  	[tilespmem:$0x7FC0] =	vst v17;
	v17 =	vadd.s32 v25, v13  }
0xce: {  	[tilespmem:$0x7FD0] =	vst v17;
	v17 =	vadd.s32 v26, v14  }
0xcf: {  	[tilespmem:$0x7FE0] =	vst v17;
	v17 =	vadd.s32 v27, v15  }
0xd0: {  	[tilespmem:$0x7FF0] =	vst v17  }
0xd1: {  	[spmem:s23] =	stream.indirect.scatter [tilespmem:s0], [sflag:$0x1], $0x1, s3, s2, $0xb8;
	[tilespmem:$0xFE00] =	vst v63  }
0xd2: {  	_ =	swait.ge [sflag:s31], $0x100  }
0xd3: {  	[sflag:s31] =	ssyncset.done $0x0  }
0xd4: {  	[sflag:s31] =	ssyncadd.s32 $0xFFFFFF00  }
0xd5: {  	[hbm:s12], [sflag:s6] =	dma.local [spmem:s7], $0xFA0  }
0xd6: {  	_ =	swait.ge [sflag:s31], $0xFA0  }
0xd7: {  	[sflag:s31] =	ssyncset.done $0x0  }
0xd8: {  	[sflag:s31] =	ssyncadd.s32 $0xFFFFF060  }
0xd9: {  	[spmem:s23] =	stream.indirect.scatter [tilespmem:s4], [sflag:$0x1], $0x1, s3, s2, $0xb8;
	[tilespmem:$0xFE00] =	vst v63  }
0xda: {  	_ =	swait.ge [sflag:s31], $0x100  }
0xdb: {  	[sflag:s31] =	ssyncset.done $0x0  }
0xdc: {  	[sflag:s31] =	ssyncadd.s32 $0xFFFFFF00  }
0xdd: {  	[tilespmem:s22], [sflag:$0x1] =	stream.linear.gather [hbm4b:s13+s1], $0x100, $0x38;
	[tilespmem:$0xFE00] =	vst v63  }
0xde: {  	_ =	swait.ge [sflag:s31], $0x100  }
0xdf: {  	[sflag:s31] =	ssyncset.done $0x0  }
0xe0: {  	[sflag:s31] =	ssyncadd.s32 $0xFFFFFF00  }
0xe1: {  	[tilespmem:s0], [sflag:$0x1] =	stream.linear.gather [hbm4b:s14+s1], $0x100, $0x38;
	[tilespmem:$0xFE00] =	vst v63  }
0xe2: {  	_ =	swait.ge [sflag:s31], $0x100  }
0xe3: {  	[sflag:s31] =	ssyncset.done $0x0  }
0xe4: {  	[sflag:s31] =	ssyncadd.s32 $0xFFFFFF00  }
0xe5: {  	v17 =	vld [tilespmem:$0x7D00]  }
0xe6: {  	v18 =	vld [tilespmem:$0x7D10]  }
0xe7: {  	v19 =	vld [tilespmem:$0x7D20]  }
0xe8: {  	v28 =	vld [tilespmem:$0x7D30]  }
0xe9: {  	v29 =	vld [tilespmem:$0x7D40]  }
0xea: {  	v30 =	vld [tilespmem:$0x7D50];
	v17 =	vadd.s32 v17, v0  }
0xeb: {  	[tilespmem:$0x7F00] =	vst v17;
	v17 =	vadd.s32 v18, v1;
	v18 =	vld [tilespmem:$0x7D60]  }
0xec: {  	[tilespmem:$0x7F10] =	vst v17;
	v17 =	vadd.s32 v19, v2;
	v19 =	vld [tilespmem:$0x7D70]  }
0xed: {  	v31 =	vld [tilespmem:$0x7D80];
	[tilespmem:$0x7F20] =	vst v17;
	v17 =	vadd.s32 v28, v3  }
0xee: {  	v32 =	vld [tilespmem:$0x7D90];
	[tilespmem:$0x7F30] =	vst v17;
	v17 =	vadd.s32 v29, v4  }
0xef: {  	v33 =	vld [tilespmem:$0x7DA0];
	[tilespmem:$0x7F40] =	vst v17;
	v17 =	vadd.s32 v30, v5  }
0xf0: {  	[tilespmem:$0x7F50] =	vst v17;
	v17 =	vadd.s32 v18, v6;
	v18 =	vld [tilespmem:$0x7DB0]  }
0xf1: {  	[tilespmem:$0x7F60] =	vst v17;
	v17 =	vadd.s32 v19, v7;
	v19 =	vld [tilespmem:$0x7DC0]  }
0xf2: {  	v34 =	vld [tilespmem:$0x7DD0];
	[tilespmem:$0x7F70] =	vst v17;
	v17 =	vadd.s32 v31, v8  }
0xf3: {  	v35 =	vld [tilespmem:$0x7DE0];
	[tilespmem:$0x7F80] =	vst v17;
	v17 =	vadd.s32 v32, v9  }
0xf4: {  	v36 =	vld [tilespmem:$0x7DF0];
	[tilespmem:$0x7F90] =	vst v17;
	v17 =	vadd.s32 v33, v10  }
0xf5: {  	[tilespmem:$0x7FA0] =	vst v17;
	v17 =	vadd.s32 v18, v11  }
0xf6: {  	[tilespmem:$0x7FB0] =	vst v17;
	v17 =	vadd.s32 v19, v12  }
0xf7: {  	[tilespmem:$0x7FC0] =	vst v17;
	v17 =	vadd.s32 v34, v13  }
0xf8: {  	[tilespmem:$0x7FD0] =	vst v17;
	v17 =	vadd.s32 v35, v14  }
0xf9: {  	[tilespmem:$0x7FE0] =	vst v17;
	v17 =	vadd.s32 v36, v15  }
0xfa: {  	[tilespmem:$0x7FF0] =	vst v17  }
0xfb: {  	[spmem:s23] =	stream.indirect.scatter [tilespmem:s0], [sflag:$0x1], $0x1, s3, s2, $0xb8;
	[tilespmem:$0xFE00] =	vst v63  }
0xfc: {  	_ =	swait.ge [sflag:s31], $0x100  }
0xfd: {  	[sflag:s31] =	ssyncset.done $0x0  }
0xfe: {  	[sflag:s31] =	ssyncadd.s32 $0xFFFFFF00  }
0xff: {  	[hbm:s24], [sflag:s6] =	dma.local [spmem:s7], $0xFA0  }
0x100: {  	_ =	swait.ge [sflag:s31], $0xFA0  }
0x101: {  	[sflag:s31] =	ssyncset.done $0x0  }
0x102: {  	[sflag:s31] =	ssyncadd.s32 $0xFFFFF060  }
0x103: {  	[spmem:s23] =	stream.indirect.scatter [tilespmem:s4], [sflag:$0x1], $0x1, s3, s2, $0xb8;
	[tilespmem:$0xFE00] =	vst v63  }
0x104: {  	_ =	swait.ge [sflag:s31], $0x100  }
0x105: {  	[sflag:s31] =	ssyncset.done $0x0  }
0x106: {  	[sflag:s31] =	ssyncadd.s32 $0xFFFFFF00  }
0x107: {  	[tilespmem:s22], [sflag:$0x1] =	stream.linear.gather [hbm4b:s15+s1], $0x100, $0x38;
	[tilespmem:$0xFE00] =	vst v63  }
0x108: {  	_ =	swait.ge [sflag:s31], $0x100  }
0x109: {  	[sflag:s31] =	ssyncset.done $0x0  }
0x10a: {  	[sflag:s31] =	ssyncadd.s32 $0xFFFFFF00  }
0x10b: {  	[tilespmem:s0], [sflag:$0x1] =	stream.linear.gather [hbm4b:s16+s1], $0x100, $0x38;
	[tilespmem:$0xFE00] =	vst v63  }
0x10c: {  	_ =	swait.ge [sflag:s31], $0x100  }
0x10d: {  	[sflag:s31] =	ssyncset.done $0x0  }
0x10e: {  	[sflag:s31] =	ssyncadd.s32 $0xFFFFFF00  }
0x10f: {  	v17 =	vld [tilespmem:$0x7D00]  }
0x110: {  	v18 =	vld [tilespmem:$0x7D10]  }
0x111: {  	v19 =	vld [tilespmem:$0x7D20]  }
0x112: {  	v37 =	vld [tilespmem:$0x7D30]  }
0x113: {  	v38 =	vld [tilespmem:$0x7D40]  }
0x114: {  	v39 =	vld [tilespmem:$0x7D50];
	v17 =	vadd.s32 v17, v0  }
0x115: {  	[tilespmem:$0x7F00] =	vst v17;
	v17 =	vadd.s32 v18, v1;
	v18 =	vld [tilespmem:$0x7D60]  }
0x116: {  	[tilespmem:$0x7F10] =	vst v17;
	v17 =	vadd.s32 v19, v2;
	v19 =	vld [tilespmem:$0x7D70]  }
0x117: {  	v40 =	vld [tilespmem:$0x7D80];
	[tilespmem:$0x7F20] =	vst v17;
	v17 =	vadd.s32 v37, v3  }
0x118: {  	v41 =	vld [tilespmem:$0x7D90];
	[tilespmem:$0x7F30] =	vst v17;
	v17 =	vadd.s32 v38, v4  }
0x119: {  	v42 =	vld [tilespmem:$0x7DA0];
	[tilespmem:$0x7F40] =	vst v17;
	v17 =	vadd.s32 v39, v5  }
0x11a: {  	[tilespmem:$0x7F50] =	vst v17;
	v17 =	vadd.s32 v18, v6;
	v18 =	vld [tilespmem:$0x7DB0]  }
0x11b: {  	[tilespmem:$0x7F60] =	vst v17;
	v17 =	vadd.s32 v19, v7;
	v19 =	vld [tilespmem:$0x7DC0]  }
0x11c: {  	v43 =	vld [tilespmem:$0x7DD0];
	[tilespmem:$0x7F70] =	vst v17;
	v17 =	vadd.s32 v40, v8  }
0x11d: {  	v44 =	vld [tilespmem:$0x7DE0];
	[tilespmem:$0x7F80] =	vst v17;
	v17 =	vadd.s32 v41, v9  }
0x11e: {  	v45 =	vld [tilespmem:$0x7DF0];
	[tilespmem:$0x7F90] =	vst v17;
	v17 =	vadd.s32 v42, v10  }
0x11f: {  	[tilespmem:$0x7FA0] =	vst v17;
	v17 =	vadd.s32 v18, v11  }
0x120: {  	[tilespmem:$0x7FB0] =	vst v17;
	v17 =	vadd.s32 v19, v12  }
0x121: {  	[tilespmem:$0x7FC0] =	vst v17;
	v17 =	vadd.s32 v43, v13  }
0x122: {  	[tilespmem:$0x7FD0] =	vst v17;
	v17 =	vadd.s32 v44, v14  }
0x123: {  	[tilespmem:$0x7FE0] =	vst v17;
	v17 =	vadd.s32 v45, v15  }
0x124: {  	[tilespmem:$0x7FF0] =	vst v17  }
0x125: {  	[spmem:s23] =	stream.indirect.scatter [tilespmem:s0], [sflag:$0x1], $0x1, s3, s2, $0xb8;
	[tilespmem:$0xFE00] =	vst v63  }
0x126: {  	_ =	swait.ge [sflag:s31], $0x100  }
0x127: {  	[sflag:s31] =	ssyncset.done $0x0  }
0x128: {  	[sflag:s31] =	ssyncadd.s32 $0xFFFFFF00  }
0x129: {  	[hbm:s25], [sflag:s6] =	dma.local [spmem:s7], $0xFA0  }
0x12a: {  	_ =	swait.ge [sflag:s31], $0xFA0  }
0x12b: {  	[sflag:s31] =	ssyncset.done $0x0  }
0x12c: {  	[sflag:s31] =	ssyncadd.s32 $0xFFFFF060  }
0x12d: {  	[spmem:s23] =	stream.indirect.scatter [tilespmem:s4], [sflag:$0x1], $0x1, s3, s2, $0xb8;
	[tilespmem:$0xFE00] =	vst v63  }
0x12e: {  	_ =	swait.ge [sflag:s31], $0x100  }
0x12f: {  	[sflag:s31] =	ssyncset.done $0x0  }
0x130: {  	[sflag:s31] =	ssyncadd.s32 $0xFFFFFF00  }
0x131: {  	[tilespmem:s22], [sflag:$0x1] =	stream.linear.gather [hbm4b:s18+s1], $0x100, $0x38;
	[tilespmem:$0xFE00] =	vst v63  }
0x132: {  	_ =	swait.ge [sflag:s31], $0x100  }
0x133: {  	[sflag:s31] =	ssyncset.done $0x0  }
0x134: {  	[sflag:s31] =	ssyncadd.s32 $0xFFFFFF00  }
0x135: {  	[tilespmem:s0], [sflag:$0x1] =	stream.linear.gather [hbm4b:s19+s1], $0x100, $0x38;
	[tilespmem:$0xFE00] =	vst v63  }
0x136: {  	_ =	swait.ge [sflag:s31], $0x100  }
0x137: {  	[sflag:s31] =	ssyncset.done $0x0  }
0x138: {  	[sflag:s31] =	ssyncadd.s32 $0xFFFFFF00  }
0x139: {  	v17 =	vld [tilespmem:$0x7D00]  }
0x13a: {  	v18 =	vld [tilespmem:$0x7D10]  }
0x13b: {  	v19 =	vld [tilespmem:$0x7D20]  }
0x13c: {  	v46 =	vld [tilespmem:$0x7D30]  }
0x13d: {  	v47 =	vld [tilespmem:$0x7D40]  }
0x13e: {  	v48 =	vld [tilespmem:$0x7D50];
	v17 =	vadd.s32 v17, v0  }
0x13f: {  	[tilespmem:$0x7F00] =	vst v17;
	v17 =	vadd.s32 v18, v1;
	v18 =	vld [tilespmem:$0x7D60]  }
0x140: {  	[tilespmem:$0x7F10] =	vst v17;
	v17 =	vadd.s32 v19, v2;
	v19 =	vld [tilespmem:$0x7D70]  }
0x141: {  	v49 =	vld [tilespmem:$0x7D80];
	[tilespmem:$0x7F20] =	vst v17;
	v17 =	vadd.s32 v46, v3  }
0x142: {  	v50 =	vld [tilespmem:$0x7D90];
	[tilespmem:$0x7F30] =	vst v17;
	v17 =	vadd.s32 v47, v4  }
0x143: {  	v51 =	vld [tilespmem:$0x7DA0];
	[tilespmem:$0x7F40] =	vst v17;
	v17 =	vadd.s32 v48, v5  }
0x144: {  	[tilespmem:$0x7F50] =	vst v17;
	v17 =	vadd.s32 v18, v6;
	v18 =	vld [tilespmem:$0x7DB0]  }
0x145: {  	[tilespmem:$0x7F60] =	vst v17;
	v17 =	vadd.s32 v19, v7;
	v19 =	vld [tilespmem:$0x7DC0]  }
0x146: {  	v52 =	vld [tilespmem:$0x7DD0];
	[tilespmem:$0x7F70] =	vst v17;
	v17 =	vadd.s32 v49, v8  }
0x147: {  	v53 =	vld [tilespmem:$0x7DE0];
	[tilespmem:$0x7F80] =	vst v17;
	v17 =	vadd.s32 v50, v9  }
0x148: {  	v54 =	vld [tilespmem:$0x7DF0];
	[tilespmem:$0x7F90] =	vst v17;
	v17 =	vadd.s32 v51, v10  }
0x149: {  	[tilespmem:$0x7FA0] =	vst v17;
	v17 =	vadd.s32 v18, v11  }
0x14a: {  	[tilespmem:$0x7FB0] =	vst v17;
	v17 =	vadd.s32 v19, v12  }
0x14b: {  	[tilespmem:$0x7FC0] =	vst v17;
	v17 =	vadd.s32 v52, v13  }
0x14c: {  	[tilespmem:$0x7FD0] =	vst v17;
	v17 =	vadd.s32 v53, v14  }
0x14d: {  	[tilespmem:$0x7FE0] =	vst v17;
	v17 =	vadd.s32 v54, v15  }
0x14e: {  	[tilespmem:$0x7FF0] =	vst v17  }
0x14f: {  	[spmem:s23] =	stream.indirect.scatter [tilespmem:s0], [sflag:$0x1], $0x1, s3, s2, $0xb8;
	[tilespmem:$0xFE00] =	vst v63  }
0x150: {  	_ =	swait.ge [sflag:s31], $0x100  }
0x151: {  	[sflag:s31] =	ssyncset.done $0x0  }
0x152: {  	[sflag:s31] =	ssyncadd.s32 $0xFFFFFF00  }
0x153: {  	[hbm:s26], [sflag:s6] =	dma.local [spmem:s7], $0xFA0  }
0x154: {  	_ =	swait.ge [sflag:s31], $0xFA0  }
0x155: {  	[sflag:s31] =	ssyncset.done $0x0  }
0x156: {  	[sflag:s31] =	ssyncadd.s32 $0xFFFFF060  }
0x157: {  	[spmem:s23] =	stream.indirect.scatter [tilespmem:s4], [sflag:$0x1], $0x1, s3, s2, $0xb8;
	[tilespmem:$0xFE00] =	vst v63  }
0x158: {  	_ =	swait.ge [sflag:s31], $0x100  }
0x159: {  	[sflag:s31] =	ssyncset.done $0x0  }
0x15a: {  	[sflag:s31] =	ssyncadd.s32 $0xFFFFFF00  }
0x15b: {  	[tilespmem:s22], [sflag:$0x1] =	stream.linear.gather [hbm4b:s20+s1], $0x100, $0x38;
	[tilespmem:$0xFE00] =	vst v63  }
0x15c: {  	_ =	swait.ge [sflag:s31], $0x100  }
0x15d: {  	[sflag:s31] =	ssyncset.done $0x0  }
0x15e: {  	[sflag:s31] =	ssyncadd.s32 $0xFFFFFF00  }
0x15f: {  	[tilespmem:s0], [sflag:$0x1] =	stream.linear.gather [hbm4b:s21+s1], $0x100, $0x38;
	[tilespmem:$0xFE00] =	vst v63  }
0x160: {  	_ =	swait.ge [sflag:s31], $0x100  }
0x161: {  	[sflag:s31] =	ssyncset.done $0x0  }
0x162: {  	[sflag:s31] =	ssyncadd.s32 $0xFFFFFF00  }
0x163: {  	v17 =	vld [tilespmem:$0x7D00]  }
0x164: {  	v18 =	vld [tilespmem:$0x7D10]  }
0x165: {  	v19 =	vld [tilespmem:$0x7D20]  }
0x166: {  	v55 =	vld [tilespmem:$0x7D30]  }
0x167: {  	v56 =	vld [tilespmem:$0x7D40]  }
0x168: {  	v57 =	vld [tilespmem:$0x7D50];
	v17 =	vadd.s32 v17, v0  }
0x169: {  	[tilespmem:$0x7F00] =	vst v17;
	v17 =	vadd.s32 v18, v1;
	v18 =	vld [tilespmem:$0x7D60]  }
0x16a: {  	[tilespmem:$0x7F10] =	vst v17;
	v17 =	vadd.s32 v19, v2;
	v19 =	vld [tilespmem:$0x7D70]  }
0x16b: {  	v58 =	vld [tilespmem:$0x7D80];
	[tilespmem:$0x7F20] =	vst v17;
	v17 =	vadd.s32 v55, v3  }
0x16c: {  	v59 =	vld [tilespmem:$0x7D90];
	[tilespmem:$0x7F30] =	vst v17;
	v17 =	vadd.s32 v56, v4  }
0x16d: {  	v60 =	vld [tilespmem:$0x7DA0];
	[tilespmem:$0x7F40] =	vst v17;
	v17 =	vadd.s32 v57, v5  }
0x16e: {  	[tilespmem:$0x7F50] =	vst v17;
	v17 =	vadd.s32 v18, v6;
	v18 =	vld [tilespmem:$0x7DB0]  }
0x16f: {  	[tilespmem:$0x7F60] =	vst v17;
	v17 =	vadd.s32 v19, v7;
	v19 =	vld [tilespmem:$0x7DC0]  }
0x170: {  	v61 =	vld [tilespmem:$0x7DD0];
	[tilespmem:$0x7F70] =	vst v17;
	v17 =	vadd.s32 v58, v8  }
0x171: {  	v62 =	vld [tilespmem:$0x7DE0];
	[tilespmem:$0x7F80] =	vst v17;
	v17 =	vadd.s32 v59, v9  }
0x172: {  	v63 =	vld [tilespmem:$0x7DF0];
	[tilespmem:$0x7F90] =	vst v17;
	v17 =	vadd.s32 v60, v10  }
0x173: {  	[tilespmem:$0x7FA0] =	vst v17;
	v17 =	vadd.s32 v18, v11  }
0x174: {  	[tilespmem:$0x7FB0] =	vst v17;
	v17 =	vadd.s32 v19, v12  }
0x175: {  	[tilespmem:$0x7FC0] =	vst v17;
	v17 =	vadd.s32 v61, v13  }
0x176: {  	[tilespmem:$0x7FD0] =	vst v17;
	v17 =	vadd.s32 v62, v14  }
0x177: {  	[tilespmem:$0x7FE0] =	vst v17;
	v17 =	vadd.s32 v63, v15  }
0x178: {  	[tilespmem:$0x7FF0] =	vst v17  }
0x179: {  	[spmem:s23] =	stream.indirect.scatter [tilespmem:s0], [sflag:$0x1], $0x1, s3, s2, $0xb8;
	[tilespmem:$0xFE00] =	vst v63  }
0x17a: {  	_ =	swait.ge [sflag:s31], $0x100  }
0x17b: {  	[sflag:s31] =	ssyncset.done $0x0  }
0x17c: {  	[sflag:s31] =	ssyncadd.s32 $0xFFFFFF00  }
0x17d: {  	[hbm:s28], [sflag:s6] =	dma.local [spmem:s7], $0xFA0  }
0x17e: {  	s5 =	sadd.s32 $0x1, s5;
	_ =	swait.ge [sflag:s31], $0xFA0  }
0x17f: {  	p0 =	sne.s32 s5, s29;
	[sflag:s31] =	ssyncset.done $0x0  }
.Ltmp1:
0x180: {  	[sflag:s31] =	ssyncadd.s32 $0xFFFFF060;
	(pc) =	sbr.rel @p0 .LBB2_1-.Ltmp1, $4  }
0x181: {  	[spmem:s23] =	stream.indirect.scatter [tilespmem:s4], [sflag:$0x1], $0x1, s3, s2, $0xb8;
	[tilespmem:$0xFE00] =	vst v63  }
0x182: {  	_ =	swait.ge [sflag:s31], $0x100  }
0x183: {  	[sflag:s31] =	ssyncset.done $0x0  }
0x184: {  	[sflag:s31] =	ssyncadd.s32 $0xFFFFFF00  }
0x185: {  	_ =	sfence.sel $0x180000  }
0x186: {  	[bflag:$0x0] =	sbarrier.arrive $0xFFFF  }
0x187: {  	_ =	strace $0x90000047  }
0x188: {  	s0 =	stileid.u32;
	[bflag:$0x2] =	sbarrier.arrive $0xFFFF  }
0x189: {  	p0 =	sne.s32 s0, $0x0;
	s0 =	rddreg [dreg:$0x4]  }
0x18a: {  	s0 =	sadd.s32 @!p0 $0x100000, s0  }
0x18b: {  	[sflag:s0] =	ssyncadd.tile.s32 @!p0 $0x1;
	_ =	shalt  }
.Lfunc_end2:
_tile_overlayer_lowered:
.L_overlay_start_2:
0x18c: {  	(tag) =	ssettag $0x2  }
0x18d: {  	s0 =	rddreg [dreg:$0x0];
	s2 =	stileid.u32  }
0x18e: {  	s1 =	rddreg [dreg:$0x1];
	p0 =	sne.s32 s2, $0x0  }
0x18f: {  	s3 =	rddreg [dreg:$0x2];
	[bflag:$0x3] =	sbarrier.arrive $0xFFFF;
	s2 =	simm.s32 @!p0 $0x1C01  }
0x190: {  	[timem:s3], [sflag:s2] =	dma.local @!p0 [hbm:s0], s1  }
0x191: {  	s0 =	simm.s32 @!p0 $0x1  }
0x192: {  	_ =	swait.ge @!p0 [sflag:s0], s1  }
0x193: {  	s1 =	ssub.s32 @!p0 $0x0, s1;
	[sflag:s0] =	ssyncset.done @!p0 $0x0  }
0x194: {  	[sflag:s0] =	ssyncadd.s32 @!p0 s1  }
0x195: {  	[bflag:$0x3] =	sbarrier.arrive $0xFFFF  }
0x196: {  	_ =	shalt  }

</sc_bundles>
